<compile_context>
chip_gen: v7x
topology: tpu7x:2x2x1
jax: 0.10.2.dev20260603
libtpu: 0.0.44.dev20260713+nightly
codegen_flags: <defaults>
</compile_context>

<pallas_src>
import functools

import jax
import jax.numpy as jnp
from jax import lax
from jax.experimental import pallas as pl
from jax.experimental.pallas import tpu as pltpu
from jax.experimental.pallas import tpu_sc as plsc

_NUM_CORES = 2
_NUM_SUBCORES = 16
_NW = _NUM_CORES * _NUM_SUBCORES

_D = 1000
_DP = 1024
_DA = 896
_DT = _D - _DA


def _sc_gather(idx3, table_p, *, batch, seq, seq_a, seq_p):
    b_per_w = batch // _NW

    mesh = plsc.VectorSubcoreMesh(
        core_axis_name="c",
        subcore_axis_name="s",
        num_cores=_NUM_CORES,
        num_subcores=_NUM_SUBCORES,
    )

    @functools.partial(
        pl.kernel,
        out_type=jax.ShapeDtypeStruct((batch, seq, _D), jnp.float32),
        mesh=mesh,
        scratch_types=[
            pltpu.VMEM((b_per_w, seq), jnp.int32),
            pltpu.VMEM((2, seq, _DP), jnp.float32),
            pltpu.VMEM((seq_a, _DT), jnp.float32),
            [pltpu.VMEM((2, 128), jnp.float32) for _ in range(7)],
            pltpu.VMEM((2, _DT), jnp.float32),
            pltpu.SemaphoreType.DMA,
            pltpu.SemaphoreType.DMA,
        ],
    )
    def gather_kernel(
        table_hbm, idx_hbm, out_hbm, idx_v, buf, tail, t2, t2t, gsem, ssem
    ):
        wid = lax.axis_index("s") * _NUM_CORES + lax.axis_index("c")
        base = wid * b_per_w
        pltpu.sync_copy(idx_hbm.at[wid], idx_v)

        def drain_writebacks(s):
            pltpu.make_async_copy(
                buf.at[s].at[pl.ds(0, seq_a), pl.ds(0, _DA)],
                out_hbm.at[0].at[pl.ds(0, seq_a), pl.ds(0, _DA)],
                ssem,
            ).wait()
            pltpu.make_async_copy(
                tail,
                out_hbm.at[0].at[pl.ds(0, seq_a), pl.ds(_DA, _DT)],
                ssem,
            ).wait()
            for k in range(7):
                pltpu.make_async_copy(
                    t2[k],
                    out_hbm.at[0].at[pl.ds(seq_a, seq - seq_a), pl.ds(k * 128, 128)],
                    ssem,
                ).wait()
            pltpu.make_async_copy(
                t2t,
                out_hbm.at[0].at[pl.ds(seq_a, seq - seq_a), pl.ds(_DA, _DT)],
                ssem,
            ).wait()

        pltpu.make_async_copy(table_hbm.at[idx_v.at[0]], buf.at[0], gsem).start()

        @pl.loop(0, b_per_w)
        def _(g):
            slot = lax.rem(g, 2)
            nslot = lax.rem(g + 1, 2)

            @pl.when(g >= 1)
            def _():
                drain_writebacks(nslot)

            @pl.when(g + 1 < b_per_w)
            def _():
                pltpu.make_async_copy(
                    table_hbm.at[idx_v.at[g + 1]], buf.at[nslot], gsem
                ).start()

            pltpu.make_async_copy(
                table_hbm.at[idx_v.at[g]], buf.at[slot], gsem
            ).wait()

            @pl.loop(0, seq_a)
            def _(r):
                @pl.loop(0, 6, unroll=6)
                def _(k):
                    tail[r, pl.ds(k * 16, 16)] = buf[
                        slot, r, pl.ds(_DA + k * 16, 16)
                    ]

                tail[r, pl.ds(_DT - 16, 16)] = buf[
                    slot, r, pl.ds(_DA + _DT - 16, 16)
                ]

            b = base + g
            pltpu.make_async_copy(
                buf.at[slot].at[pl.ds(0, seq_a), pl.ds(0, _DA)],
                out_hbm.at[b].at[pl.ds(0, seq_a), pl.ds(0, _DA)],
                ssem,
            ).start()
            pltpu.make_async_copy(
                tail,
                out_hbm.at[b].at[pl.ds(0, seq_a), pl.ds(_DA, _DT)],
                ssem,
            ).start()
            for k in range(7):
                for j in range(2):
                    for m in range(8):
                        t2[k][j, pl.ds(m * 16, 16)] = buf[
                            slot, seq_a + j, pl.ds(k * 128 + m * 16, 16)
                        ]
            for j in range(2):
                for m in range(6):
                    t2t[j, pl.ds(m * 16, 16)] = buf[
                        slot, seq_a + j, pl.ds(_DA + m * 16, 16)
                    ]
                t2t[j, pl.ds(_DT - 16, 16)] = buf[
                    slot, seq_a + j, pl.ds(_DA + _DT - 16, 16)
                ]
            for k in range(7):
                pltpu.make_async_copy(
                    t2[k],
                    out_hbm.at[b].at[pl.ds(seq_a, seq - seq_a), pl.ds(k * 128, 128)],
                    ssem,
                ).start()
            pltpu.make_async_copy(
                t2t,
                out_hbm.at[b].at[pl.ds(seq_a, seq - seq_a), pl.ds(_DA, _DT)],
                ssem,
            ).start()

        drain_writebacks(lax.rem(b_per_w - 1, 2))

    return gather_kernel(table_p, idx3)


@functools.partial(jax.jit, static_argnames=("batch", "seq"))
def _embedding_lookup(idx, table, *, batch, seq):
    b_per_w = batch // _NW
    seq_a = (seq // 8) * 8
    seq_p = seq_a + 8
    idx3 = idx.reshape(_NW, b_per_w, seq).astype(jnp.int32)
    table_p = jnp.pad(table, ((0, 0), (0, _DP - _D)))

    return _sc_gather(
        idx3, table_p, batch=batch, seq=seq, seq_a=seq_a, seq_p=seq_p
    )


def kernel(idx, token_embedding_table):
    B, T = idx.shape
    return _embedding_lookup(idx, token_embedding_table, batch=B, seq=T)

# --- scband reference (transcript-rebuilt; emitter-appended) ---
"""Pipeline reference for scband-bigram-language-model-3599182594487 (READ-ONLY COPY).

The authoritative reference and input builder live on the scoring server;
editing this copy changes nothing except your own understanding.
"""

import jax, jax.numpy as jnp
import numpy as np

VOCAB = 1000
B = 1024
T = 50

def setup_inputs(seed: int = 0) -> dict:
    key = jax.random.key(seed)
    k_idx, k_tab = jax.random.split(key)
    idx = jax.random.randint(k_idx, (B, T), 0, VOCAB, dtype=jnp.int64 if jax.config.jax_enable_x64 else jnp.int32)
    token_embedding_table = jax.random.normal(k_tab, (VOCAB, VOCAB), dtype=jnp.float32)
    return {"idx": idx, "token_embedding_table": token_embedding_table}

def reference(idx, token_embedding_table):
    # BigramLanguageModel.forward with targets=None:
    # logits = self.token_embedding_table(idx)  -> (B, T, vocab_size)
    logits = jnp.take(token_embedding_table, idx, axis=0)
    return logits

if __name__ == "__main__":
    import jax
    _d = setup_inputs()
    print(jax.jit(kernel)(*tuple(_d.values())))

</pallas_src>

<mosaic_0001>
#map = affine_map<(d0, d1) -> (0, 0)>
#map1 = affine_map<(d0, d1) -> (0, 0, 0)>
module attributes {stable_mosaic.version = 14 : i64} {
  func.func @gather_kernel(%arg0: i32, %arg1: i32, %arg2: memref<1000x1024xf32, #tpu.memory_space<hbm>>, %arg3: memref<32x32x50xi32, #tpu.memory_space<hbm>>, %arg4: memref<1024x50x1000xf32, #tpu.memory_space<hbm>>, %arg5: memref<32x50xi32, #tpu.memory_space<vmem>>, %arg6: memref<2x50x1024xf32, #tpu.memory_space<vmem>>, %arg7: memref<48x104xf32, #tpu.memory_space<vmem>>, %arg8: memref<2x128xf32, #tpu.memory_space<vmem>>, %arg9: memref<2x128xf32, #tpu.memory_space<vmem>>, %arg10: memref<2x128xf32, #tpu.memory_space<vmem>>, %arg11: memref<2x128xf32, #tpu.memory_space<vmem>>, %arg12: memref<2x128xf32, #tpu.memory_space<vmem>>, %arg13: memref<2x128xf32, #tpu.memory_space<vmem>>, %arg14: memref<2x128xf32, #tpu.memory_space<vmem>>, %arg15: memref<2x104xf32, #tpu.memory_space<vmem>>, %arg16: memref<!tpu.dma_semaphore, #tpu.memory_space<semaphore_mem>>, %arg17: memref<!tpu.dma_semaphore, #tpu.memory_space<semaphore_mem>>) attributes {dimension_semantics = [#tpu.dimension_semantics<core_parallel>, #tpu.dimension_semantics<subcore_parallel>], iteration_bounds = array<i64: 2, 16>, scalar_prefetch = 0 : i64, scratch_operands = 13 : i64, tpu.core_type = #tpu.core_type<sc_vector_subcore>, window_params = [{transform_indices = #map}, {transform_indices = #map1}, {transform_indices = #map1}]} {
    %mul3A = arith.constant 2 : i32
    %mul3A_0 = arith.muli %arg1, %mul3A : i32
    %add3A = arith.addi %mul3A_0, %arg0 : i32
    %mul3A_1 = arith.constant 32 : i32
    %mul3A_2 = arith.muli %add3A, %mul3A_1 : i32
    "tpu.region"() ({
      %run_scoped3A = tpu.sem_alloc : memref<!tpu.dma_semaphore, #tpu.memory_space<semaphore_mem>>
      %dma_start3A_183 = arith.constant 0 : i32
      %dma_start3A_184 = arith.constant 0 : i32
      %dma_start3A_185 = tpu.memref_slice %arg3[%add3A, %dma_start3A_183, %dma_start3A_184] : memref<32x32x50xi32, #tpu.memory_space<hbm>> -> memref<1x32x50xi32, #tpu.memory_space<hbm>>
      %dma_start3A_186 = tpu.memref_squeeze %dma_start3A_185 : memref<1x32x50xi32, #tpu.memory_space<hbm>> -> memref<32x50xi32, #tpu.memory_space<hbm>>
      %dma_start3A_187 = arith.constant 0 : i32
      %dma_start3A_188 = arith.constant 0 : i32
      %dma_start3A_189 = tpu.memref_slice %arg3[%add3A, %dma_start3A_187, %dma_start3A_188] : memref<32x32x50xi32, #tpu.memory_space<hbm>> -> memref<1x32x50xi32, #tpu.memory_space<hbm>>
      %dma_start3A_190 = tpu.memref_squeeze %dma_start3A_189 : memref<1x32x50xi32, #tpu.memory_space<hbm>> -> memref<32x50xi32, #tpu.memory_space<hbm>>
      tpu.enqueue_dma source(%dma_start3A_190 : memref<32x50xi32, #tpu.memory_space<hbm>>) target(%arg5 : memref<32x50xi32, #tpu.memory_space<vmem>>) target_semaphore(%run_scoped3A : memref<!tpu.dma_semaphore, #tpu.memory_space<semaphore_mem>>)
      %dma_wait3A_191 = arith.constant 0 : i32
      %dma_wait3A_192 = arith.constant 0 : i32
      %dma_wait3A_193 = tpu.memref_slice %arg3[%add3A, %dma_wait3A_191, %dma_wait3A_192] : memref<32x32x50xi32, #tpu.memory_space<hbm>> -> memref<1x32x50xi32, #tpu.memory_space<hbm>>
      %dma_wait3A_194 = tpu.memref_squeeze %dma_wait3A_193 : memref<1x32x50xi32, #tpu.memory_space<hbm>> -> memref<32x50xi32, #tpu.memory_space<hbm>>
      %dma_wait3A_195 = arith.constant 0 : i32
      %dma_wait3A_196 = arith.constant 0 : i32
      %dma_wait3A_197 = tpu.memref_slice %arg3[%add3A, %dma_wait3A_195, %dma_wait3A_196] : memref<32x32x50xi32, #tpu.memory_space<hbm>> -> memref<1x32x50xi32, #tpu.memory_space<hbm>>
      %dma_wait3A_198 = tpu.memref_squeeze %dma_wait3A_197 : memref<1x32x50xi32, #tpu.memory_space<hbm>> -> memref<32x50xi32, #tpu.memory_space<hbm>>
      tpu.wait_dma2 semaphore(%run_scoped3A : memref<!tpu.dma_semaphore, #tpu.memory_space<semaphore_mem>>) src(%dma_wait3A_198 : memref<32x50xi32, #tpu.memory_space<hbm>>) dst(%arg5 : memref<32x50xi32, #tpu.memory_space<vmem>>)
      tpu.yield
    }) : () -> ()
    %dma_start3A = arith.constant 0 : i32
    %dma_start3A_3 = arith.constant 0 : i32
    %dma_start3A_4 = arith.constant 0 : i32
    %dma_start3A_5 = arith.constant 0 : i32
    %dma_start3A_6 = tpu.memref_slice %arg6[%dma_start3A_3, %dma_start3A_4, %dma_start3A_5] : memref<2x50x1024xf32, #tpu.memory_space<vmem>> -> memref<1x50x1024xf32, #tpu.memory_space<vmem>>
    %dma_start3A_7 = tpu.memref_squeeze %dma_start3A_6 : memref<1x50x1024xf32, #tpu.memory_space<vmem>> -> memref<50x1024xf32, #tpu.memory_space<vmem>>
    %dma_start3A_8 = arith.constant 0 : i32
    %dma_start3A_9 = tpu.memref_slice %arg5[%dma_start3A, %dma_start3A_8] : memref<32x50xi32, #tpu.memory_space<vmem>> -> memref<1x50xi32, #tpu.memory_space<vmem>>
    %dma_start3A_10 = tpu.memref_squeeze %dma_start3A_9 : memref<1x50xi32, #tpu.memory_space<vmem>> -> memref<50xi32, #tpu.memory_space<vmem>>
    %dma_start3A_11 = arith.constant 0 : i32
    %dma_start3A_12 = arith.constant 0 : i32
    %dma_start3A_13 = tpu.memref_slice %arg2[%dma_start3A_11, %dma_start3A_12] : memref<1000x1024xf32, #tpu.memory_space<hbm>> -> memref<1000x1024xf32, #tpu.memory_space<hbm>>
    tpu.enqueue_indirect_dma source(%dma_start3A_13 : memref<1000x1024xf32, #tpu.memory_space<hbm>>) target(%dma_start3A_7 : memref<50x1024xf32, #tpu.memory_space<vmem>>) offsets(%dma_start3A_10 : memref<50xi32, #tpu.memory_space<vmem>>) semaphore(%arg16 : memref<!tpu.dma_semaphore, #tpu.memory_space<semaphore_mem>>)
    %scan3A = arith.constant 0 : i32
    %scan3A_14 = arith.constant 32 : i32
    %scan3A_15 = arith.addi %scan3A, %scan3A_14 : i32
    %scan3A_16 = arith.constant 1 : i32
    scf.for %scan3A_183 = %scan3A to %scan3A_15 step %scan3A_16  : i32 {
      %mul3A_184 = arith.constant 1 : i32
      %mul3A_185 = arith.muli %scan3A_183, %mul3A_184 : i32
      %add3A_186 = arith.constant 0 : i32
      %add3A_187 = arith.addi %add3A_186, %mul3A_185 : i32
      %rem3A_188 = arith.constant 2 : i32
      %rem3A_189 = arith.remsi %add3A_187, %rem3A_188 : i32
      %add3A_190 = arith.constant 1 : i32
      %add3A_191 = arith.addi %add3A_187, %add3A_190 : i32
      %rem3A_192 = arith.constant 2 : i32
      %rem3A_193 = arith.remsi %add3A_191, %rem3A_192 : i32
      %ge3A = arith.constant 1 : i32
      %ge3A_194 = arith.cmpi sge, %add3A_187, %ge3A : i32
      %convert_element_type3A = arith.extui %ge3A_194 : i1 to i32
      %cond3A = arith.constant 0 : i32
      %cond3A_195 = arith.cmpi ne, %convert_element_type3A, %cond3A : i32
      scf.if %cond3A_195 {
        %dma_wait3A_1882 = arith.constant 0 : i32
        %dma_wait3A_1883 = arith.constant 0 : i32
        %dma_wait3A_1884 = arith.constant 0 : i32
        %dma_wait3A_1885 = tpu.memref_slice %arg6[%rem3A_193, %dma_wait3A_1883, %dma_wait3A_1884] : memref<2x50x1024xf32, #tpu.memory_space<vmem>> -> memref<1x50x1024xf32, #tpu.memory_space<vmem>>
        %dma_wait3A_1886 = tpu.memref_squeeze %dma_wait3A_1885 : memref<1x50x1024xf32, #tpu.memory_space<vmem>> -> memref<50x1024xf32, #tpu.memory_space<vmem>>
        %dma_wait3A_1887 = arith.constant 0 : i32
        %dma_wait3A_1888 = arith.constant 0 : i32
        %dma_wait3A_1889 = tpu.memref_slice %dma_wait3A_1886[%dma_wait3A_1887, %dma_wait3A_1888] : memref<50x1024xf32, #tpu.memory_space<vmem>> -> memref<48x896xf32, #tpu.memory_space<vmem>>
        %dma_wait3A_1890 = arith.constant 0 : i32
        %dma_wait3A_1891 = arith.constant 0 : i32
        %dma_wait3A_1892 = tpu.memref_slice %arg4[%dma_wait3A_1882, %dma_wait3A_1890, %dma_wait3A_1891] : memref<1024x50x1000xf32, #tpu.memory_space<hbm>> -> memref<1x50x1000xf32, #tpu.memory_space<hbm>>
        %dma_wait3A_1893 = tpu.memref_squeeze %dma_wait3A_1892 : memref<1x50x1000xf32, #tpu.memory_space<hbm>> -> memref<50x1000xf32, #tpu.memory_space<hbm>>
        %dma_wait3A_1894 = arith.constant 0 : i32
        %dma_wait3A_1895 = arith.constant 0 : i32
        %dma_wait3A_1896 = tpu.memref_slice %dma_wait3A_1893[%dma_wait3A_1894, %dma_wait3A_1895] : memref<50x1000xf32, #tpu.memory_space<hbm>> -> memref<48x896xf32, #tpu.memory_space<hbm>>
        %dma_wait3A_1897 = arith.constant 0 : i32
        %dma_wait3A_1898 = arith.constant 0 : i32
        %dma_wait3A_1899 = tpu.memref_slice %arg4[%dma_wait3A_1882, %dma_wait3A_1897, %dma_wait3A_1898] : memref<1024x50x1000xf32, #tpu.memory_space<hbm>> -> memref<1x50x1000xf32, #tpu.memory_space<hbm>>
        %dma_wait3A_1900 = tpu.memref_squeeze %dma_wait3A_1899 : memref<1x50x1000xf32, #tpu.memory_space<hbm>> -> memref<50x1000xf32, #tpu.memory_space<hbm>>
        %dma_wait3A_1901 = arith.constant 0 : i32
        %dma_wait3A_1902 = arith.constant 0 : i32
        %dma_wait3A_1903 = tpu.memref_slice %dma_wait3A_1900[%dma_wait3A_1901, %dma_wait3A_1902] : memref<50x1000xf32, #tpu.memory_space<hbm>> -> memref<48x896xf32, #tpu.memory_space<hbm>>
        %dma_wait3A_1904 = arith.constant 0 : i32
        %dma_wait3A_1905 = arith.constant 0 : i32
        %dma_wait3A_1906 = tpu.memref_slice %arg6[%rem3A_193, %dma_wait3A_1904, %dma_wait3A_1905] : memref<2x50x1024xf32, #tpu.memory_space<vmem>> -> memref<1x50x1024xf32, #tpu.memory_space<vmem>>
        %dma_wait3A_1907 = tpu.memref_squeeze %dma_wait3A_1906 : memref<1x50x1024xf32, #tpu.memory_space<vmem>> -> memref<50x1024xf32, #tpu.memory_space<vmem>>
        %dma_wait3A_1908 = arith.constant 0 : i32
        %dma_wait3A_1909 = arith.constant 0 : i32
        %dma_wait3A_1910 = tpu.memref_slice %dma_wait3A_1907[%dma_wait3A_1908, %dma_wait3A_1909] : memref<50x1024xf32, #tpu.memory_space<vmem>> -> memref<48x896xf32, #tpu.memory_space<vmem>>
        tpu.wait_dma2 semaphore(%arg17 : memref<!tpu.dma_semaphore, #tpu.memory_space<semaphore_mem>>) src(%dma_wait3A_1910 : memref<48x896xf32, #tpu.memory_space<vmem>>) dst(%dma_wait3A_1903 : memref<48x896xf32, #tpu.memory_space<hbm>>)
        %dma_wait3A_1911 = arith.constant 0 : i32
        %dma_wait3A_1912 = arith.constant 0 : i32
        %dma_wait3A_1913 = arith.constant 0 : i32
        %dma_wait3A_1914 = tpu.memref_slice %arg4[%dma_wait3A_1911, %dma_wait3A_1912, %dma_wait3A_1913] : memref<1024x50x1000xf32, #tpu.memory_space<hbm>> -> memref<1x50x1000xf32, #tpu.memory_space<hbm>>
        %dma_wait3A_1915 = tpu.memref_squeeze %dma_wait3A_1914 : memref<1x50x1000xf32, #tpu.memory_space<hbm>> -> memref<50x1000xf32, #tpu.memory_space<hbm>>
        %dma_wait3A_1916 = arith.constant 0 : i32
        %dma_wait3A_1917 = arith.constant 896 : i32
        %dma_wait3A_1918 = tpu.memref_slice %dma_wait3A_1915[%dma_wait3A_1916, %dma_wait3A_1917] : memref<50x1000xf32, #tpu.memory_space<hbm>> -> memref<48x104xf32, #tpu.memory_space<hbm>>
        %dma_wait3A_1919 = arith.constant 0 : i32
        %dma_wait3A_1920 = arith.constant 0 : i32
        %dma_wait3A_1921 = tpu.memref_slice %arg4[%dma_wait3A_1911, %dma_wait3A_1919, %dma_wait3A_1920] : memref<1024x50x1000xf32, #tpu.memory_space<hbm>> -> memref<1x50x1000xf32, #tpu.memory_space<hbm>>
        %dma_wait3A_1922 = tpu.memref_squeeze %dma_wait3A_1921 : memref<1x50x1000xf32, #tpu.memory_space<hbm>> -> memref<50x1000xf32, #tpu.memory_space<hbm>>
        %dma_wait3A_1923 = arith.constant 0 : i32
        %dma_wait3A_1924 = arith.constant 896 : i32
        %dma_wait3A_1925 = tpu.memref_slice %dma_wait3A_1922[%dma_wait3A_1923, %dma_wait3A_1924] : memref<50x1000xf32, #tpu.memory_space<hbm>> -> memref<48x104xf32, #tpu.memory_space<hbm>>
        tpu.wait_dma2 semaphore(%arg17 : memref<!tpu.dma_semaphore, #tpu.memory_space<semaphore_mem>>) src(%arg7 : memref<48x104xf32, #tpu.memory_space<vmem>>) dst(%dma_wait3A_1925 : memref<48x104xf32, #tpu.memory_space<hbm>>)
        %dma_wait3A_1926 = arith.constant 0 : i32
        %dma_wait3A_1927 = arith.constant 0 : i32
        %dma_wait3A_1928 = arith.constant 0 : i32
        %dma_wait3A_1929 = tpu.memref_slice %arg4[%dma_wait3A_1926, %dma_wait3A_1927, %dma_wait3A_1928] : memref<1024x50x1000xf32, #tpu.memory_space<hbm>> -> memref<1x50x1000xf32, #tpu.memory_space<hbm>>
        %dma_wait3A_1930 = tpu.memref_squeeze %dma_wait3A_1929 : memref<1x50x1000xf32, #tpu.memory_space<hbm>> -> memref<50x1000xf32, #tpu.memory_space<hbm>>
        %dma_wait3A_1931 = arith.constant 48 : i32
        %dma_wait3A_1932 = arith.constant 0 : i32
        %dma_wait3A_1933 = tpu.memref_slice %dma_wait3A_1930[%dma_wait3A_1931, %dma_wait3A_1932] : memref<50x1000xf32, #tpu.memory_space<hbm>> -> memref<2x128xf32, #tpu.memory_space<hbm>>
        %dma_wait3A_1934 = arith.constant 0 : i32
        %dma_wait3A_1935 = arith.constant 0 : i32
        %dma_wait3A_1936 = tpu.memref_slice %arg4[%dma_wait3A_1926, %dma_wait3A_1934, %dma_wait3A_1935] : memref<1024x50x1000xf32, #tpu.memory_space<hbm>> -> memref<1x50x1000xf32, #tpu.memory_space<hbm>>
        %dma_wait3A_1937 = tpu.memref_squeeze %dma_wait3A_1936 : memref<1x50x1000xf32, #tpu.memory_space<hbm>> -> memref<50x1000xf32, #tpu.memory_space<hbm>>
        %dma_wait3A_1938 = arith.constant 48 : i32
        %dma_wait3A_1939 = arith.constant 0 : i32
        %dma_wait3A_1940 = tpu.memref_slice %dma_wait3A_1937[%dma_wait3A_1938, %dma_wait3A_1939] : memref<50x1000xf32, #tpu.memory_space<hbm>> -> memref<2x128xf32, #tpu.memory_space<hbm>>
        tpu.wait_dma2 semaphore(%arg17 : memref<!tpu.dma_semaphore, #tpu.memory_space<semaphore_mem>>) src(%arg8 : memref<2x128xf32, #tpu.memory_space<vmem>>) dst(%dma_wait3A_1940 : memref<2x128xf32, #tpu.memory_space<hbm>>)
        %dma_wait3A_1941 = arith.constant 0 : i32
        %dma_wait3A_1942 = arith.constant 0 : i32
        %dma_wait3A_1943 = arith.constant 0 : i32
        %dma_wait3A_1944 = tpu.memref_slice %arg4[%dma_wait3A_1941, %dma_wait3A_1942, %dma_wait3A_1943] : memref<1024x50x1000xf32, #tpu.memory_space<hbm>> -> memref<1x50x1000xf32, #tpu.memory_space<hbm>>
        %dma_wait3A_1945 = tpu.memref_squeeze %dma_wait3A_1944 : memref<1x50x1000xf32, #tpu.memory_space<hbm>> -> memref<50x1000xf32, #tpu.memory_space<hbm>>
        %dma_wait3A_1946 = arith.constant 48 : i32
        %dma_wait3A_1947 = arith.constant 128 : i32
        %dma_wait3A_1948 = tpu.memref_slice %dma_wait3A_1945[%dma_wait3A_1946, %dma_wait3A_1947] : memref<50x1000xf32, #tpu.memory_space<hbm>> -> memref<2x128xf32, #tpu.memory_space<hbm>>
        %dma_wait3A_1949 = arith.constant 0 : i32
        %dma_wait3A_1950 = arith.constant 0 : i32
        %dma_wait3A_1951 = tpu.memref_slice %arg4[%dma_wait3A_1941, %dma_wait3A_1949, %dma_wait3A_1950] : memref<1024x50x1000xf32, #tpu.memory_space<hbm>> -> memref<1x50x1000xf32, #tpu.memory_space<hbm>>
        %dma_wait3A_1952 = tpu.memref_squeeze %dma_wait3A_1951 : memref<1x50x1000xf32, #tpu.memory_space<hbm>> -> memref<50x1000xf32, #tpu.memory_space<hbm>>
        %dma_wait3A_1953 = arith.constant 48 : i32
        %dma_wait3A_1954 = arith.constant 128 : i32
        %dma_wait3A_1955 = tpu.memref_slice %dma_wait3A_1952[%dma_wait3A_1953, %dma_wait3A_1954] : memref<50x1000xf32, #tpu.memory_space<hbm>> -> memref<2x128xf32, #tpu.memory_space<hbm>>
        tpu.wait_dma2 semaphore(%arg17 : memref<!tpu.dma_semaphore, #tpu.memory_space<semaphore_mem>>) src(%arg9 : memref<2x128xf32, #tpu.memory_space<vmem>>) dst(%dma_wait3A_1955 : memref<2x128xf32, #tpu.memory_space<hbm>>)
        %dma_wait3A_1956 = arith.constant 0 : i32
        %dma_wait3A_1957 = arith.constant 0 : i32
        %dma_wait3A_1958 = arith.constant 0 : i32
        %dma_wait3A_1959 = tpu.memref_slice %arg4[%dma_wait3A_1956, %dma_wait3A_1957, %dma_wait3A_1958] : memref<1024x50x1000xf32, #tpu.memory_space<hbm>> -> memref<1x50x1000xf32, #tpu.memory_space<hbm>>
        %dma_wait3A_1960 = tpu.memref_squeeze %dma_wait3A_1959 : memref<1x50x1000xf32, #tpu.memory_space<hbm>> -> memref<50x1000xf32, #tpu.memory_space<hbm>>
        %dma_wait3A_1961 = arith.constant 48 : i32
        %dma_wait3A_1962 = arith.constant 256 : i32
        %dma_wait3A_1963 = tpu.memref_slice %dma_wait3A_1960[%dma_wait3A_1961, %dma_wait3A_1962] : memref<50x1000xf32, #tpu.memory_space<hbm>> -> memref<2x128xf32, #tpu.memory_space<hbm>>
        %dma_wait3A_1964 = arith.constant 0 : i32
        %dma_wait3A_1965 = arith.constant 0 : i32
        %dma_wait3A_1966 = tpu.memref_slice %arg4[%dma_wait3A_1956, %dma_wait3A_1964, %dma_wait3A_1965] : memref<1024x50x1000xf32, #tpu.memory_space<hbm>> -> memref<1x50x1000xf32, #tpu.memory_space<hbm>>
        %dma_wait3A_1967 = tpu.memref_squeeze %dma_wait3A_1966 : memref<1x50x1000xf32, #tpu.memory_space<hbm>> -> memref<50x1000xf32, #tpu.memory_space<hbm>>
        %dma_wait3A_1968 = arith.constant 48 : i32
        %dma_wait3A_1969 = arith.constant 256 : i32
        %dma_wait3A_1970 = tpu.memref_slice %dma_wait3A_1967[%dma_wait3A_1968, %dma_wait3A_1969] : memref<50x1000xf32, #tpu.memory_space<hbm>> -> memref<2x128xf32, #tpu.memory_space<hbm>>
        tpu.wait_dma2 semaphore(%arg17 : memref<!tpu.dma_semaphore, #tpu.memory_space<semaphore_mem>>) src(%arg10 : memref<2x128xf32, #tpu.memory_space<vmem>>) dst(%dma_wait3A_1970 : memref<2x128xf32, #tpu.memory_space<hbm>>)
        %dma_wait3A_1971 = arith.constant 0 : i32
        %dma_wait3A_1972 = arith.constant 0 : i32
        %dma_wait3A_1973 = arith.constant 0 : i32
        %dma_wait3A_1974 = tpu.memref_slice %arg4[%dma_wait3A_1971, %dma_wait3A_1972, %dma_wait3A_1973] : memref<1024x50x1000xf32, #tpu.memory_space<hbm>> -> memref<1x50x1000xf32, #tpu.memory_space<hbm>>
        %dma_wait3A_1975 = tpu.memref_squeeze %dma_wait3A_1974 : memref<1x50x1000xf32, #tpu.memory_space<hbm>> -> memref<50x1000xf32, #tpu.memory_space<hbm>>
        %dma_wait3A_1976 = arith.constant 48 : i32
        %dma_wait3A_1977 = arith.constant 384 : i32
        %dma_wait3A_1978 = tpu.memref_slice %dma_wait3A_1975[%dma_wait3A_1976, %dma_wait3A_1977] : memref<50x1000xf32, #tpu.memory_space<hbm>> -> memref<2x128xf32, #tpu.memory_space<hbm>>
        %dma_wait3A_1979 = arith.constant 0 : i32
        %dma_wait3A_1980 = arith.constant 0 : i32
        %dma_wait3A_1981 = tpu.memref_slice %arg4[%dma_wait3A_1971, %dma_wait3A_1979, %dma_wait3A_1980] : memref<1024x50x1000xf32, #tpu.memory_space<hbm>> -> memref<1x50x1000xf32, #tpu.memory_space<hbm>>
        %dma_wait3A_1982 = tpu.memref_squeeze %dma_wait3A_1981 : memref<1x50x1000xf32, #tpu.memory_space<hbm>> -> memref<50x1000xf32, #tpu.memory_space<hbm>>
        %dma_wait3A_1983 = arith.constant 48 : i32
        %dma_wait3A_1984 = arith.constant 384 : i32
        %dma_wait3A_1985 = tpu.memref_slice %dma_wait3A_1982[%dma_wait3A_1983, %dma_wait3A_1984] : memref<50x1000xf32, #tpu.memory_space<hbm>> -> memref<2x128xf32, #tpu.memory_space<hbm>>
        tpu.wait_dma2 semaphore(%arg17 : memref<!tpu.dma_semaphore, #tpu.memory_space<semaphore_mem>>) src(%arg11 : memref<2x128xf32, #tpu.memory_space<vmem>>) dst(%dma_wait3A_1985 : memref<2x128xf32, #tpu.memory_space<hbm>>)
        %dma_wait3A_1986 = arith.constant 0 : i32
        %dma_wait3A_1987 = arith.constant 0 : i32
        %dma_wait3A_1988 = arith.constant 0 : i32
        %dma_wait3A_1989 = tpu.memref_slice %arg4[%dma_wait3A_1986, %dma_wait3A_1987, %dma_wait3A_1988] : memref<1024x50x1000xf32, #tpu.memory_space<hbm>> -> memref<1x50x1000xf32, #tpu.memory_space<hbm>>
        %dma_wait3A_1990 = tpu.memref_squeeze %dma_wait3A_1989 : memref<1x50x1000xf32, #tpu.memory_space<hbm>> -> memref<50x1000xf32, #tpu.memory_space<hbm>>
        %dma_wait3A_1991 = arith.constant 48 : i32
        %dma_wait3A_1992 = arith.constant 512 : i32
        %dma_wait3A_1993 = tpu.memref_slice %dma_wait3A_1990[%dma_wait3A_1991, %dma_wait3A_1992] : memref<50x1000xf32, #tpu.memory_space<hbm>> -> memref<2x128xf32, #tpu.memory_space<hbm>>
        %dma_wait3A_1994 = arith.constant 0 : i32
        %dma_wait3A_1995 = arith.constant 0 : i32
        %dma_wait3A_1996 = tpu.memref_slice %arg4[%dma_wait3A_1986, %dma_wait3A_1994, %dma_wait3A_1995] : memref<1024x50x1000xf32, #tpu.memory_space<hbm>> -> memref<1x50x1000xf32, #tpu.memory_space<hbm>>
        %dma_wait3A_1997 = tpu.memref_squeeze %dma_wait3A_1996 : memref<1x50x1000xf32, #tpu.memory_space<hbm>> -> memref<50x1000xf32, #tpu.memory_space<hbm>>
        %dma_wait3A_1998 = arith.constant 48 : i32
        %dma_wait3A_1999 = arith.constant 512 : i32
        %dma_wait3A_2000 = tpu.memref_slice %dma_wait3A_1997[%dma_wait3A_1998, %dma_wait3A_1999] : memref<50x1000xf32, #tpu.memory_space<hbm>> -> memref<2x128xf32, #tpu.memory_space<hbm>>
        tpu.wait_dma2 semaphore(%arg17 : memref<!tpu.dma_semaphore, #tpu.memory_space<semaphore_mem>>) src(%arg12 : memref<2x128xf32, #tpu.memory_space<vmem>>) dst(%dma_wait3A_2000 : memref<2x128xf32, #tpu.memory_space<hbm>>)
        %dma_wait3A_2001 = arith.constant 0 : i32
        %dma_wait3A_2002 = arith.constant 0 : i32
        %dma_wait3A_2003 = arith.constant 0 : i32
        %dma_wait3A_2004 = tpu.memref_slice %arg4[%dma_wait3A_2001, %dma_wait3A_2002, %dma_wait3A_2003] : memref<1024x50x1000xf32, #tpu.memory_space<hbm>> -> memref<1x50x1000xf32, #tpu.memory_space<hbm>>
        %dma_wait3A_2005 = tpu.memref_squeeze %dma_wait3A_2004 : memref<1x50x1000xf32, #tpu.memory_space<hbm>> -> memref<50x1000xf32, #tpu.memory_space<hbm>>
        %dma_wait3A_2006 = arith.constant 48 : i32
        %dma_wait3A_2007 = arith.constant 640 : i32
        %dma_wait3A_2008 = tpu.memref_slice %dma_wait3A_2005[%dma_wait3A_2006, %dma_wait3A_2007] : memref<50x1000xf32, #tpu.memory_space<hbm>> -> memref<2x128xf32, #tpu.memory_space<hbm>>
        %dma_wait3A_2009 = arith.constant 0 : i32
        %dma_wait3A_2010 = arith.constant 0 : i32
        %dma_wait3A_2011 = tpu.memref_slice %arg4[%dma_wait3A_2001, %dma_wait3A_2009, %dma_wait3A_2010] : memref<1024x50x1000xf32, #tpu.memory_space<hbm>> -> memref<1x50x1000xf32, #tpu.memory_space<hbm>>
        %dma_wait3A_2012 = tpu.memref_squeeze %dma_wait3A_2011 : memref<1x50x1000xf32, #tpu.memory_space<hbm>> -> memref<50x1000xf32, #tpu.memory_space<hbm>>
        %dma_wait3A_2013 = arith.constant 48 : i32
        %dma_wait3A_2014 = arith.constant 640 : i32
        %dma_wait3A_2015 = tpu.memref_slice %dma_wait3A_2012[%dma_wait3A_2013, %dma_wait3A_2014] : memref<50x1000xf32, #tpu.memory_space<hbm>> -> memref<2x128xf32, #tpu.memory_space<hbm>>
        tpu.wait_dma2 semaphore(%arg17 : memref<!tpu.dma_semaphore, #tpu.memory_space<semaphore_mem>>) src(%arg13 : memref<2x128xf32, #tpu.memory_space<vmem>>) dst(%dma_wait3A_2015 : memref<2x128xf32, #tpu.memory_space<hbm>>)
        %dma_wait3A_2016 = arith.constant 0 : i32
        %dma_wait3A_2017 = arith.constant 0 : i32
        %dma_wait3A_2018 = arith.constant 0 : i32
        %dma_wait3A_2019 = tpu.memref_slice %arg4[%dma_wait3A_2016, %dma_wait3A_2017, %dma_wait3A_2018] : memref<1024x50x1000xf32, #tpu.memory_space<hbm>> -> memref<1x50x1000xf32, #tpu.memory_space<hbm>>
        %dma_wait3A_2020 = tpu.memref_squeeze %dma_wait3A_2019 : memref<1x50x1000xf32, #tpu.memory_space<hbm>> -> memref<50x1000xf32, #tpu.memory_space<hbm>>
        %dma_wait3A_2021 = arith.constant 48 : i32
        %dma_wait3A_2022 = arith.constant 768 : i32
        %dma_wait3A_2023 = tpu.memref_slice %dma_wait3A_2020[%dma_wait3A_2021, %dma_wait3A_2022] : memref<50x1000xf32, #tpu.memory_space<hbm>> -> memref<2x128xf32, #tpu.memory_space<hbm>>
        %dma_wait3A_2024 = arith.constant 0 : i32
        %dma_wait3A_2025 = arith.constant 0 : i32
        %dma_wait3A_2026 = tpu.memref_slice %arg4[%dma_wait3A_2016, %dma_wait3A_2024, %dma_wait3A_2025] : memref<1024x50x1000xf32, #tpu.memory_space<hbm>> -> memref<1x50x1000xf32, #tpu.memory_space<hbm>>
        %dma_wait3A_2027 = tpu.memref_squeeze %dma_wait3A_2026 : memref<1x50x1000xf32, #tpu.memory_space<hbm>> -> memref<50x1000xf32, #tpu.memory_space<hbm>>
        %dma_wait3A_2028 = arith.constant 48 : i32
        %dma_wait3A_2029 = arith.constant 768 : i32
        %dma_wait3A_2030 = tpu.memref_slice %dma_wait3A_2027[%dma_wait3A_2028, %dma_wait3A_2029] : memref<50x1000xf32, #tpu.memory_space<hbm>> -> memref<2x128xf32, #tpu.memory_space<hbm>>
        tpu.wait_dma2 semaphore(%arg17 : memref<!tpu.dma_semaphore, #tpu.memory_space<semaphore_mem>>) src(%arg14 : memref<2x128xf32, #tpu.memory_space<vmem>>) dst(%dma_wait3A_2030 : memref<2x128xf32, #tpu.memory_space<hbm>>)
        %dma_wait3A_2031 = arith.constant 0 : i32
        %dma_wait3A_2032 = arith.constant 0 : i32
        %dma_wait3A_2033 = arith.constant 0 : i32
        %dma_wait3A_2034 = tpu.memref_slice %arg4[%dma_wait3A_2031, %dma_wait3A_2032, %dma_wait3A_2033] : memref<1024x50x1000xf32, #tpu.memory_space<hbm>> -> memref<1x50x1000xf32, #tpu.memory_space<hbm>>
        %dma_wait3A_2035 = tpu.memref_squeeze %dma_wait3A_2034 : memref<1x50x1000xf32, #tpu.memory_space<hbm>> -> memref<50x1000xf32, #tpu.memory_space<hbm>>
        %dma_wait3A_2036 = arith.constant 48 : i32
        %dma_wait3A_2037 = arith.constant 896 : i32
        %dma_wait3A_2038 = tpu.memref_slice %dma_wait3A_2035[%dma_wait3A_2036, %dma_wait3A_2037] : memref<50x1000xf32, #tpu.memory_space<hbm>> -> memref<2x104xf32, #tpu.memory_space<hbm>>
        %dma_wait3A_2039 = arith.constant 0 : i32
        %dma_wait3A_2040 = arith.constant 0 : i32
        %dma_wait3A_2041 = tpu.memref_slice %arg4[%dma_wait3A_2031, %dma_wait3A_2039, %dma_wait3A_2040] : memref<1024x50x1000xf32, #tpu.memory_space<hbm>> -> memref<1x50x1000xf32, #tpu.memory_space<hbm>>
        %dma_wait3A_2042 = tpu.memref_squeeze %dma_wait3A_2041 : memref<1x50x1000xf32, #tpu.memory_space<hbm>> -> memref<50x1000xf32, #tpu.memory_space<hbm>>
        %dma_wait3A_2043 = arith.constant 48 : i32
        %dma_wait3A_2044 = arith.constant 896 : i32
        %dma_wait3A_2045 = tpu.memref_slice %dma_wait3A_2042[%dma_wait3A_2043, %dma_wait3A_2044] : memref<50x1000xf32, #tpu.memory_space<hbm>> -> memref<2x104xf32, #tpu.memory_space<hbm>>
        tpu.wait_dma2 semaphore(%arg17 : memref<!tpu.dma_semaphore, #tpu.memory_space<semaphore_mem>>) src(%arg15 : memref<2x104xf32, #tpu.memory_space<vmem>>) dst(%dma_wait3A_2045 : memref<2x104xf32, #tpu.memory_space<hbm>>)
      } else {
      }
      %add3A_196 = arith.constant 1 : i32
      %add3A_197 = arith.addi %add3A_187, %add3A_196 : i32
      %lt3A = arith.constant 32 : i32
      %lt3A_198 = arith.cmpi slt, %add3A_197, %lt3A : i32
      %convert_element_type3A_199 = arith.extui %lt3A_198 : i1 to i32
      %cond3A_200 = arith.constant 0 : i32
      %cond3A_201 = arith.cmpi ne, %convert_element_type3A_199, %cond3A_200 : i32
      scf.if %cond3A_201 {
        %add3A_1882 = arith.constant 1 : i32
        %add3A_1883 = arith.addi %add3A_187, %add3A_1882 : i32
        %dma_start3A_1884 = arith.constant 0 : i32
        %dma_start3A_1885 = arith.constant 0 : i32
        %dma_start3A_1886 = tpu.memref_slice %arg6[%rem3A_193, %dma_start3A_1884, %dma_start3A_1885] : memref<2x50x1024xf32, #tpu.memory_space<vmem>> -> memref<1x50x1024xf32, #tpu.memory_space<vmem>>
        %dma_start3A_1887 = tpu.memref_squeeze %dma_start3A_1886 : memref<1x50x1024xf32, #tpu.memory_space<vmem>> -> memref<50x1024xf32, #tpu.memory_space<vmem>>
        %dma_start3A_1888 = arith.constant 0 : i32
        %dma_start3A_1889 = tpu.memref_slice %arg5[%add3A_1883, %dma_start3A_1888] : memref<32x50xi32, #tpu.memory_space<vmem>> -> memref<1x50xi32, #tpu.memory_space<vmem>>
        %dma_start3A_1890 = tpu.memref_squeeze %dma_start3A_1889 : memref<1x50xi32, #tpu.memory_space<vmem>> -> memref<50xi32, #tpu.memory_space<vmem>>
        %dma_start3A_1891 = arith.constant 0 : i32
        %dma_start3A_1892 = arith.constant 0 : i32
        %dma_start3A_1893 = tpu.memref_slice %arg2[%dma_start3A_1891, %dma_start3A_1892] : memref<1000x1024xf32, #tpu.memory_space<hbm>> -> memref<1000x1024xf32, #tpu.memory_space<hbm>>
        tpu.enqueue_indirect_dma source(%dma_start3A_1893 : memref<1000x1024xf32, #tpu.memory_space<hbm>>) target(%dma_start3A_1887 : memref<50x1024xf32, #tpu.memory_space<vmem>>) offsets(%dma_start3A_1890 : memref<50xi32, #tpu.memory_space<vmem>>) semaphore(%arg16 : memref<!tpu.dma_semaphore, #tpu.memory_space<semaphore_mem>>)
      } else {
      }
      %dma_wait3A_202 = arith.constant 0 : i32
      %dma_wait3A_203 = arith.constant 0 : i32
      %dma_wait3A_204 = tpu.memref_slice %arg6[%rem3A_189, %dma_wait3A_202, %dma_wait3A_203] : memref<2x50x1024xf32, #tpu.memory_space<vmem>> -> memref<1x50x1024xf32, #tpu.memory_space<vmem>>
      %dma_wait3A_205 = tpu.memref_squeeze %dma_wait3A_204 : memref<1x50x1024xf32, #tpu.memory_space<vmem>> -> memref<50x1024xf32, #tpu.memory_space<vmem>>
      %dma_wait3A_206 = arith.constant 0 : i32
      %dma_wait3A_207 = tpu.memref_slice %arg5[%add3A_187, %dma_wait3A_206] : memref<32x50xi32, #tpu.memory_space<vmem>> -> memref<1x50xi32, #tpu.memory_space<vmem>>
      %dma_wait3A_208 = tpu.memref_squeeze %dma_wait3A_207 : memref<1x50xi32, #tpu.memory_space<vmem>> -> memref<50xi32, #tpu.memory_space<vmem>>
      %dma_wait3A_209 = arith.constant 0 : i32
      %dma_wait3A_210 = arith.constant 0 : i32
      %dma_wait3A_211 = tpu.memref_slice %arg2[%dma_wait3A_209, %dma_wait3A_210] : memref<1000x1024xf32, #tpu.memory_space<hbm>> -> memref<1000x1024xf32, #tpu.memory_space<hbm>>
      tpu.wait_indirect_dma semaphore(%arg16 : memref<!tpu.dma_semaphore, #tpu.memory_space<semaphore_mem>>) src(%dma_wait3A_211 : memref<1000x1024xf32, #tpu.memory_space<hbm>>) dst(%dma_wait3A_205 : memref<50x1024xf32, #tpu.memory_space<vmem>>)
      %scan3A_212 = arith.constant 0 : i32
      %scan3A_213 = arith.constant 48 : i32
      %scan3A_214 = arith.addi %scan3A_212, %scan3A_213 : i32
      %scan3A_215 = arith.constant 1 : i32
      scf.for %scan3A_1882 = %scan3A_212 to %scan3A_214 step %scan3A_215  : i32 {
        %mul3A_1883 = arith.constant 1 : i32
        %mul3A_1884 = arith.muli %scan3A_1882, %mul3A_1883 : i32
        %add3A_1885 = arith.constant 0 : i32
        %add3A_1886 = arith.addi %add3A_1885, %mul3A_1884 : i32
        %scan3A_1887 = arith.constant 0 : i32
        %mul3A_1888 = arith.constant 1 : i32
        %mul3A_1889 = arith.muli %scan3A_1887, %mul3A_1888 : i32
        %add3A_1890 = arith.constant 0 : i32
        %add3A_1891 = arith.addi %add3A_1890, %mul3A_1889 : i32
        %mul3A_1892 = arith.constant 16 : i32
        %mul3A_1893 = arith.muli %add3A_1891, %mul3A_1892 : i32
        %add3A_1894 = arith.constant 896 : i32
        %add3A_1895 = arith.addi %add3A_1894, %mul3A_1893 : i32
        %get3A_1896 = arith.index_cast %rem3A_189 : i32 to index
        %get3A_1897 = arith.index_cast %add3A_1886 : i32 to index
        %get3A_1898 = arith.index_cast %add3A_1895 : i32 to index
        %get3A_1899 = tpu.vector_load %arg6[%get3A_1896, %get3A_1897, %get3A_1898] {strides = array<i32>} : memref<2x50x1024xf32, #tpu.memory_space<vmem>>, vector<1x1x16xf32>,
        %get3A_1900 = vector.shape_cast %get3A_1899 : vector<1x1x16xf32> to vector<16xf32>
        %mul3A_1901 = arith.constant 16 : i32
        %mul3A_1902 = arith.muli %add3A_1891, %mul3A_1901 : i32
        %swap3A_1903 = arith.index_cast %add3A_1886 : i32 to index
        %swap3A_1904 = arith.index_cast %mul3A_1902 : i32 to index
        %swap3A_1905 = tpu.vector_load %arg7[%swap3A_1903, %swap3A_1904] {strides = array<i32>} : memref<48x104xf32, #tpu.memory_space<vmem>>, vector<1x16xf32>,
        %swap3A_1906 = vector.shape_cast %swap3A_1905 : vector<1x16xf32> to vector<16xf32>
        %swap3A_1907 = vector.shape_cast %get3A_1900 : vector<16xf32> to vector<1x16xf32>
        tpu.vector_store %arg7[%swap3A_1903, %swap3A_1904], %swap3A_1907 {strides = array<i32>} : memref<48x104xf32, #tpu.memory_space<vmem>>, vector<1x16xf32>,
        %scan3A_1908 = arith.constant 1 : i32
        %mul3A_1909 = arith.constant 1 : i32
        %mul3A_1910 = arith.muli %scan3A_1908, %mul3A_1909 : i32
        %add3A_1911 = arith.constant 0 : i32
        %add3A_1912 = arith.addi %add3A_1911, %mul3A_1910 : i32
        %mul3A_1913 = arith.constant 16 : i32
        %mul3A_1914 = arith.muli %add3A_1912, %mul3A_1913 : i32
        %add3A_1915 = arith.constant 896 : i32
        %add3A_1916 = arith.addi %add3A_1915, %mul3A_1914 : i32
        %get3A_1917 = arith.index_cast %rem3A_189 : i32 to index
        %get3A_1918 = arith.index_cast %add3A_1886 : i32 to index
        %get3A_1919 = arith.index_cast %add3A_1916 : i32 to index
        %get3A_1920 = tpu.vector_load %arg6[%get3A_1917, %get3A_1918, %get3A_1919] {strides = array<i32>} : memref<2x50x1024xf32, #tpu.memory_space<vmem>>, vector<1x1x16xf32>,
        %get3A_1921 = vector.shape_cast %get3A_1920 : vector<1x1x16xf32> to vector<16xf32>
        %mul3A_1922 = arith.constant 16 : i32
        %mul3A_1923 = arith.muli %add3A_1912, %mul3A_1922 : i32
        %swap3A_1924 = arith.index_cast %add3A_1886 : i32 to index
        %swap3A_1925 = arith.index_cast %mul3A_1923 : i32 to index
        %swap3A_1926 = tpu.vector_load %arg7[%swap3A_1924, %swap3A_1925] {strides = array<i32>} : memref<48x104xf32, #tpu.memory_space<vmem>>, vector<1x16xf32>,
        %swap3A_1927 = vector.shape_cast %swap3A_1926 : vector<1x16xf32> to vector<16xf32>
        %swap3A_1928 = vector.shape_cast %get3A_1921 : vector<16xf32> to vector<1x16xf32>
        tpu.vector_store %arg7[%swap3A_1924, %swap3A_1925], %swap3A_1928 {strides = array<i32>} : memref<48x104xf32, #tpu.memory_space<vmem>>, vector<1x16xf32>,
        %scan3A_1929 = arith.constant 2 : i32
        %mul3A_1930 = arith.constant 1 : i32
        %mul3A_1931 = arith.muli %scan3A_1929, %mul3A_1930 : i32
        %add3A_1932 = arith.constant 0 : i32
        %add3A_1933 = arith.addi %add3A_1932, %mul3A_1931 : i32
        %mul3A_1934 = arith.constant 16 : i32
        %mul3A_1935 = arith.muli %add3A_1933, %mul3A_1934 : i32
        %add3A_1936 = arith.constant 896 : i32
        %add3A_1937 = arith.addi %add3A_1936, %mul3A_1935 : i32
        %get3A_1938 = arith.index_cast %rem3A_189 : i32 to index
        %get3A_1939 = arith.index_cast %add3A_1886 : i32 to index
        %get3A_1940 = arith.index_cast %add3A_1937 : i32 to index
        %get3A_1941 = tpu.vector_load %arg6[%get3A_1938, %get3A_1939, %get3A_1940] {strides = array<i32>} : memref<2x50x1024xf32, #tpu.memory_space<vmem>>, vector<1x1x16xf32>,
        %get3A_1942 = vector.shape_cast %get3A_1941 : vector<1x1x16xf32> to vector<16xf32>
        %mul3A_1943 = arith.constant 16 : i32
        %mul3A_1944 = arith.muli %add3A_1933, %mul3A_1943 : i32
        %swap3A_1945 = arith.index_cast %add3A_1886 : i32 to index
        %swap3A_1946 = arith.index_cast %mul3A_1944 : i32 to index
        %swap3A_1947 = tpu.vector_load %arg7[%swap3A_1945, %swap3A_1946] {strides = array<i32>} : memref<48x104xf32, #tpu.memory_space<vmem>>, vector<1x16xf32>,
        %swap3A_1948 = vector.shape_cast %swap3A_1947 : vector<1x16xf32> to vector<16xf32>
        %swap3A_1949 = vector.shape_cast %get3A_1942 : vector<16xf32> to vector<1x16xf32>
        tpu.vector_store %arg7[%swap3A_1945, %swap3A_1946], %swap3A_1949 {strides = array<i32>} : memref<48x104xf32, #tpu.memory_space<vmem>>, vector<1x16xf32>,
        %scan3A_1950 = arith.constant 3 : i32
        %mul3A_1951 = arith.constant 1 : i32
        %mul3A_1952 = arith.muli %scan3A_1950, %mul3A_1951 : i32
        %add3A_1953 = arith.constant 0 : i32
        %add3A_1954 = arith.addi %add3A_1953, %mul3A_1952 : i32
        %mul3A_1955 = arith.constant 16 : i32
        %mul3A_1956 = arith.muli %add3A_1954, %mul3A_1955 : i32
        %add3A_1957 = arith.constant 896 : i32
        %add3A_1958 = arith.addi %add3A_1957, %mul3A_1956 : i32
        %get3A_1959 = arith.index_cast %rem3A_189 : i32 to index
        %get3A_1960 = arith.index_cast %add3A_1886 : i32 to index
        %get3A_1961 = arith.index_cast %add3A_1958 : i32 to index
        %get3A_1962 = tpu.vector_load %arg6[%get3A_1959, %get3A_1960, %get3A_1961] {strides = array<i32>} : memref<2x50x1024xf32, #tpu.memory_space<vmem>>, vector<1x1x16xf32>,
        %get3A_1963 = vector.shape_cast %get3A_1962 : vector<1x1x16xf32> to vector<16xf32>
        %mul3A_1964 = arith.constant 16 : i32
        %mul3A_1965 = arith.muli %add3A_1954, %mul3A_1964 : i32
        %swap3A_1966 = arith.index_cast %add3A_1886 : i32 to index
        %swap3A_1967 = arith.index_cast %mul3A_1965 : i32 to index
        %swap3A_1968 = tpu.vector_load %arg7[%swap3A_1966, %swap3A_1967] {strides = array<i32>} : memref<48x104xf32, #tpu.memory_space<vmem>>, vector<1x16xf32>,
        %swap3A_1969 = vector.shape_cast %swap3A_1968 : vector<1x16xf32> to vector<16xf32>
        %swap3A_1970 = vector.shape_cast %get3A_1963 : vector<16xf32> to vector<1x16xf32>
        tpu.vector_store %arg7[%swap3A_1966, %swap3A_1967], %swap3A_1970 {strides = array<i32>} : memref<48x104xf32, #tpu.memory_space<vmem>>, vector<1x16xf32>,
        %scan3A_1971 = arith.constant 4 : i32
        %mul3A_1972 = arith.constant 1 : i32
        %mul3A_1973 = arith.muli %scan3A_1971, %mul3A_1972 : i32
        %add3A_1974 = arith.constant 0 : i32
        %add3A_1975 = arith.addi %add3A_1974, %mul3A_1973 : i32
        %mul3A_1976 = arith.constant 16 : i32
        %mul3A_1977 = arith.muli %add3A_1975, %mul3A_1976 : i32
        %add3A_1978 = arith.constant 896 : i32
        %add3A_1979 = arith.addi %add3A_1978, %mul3A_1977 : i32
        %get3A_1980 = arith.index_cast %rem3A_189 : i32 to index
        %get3A_1981 = arith.index_cast %add3A_1886 : i32 to index
        %get3A_1982 = arith.index_cast %add3A_1979 : i32 to index
        %get3A_1983 = tpu.vector_load %arg6[%get3A_1980, %get3A_1981, %get3A_1982] {strides = array<i32>} : memref<2x50x1024xf32, #tpu.memory_space<vmem>>, vector<1x1x16xf32>,
        %get3A_1984 = vector.shape_cast %get3A_1983 : vector<1x1x16xf32> to vector<16xf32>
        %mul3A_1985 = arith.constant 16 : i32
        %mul3A_1986 = arith.muli %add3A_1975, %mul3A_1985 : i32
        %swap3A_1987 = arith.index_cast %add3A_1886 : i32 to index
        %swap3A_1988 = arith.index_cast %mul3A_1986 : i32 to index
        %swap3A_1989 = tpu.vector_load %arg7[%swap3A_1987, %swap3A_1988] {strides = array<i32>} : memref<48x104xf32, #tpu.memory_space<vmem>>, vector<1x16xf32>,
        %swap3A_1990 = vector.shape_cast %swap3A_1989 : vector<1x16xf32> to vector<16xf32>
        %swap3A_1991 = vector.shape_cast %get3A_1984 : vector<16xf32> to vector<1x16xf32>
        tpu.vector_store %arg7[%swap3A_1987, %swap3A_1988], %swap3A_1991 {strides = array<i32>} : memref<48x104xf32, #tpu.memory_space<vmem>>, vector<1x16xf32>,
        %scan3A_1992 = arith.constant 5 : i32
        %mul3A_1993 = arith.constant 1 : i32
        %mul3A_1994 = arith.muli %scan3A_1992, %mul3A_1993 : i32
        %add3A_1995 = arith.constant 0 : i32
        %add3A_1996 = arith.addi %add3A_1995, %mul3A_1994 : i32
        %mul3A_1997 = arith.constant 16 : i32
        %mul3A_1998 = arith.muli %add3A_1996, %mul3A_1997 : i32
        %add3A_1999 = arith.constant 896 : i32
        %add3A_2000 = arith.addi %add3A_1999, %mul3A_1998 : i32
        %get3A_2001 = arith.index_cast %rem3A_189 : i32 to index
        %get3A_2002 = arith.index_cast %add3A_1886 : i32 to index
        %get3A_2003 = arith.index_cast %add3A_2000 : i32 to index
        %get3A_2004 = tpu.vector_load %arg6[%get3A_2001, %get3A_2002, %get3A_2003] {strides = array<i32>} : memref<2x50x1024xf32, #tpu.memory_space<vmem>>, vector<1x1x16xf32>,
        %get3A_2005 = vector.shape_cast %get3A_2004 : vector<1x1x16xf32> to vector<16xf32>
        %mul3A_2006 = arith.constant 16 : i32
        %mul3A_2007 = arith.muli %add3A_1996, %mul3A_2006 : i32
        %swap3A_2008 = arith.index_cast %add3A_1886 : i32 to index
        %swap3A_2009 = arith.index_cast %mul3A_2007 : i32 to index
        %swap3A_2010 = tpu.vector_load %arg7[%swap3A_2008, %swap3A_2009] {strides = array<i32>} : memref<48x104xf32, #tpu.memory_space<vmem>>, vector<1x16xf32>,
        %swap3A_2011 = vector.shape_cast %swap3A_2010 : vector<1x16xf32> to vector<16xf32>
        %swap3A_2012 = vector.shape_cast %get3A_2005 : vector<16xf32> to vector<1x16xf32>
        tpu.vector_store %arg7[%swap3A_2008, %swap3A_2009], %swap3A_2012 {strides = array<i32>} : memref<48x104xf32, #tpu.memory_space<vmem>>, vector<1x16xf32>,
        %scan3A_2013 = arith.constant 6 : i32
        %get3A_2014 = arith.index_cast %rem3A_189 : i32 to index
        %get3A_2015 = arith.index_cast %add3A_1886 : i32 to index
        %get3A_2016 = arith.constant 984 : index
        %get3A_2017 = tpu.vector_load %arg6[%get3A_2014, %get3A_2015, %get3A_2016] {strides = array<i32>} : memref<2x50x1024xf32, #tpu.memory_space<vmem>>, vector<1x1x16xf32>,
        %get3A_2018 = vector.shape_cast %get3A_2017 : vector<1x1x16xf32> to vector<16xf32>
        %swap3A_2019 = arith.index_cast %add3A_1886 : i32 to index
        %swap3A_2020 = arith.constant 88 : index
        %swap3A_2021 = tpu.vector_load %arg7[%swap3A_2019, %swap3A_2020] {strides = array<i32>} : memref<48x104xf32, #tpu.memory_space<vmem>>, vector<1x16xf32>,
        %swap3A_2022 = vector.shape_cast %swap3A_2021 : vector<1x16xf32> to vector<16xf32>
        %swap3A_2023 = vector.shape_cast %get3A_2018 : vector<16xf32> to vector<1x16xf32>
        tpu.vector_store %arg7[%swap3A_2019, %swap3A_2020], %swap3A_2023 {strides = array<i32>} : memref<48x104xf32, #tpu.memory_space<vmem>>, vector<1x16xf32>,
      }
      %scan3A_216 = arith.constant 48 : i32
      %add3A_217 = arith.addi %mul3A_2, %add3A_187 : i32
      %dma_start3A_218 = arith.constant 0 : i32
      %dma_start3A_219 = arith.constant 0 : i32
      %dma_start3A_220 = tpu.memref_slice %arg6[%rem3A_189, %dma_start3A_218, %dma_start3A_219] : memref<2x50x1024xf32, #tpu.memory_space<vmem>> -> memref<1x50x1024xf32, #tpu.memory_space<vmem>>
      %dma_start3A_221 = tpu.memref_squeeze %dma_start3A_220 : memref<1x50x1024xf32, #tpu.memory_space<vmem>> -> memref<50x1024xf32, #tpu.memory_space<vmem>>
      %dma_start3A_222 = arith.constant 0 : i32
      %dma_start3A_223 = arith.constant 0 : i32
      %dma_start3A_224 = tpu.memref_slice %dma_start3A_221[%dma_start3A_222, %dma_start3A_223] : memref<50x1024xf32, #tpu.memory_space<vmem>> -> memref<48x896xf32, #tpu.memory_space<vmem>>
      %dma_start3A_225 = arith.constant 0 : i32
      %dma_start3A_226 = arith.constant 0 : i32
      %dma_start3A_227 = tpu.memref_slice %arg4[%add3A_217, %dma_start3A_225, %dma_start3A_226] : memref<1024x50x1000xf32, #tpu.memory_space<hbm>> -> memref<1x50x1000xf32, #tpu.memory_space<hbm>>
      %dma_start3A_228 = tpu.memref_squeeze %dma_start3A_227 : memref<1x50x1000xf32, #tpu.memory_space<hbm>> -> memref<50x1000xf32, #tpu.memory_space<hbm>>
      %dma_start3A_229 = arith.constant 0 : i32
      %dma_start3A_230 = arith.constant 0 : i32
      %dma_start3A_231 = tpu.memref_slice %dma_start3A_228[%dma_start3A_229, %dma_start3A_230] : memref<50x1000xf32, #tpu.memory_space<hbm>> -> memref<48x896xf32, #tpu.memory_space<hbm>>
      %dma_start3A_232 = arith.constant 0 : i32
      %dma_start3A_233 = arith.constant 0 : i32
      %dma_start3A_234 = tpu.memref_slice %arg4[%add3A_217, %dma_start3A_232, %dma_start3A_233] : memref<1024x50x1000xf32, #tpu.memory_space<hbm>> -> memref<1x50x1000xf32, #tpu.memory_space<hbm>>
      %dma_start3A_235 = tpu.memref_squeeze %dma_start3A_234 : memref<1x50x1000xf32, #tpu.memory_space<hbm>> -> memref<50x1000xf32, #tpu.memory_space<hbm>>
      %dma_start3A_236 = arith.constant 0 : i32
      %dma_start3A_237 = arith.constant 0 : i32
      %dma_start3A_238 = tpu.memref_slice %dma_start3A_235[%dma_start3A_236, %dma_start3A_237] : memref<50x1000xf32, #tpu.memory_space<hbm>> -> memref<48x896xf32, #tpu.memory_space<hbm>>
      %dma_start3A_239 = arith.constant 0 : i32
      %dma_start3A_240 = arith.constant 0 : i32
      %dma_start3A_241 = tpu.memref_slice %arg6[%rem3A_189, %dma_start3A_239, %dma_start3A_240] : memref<2x50x1024xf32, #tpu.memory_space<vmem>> -> memref<1x50x1024xf32, #tpu.memory_space<vmem>>
      %dma_start3A_242 = tpu.memref_squeeze %dma_start3A_241 : memref<1x50x1024xf32, #tpu.memory_space<vmem>> -> memref<50x1024xf32, #tpu.memory_space<vmem>>
      %dma_start3A_243 = arith.constant 0 : i32
      %dma_start3A_244 = arith.constant 0 : i32
      %dma_start3A_245 = tpu.memref_slice %dma_start3A_242[%dma_start3A_243, %dma_start3A_244] : memref<50x1024xf32, #tpu.memory_space<vmem>> -> memref<48x896xf32, #tpu.memory_space<vmem>>
      tpu.enqueue_dma source(%dma_start3A_245 : memref<48x896xf32, #tpu.memory_space<vmem>>) target(%dma_start3A_238 : memref<48x896xf32, #tpu.memory_space<hbm>>) target_semaphore(%arg17 : memref<!tpu.dma_semaphore, #tpu.memory_space<semaphore_mem>>)
      %dma_start3A_246 = arith.constant 0 : i32
      %dma_start3A_247 = arith.constant 0 : i32
      %dma_start3A_248 = tpu.memref_slice %arg4[%add3A_217, %dma_start3A_246, %dma_start3A_247] : memref<1024x50x1000xf32, #tpu.memory_space<hbm>> -> memref<1x50x1000xf32, #tpu.memory_space<hbm>>
      %dma_start3A_249 = tpu.memref_squeeze %dma_start3A_248 : memref<1x50x1000xf32, #tpu.memory_space<hbm>> -> memref<50x1000xf32, #tpu.memory_space<hbm>>
      %dma_start3A_250 = arith.constant 0 : i32
      %dma_start3A_251 = arith.constant 896 : i32
      %dma_start3A_252 = tpu.memref_slice %dma_start3A_249[%dma_start3A_250, %dma_start3A_251] : memref<50x1000xf32, #tpu.memory_space<hbm>> -> memref<48x104xf32, #tpu.memory_space<hbm>>
      %dma_start3A_253 = arith.constant 0 : i32
      %dma_start3A_254 = arith.constant 0 : i32
      %dma_start3A_255 = tpu.memref_slice %arg4[%add3A_217, %dma_start3A_253, %dma_start3A_254] : memref<1024x50x1000xf32, #tpu.memory_space<hbm>> -> memref<1x50x1000xf32, #tpu.memory_space<hbm>>
      %dma_start3A_256 = tpu.memref_squeeze %dma_start3A_255 : memref<1x50x1000xf32, #tpu.memory_space<hbm>> -> memref<50x1000xf32, #tpu.memory_space<hbm>>
      %dma_start3A_257 = arith.constant 0 : i32
      %dma_start3A_258 = arith.constant 896 : i32
      %dma_start3A_259 = tpu.memref_slice %dma_start3A_256[%dma_start3A_257, %dma_start3A_258] : memref<50x1000xf32, #tpu.memory_space<hbm>> -> memref<48x104xf32, #tpu.memory_space<hbm>>
      tpu.enqueue_dma source(%arg7 : memref<48x104xf32, #tpu.memory_space<vmem>>) target(%dma_start3A_259 : memref<48x104xf32, #tpu.memory_space<hbm>>) target_semaphore(%arg17 : memref<!tpu.dma_semaphore, #tpu.memory_space<semaphore_mem>>)
      %get3A = arith.constant 48 : i32
      %get3A_260 = arith.index_cast %rem3A_189 : i32 to index
      %get3A_261 = arith.index_cast %get3A : i32 to index
      %get3A_262 = arith.constant 0 : index
      %get3A_263 = tpu.vector_load %arg6[%get3A_260, %get3A_261, %get3A_262] {strides = array<i32>} : memref<2x50x1024xf32, #tpu.memory_space<vmem>>, vector<1x1x16xf32>,
      %get3A_264 = vector.shape_cast %get3A_263 : vector<1x1x16xf32> to vector<16xf32>
      %swap3A = arith.constant 0 : i32
      %swap3A_265 = arith.index_cast %swap3A : i32 to index
      %swap3A_266 = arith.constant 0 : index
      %swap3A_267 = tpu.vector_load %arg8[%swap3A_265, %swap3A_266] {strides = array<i32>} : memref<2x128xf32, #tpu.memory_space<vmem>>, vector<1x16xf32>,
      %swap3A_268 = vector.shape_cast %swap3A_267 : vector<1x16xf32> to vector<16xf32>
      %swap3A_269 = vector.shape_cast %get3A_264 : vector<16xf32> to vector<1x16xf32>
      tpu.vector_store %arg8[%swap3A_265, %swap3A_266], %swap3A_269 {strides = array<i32>} : memref<2x128xf32, #tpu.memory_space<vmem>>, vector<1x16xf32>,
      %get3A_270 = arith.constant 48 : i32
      %get3A_271 = arith.index_cast %rem3A_189 : i32 to index
      %get3A_272 = arith.index_cast %get3A_270 : i32 to index
      %get3A_273 = arith.constant 16 : index
      %get3A_274 = tpu.vector_load %arg6[%get3A_271, %get3A_272, %get3A_273] {strides = array<i32>} : memref<2x50x1024xf32, #tpu.memory_space<vmem>>, vector<1x1x16xf32>,
      %get3A_275 = vector.shape_cast %get3A_274 : vector<1x1x16xf32> to vector<16xf32>
      %swap3A_276 = arith.constant 0 : i32
      %swap3A_277 = arith.index_cast %swap3A_276 : i32 to index
      %swap3A_278 = arith.constant 16 : index
      %swap3A_279 = tpu.vector_load %arg8[%swap3A_277, %swap3A_278] {strides = array<i32>} : memref<2x128xf32, #tpu.memory_space<vmem>>, vector<1x16xf32>,
      %swap3A_280 = vector.shape_cast %swap3A_279 : vector<1x16xf32> to vector<16xf32>
      %swap3A_281 = vector.shape_cast %get3A_275 : vector<16xf32> to vector<1x16xf32>
      tpu.vector_store %arg8[%swap3A_277, %swap3A_278], %swap3A_281 {strides = array<i32>} : memref<2x128xf32, #tpu.memory_space<vmem>>, vector<1x16xf32>,
      %get3A_282 = arith.constant 48 : i32
      %get3A_283 = arith.index_cast %rem3A_189 : i32 to index
      %get3A_284 = arith.index_cast %get3A_282 : i32 to index
      %get3A_285 = arith.constant 32 : index
      %get3A_286 = tpu.vector_load %arg6[%get3A_283, %get3A_284, %get3A_285] {strides = array<i32>} : memref<2x50x1024xf32, #tpu.memory_space<vmem>>, vector<1x1x16xf32>,
      %get3A_287 = vector.shape_cast %get3A_286 : vector<1x1x16xf32> to vector<16xf32>
      %swap3A_288 = arith.constant 0 : i32
      %swap3A_289 = arith.index_cast %swap3A_288 : i32 to index
      %swap3A_290 = arith.constant 32 : index
      %swap3A_291 = tpu.vector_load %arg8[%swap3A_289, %swap3A_290] {strides = array<i32>} : memref<2x128xf32, #tpu.memory_space<vmem>>, vector<1x16xf32>,
      %swap3A_292 = vector.shape_cast %swap3A_291 : vector<1x16xf32> to vector<16xf32>
      %swap3A_293 = vector.shape_cast %get3A_287 : vector<16xf32> to vector<1x16xf32>
      tpu.vector_store %arg8[%swap3A_289, %swap3A_290], %swap3A_293 {strides = array<i32>} : memref<2x128xf32, #tpu.memory_space<vmem>>, vector<1x16xf32>,
      %get3A_294 = arith.constant 48 : i32
      %get3A_295 = arith.index_cast %rem3A_189 : i32 to index
      %get3A_296 = arith.index_cast %get3A_294 : i32 to index
      %get3A_297 = arith.constant 48 : index
      %get3A_298 = tpu.vector_load %arg6[%get3A_295, %get3A_296, %get3A_297] {strides = array<i32>} : memref<2x50x1024xf32, #tpu.memory_space<vmem>>, vector<1x1x16xf32>,
      %get3A_299 = vector.shape_cast %get3A_298 : vector<1x1x16xf32> to vector<16xf32>
      %swap3A_300 = arith.constant 0 : i32
      %swap3A_301 = arith.index_cast %swap3A_300 : i32 to index
      %swap3A_302 = arith.constant 48 : index
      %swap3A_303 = tpu.vector_load %arg8[%swap3A_301, %swap3A_302] {strides = array<i32>} : memref<2x128xf32, #tpu.memory_space<vmem>>, vector<1x16xf32>,
      %swap3A_304 = vector.shape_cast %swap3A_303 : vector<1x16xf32> to vector<16xf32>
      %swap3A_305 = vector.shape_cast %get3A_299 : vector<16xf32> to vector<1x16xf32>
      tpu.vector_store %arg8[%swap3A_301, %swap3A_302], %swap3A_305 {strides = array<i32>} : memref<2x128xf32, #tpu.memory_space<vmem>>, vector<1x16xf32>,
      %get3A_306 = arith.constant 48 : i32
      %get3A_307 = arith.index_cast %rem3A_189 : i32 to index
      %get3A_308 = arith.index_cast %get3A_306 : i32 to index
      %get3A_309 = arith.constant 64 : index
      %get3A_310 = tpu.vector_load %arg6[%get3A_307, %get3A_308, %get3A_309] {strides = array<i32>} : memref<2x50x1024xf32, #tpu.memory_space<vmem>>, vector<1x1x16xf32>,
      %get3A_311 = vector.shape_cast %get3A_310 : vector<1x1x16xf32> to vector<16xf32>
      %swap3A_312 = arith.constant 0 : i32
      %swap3A_313 = arith.index_cast %swap3A_312 : i32 to index
      %swap3A_314 = arith.constant 64 : index
      %swap3A_315 = tpu.vector_load %arg8[%swap3A_313, %swap3A_314] {strides = array<i32>} : memref<2x128xf32, #tpu.memory_space<vmem>>, vector<1x16xf32>,
      %swap3A_316 = vector.shape_cast %swap3A_315 : vector<1x16xf32> to vector<16xf32>
      %swap3A_317 = vector.shape_cast %get3A_311 : vector<16xf32> to vector<1x16xf32>
      tpu.vector_store %arg8[%swap3A_313, %swap3A_314], %swap3A_317 {strides = array<i32>} : memref<2x128xf32, #tpu.memory_space<vmem>>, vector<1x16xf32>,
      %get3A_318 = arith.constant 48 : i32
      %get3A_319 = arith.index_cast %rem3A_189 : i32 to index
      %get3A_320 = arith.index_cast %get3A_318 : i32 to index
      %get3A_321 = arith.constant 80 : index
      %get3A_322 = tpu.vector_load %arg6[%get3A_319, %get3A_320, %get3A_321] {strides = array<i32>} : memref<2x50x1024xf32, #tpu.memory_space<vmem>>, vector<1x1x16xf32>,
      %get3A_323 = vector.shape_cast %get3A_322 : vector<1x1x16xf32> to vector<16xf32>
      %swap3A_324 = arith.constant 0 : i32
      %swap3A_325 = arith.index_cast %swap3A_324 : i32 to index
      %swap3A_326 = arith.constant 80 : index
      %swap3A_327 = tpu.vector_load %arg8[%swap3A_325, %swap3A_326] {strides = array<i32>} : memref<2x128xf32, #tpu.memory_space<vmem>>, vector<1x16xf32>,
      %swap3A_328 = vector.shape_cast %swap3A_327 : vector<1x16xf32> to vector<16xf32>
      %swap3A_329 = vector.shape_cast %get3A_323 : vector<16xf32> to vector<1x16xf32>
      tpu.vector_store %arg8[%swap3A_325, %swap3A_326], %swap3A_329 {strides = array<i32>} : memref<2x128xf32, #tpu.memory_space<vmem>>, vector<1x16xf32>,
      %get3A_330 = arith.constant 48 : i32
      %get3A_331 = arith.index_cast %rem3A_189 : i32 to index
      %get3A_332 = arith.index_cast %get3A_330 : i32 to index
      %get3A_333 = arith.constant 96 : index
      %get3A_334 = tpu.vector_load %arg6[%get3A_331, %get3A_332, %get3A_333] {strides = array<i32>} : memref<2x50x1024xf32, #tpu.memory_space<vmem>>, vector<1x1x16xf32>,
      %get3A_335 = vector.shape_cast %get3A_334 : vector<1x1x16xf32> to vector<16xf32>
      %swap3A_336 = arith.constant 0 : i32
      %swap3A_337 = arith.index_cast %swap3A_336 : i32 to index
      %swap3A_338 = arith.constant 96 : index
      %swap3A_339 = tpu.vector_load %arg8[%swap3A_337, %swap3A_338] {strides = array<i32>} : memref<2x128xf32, #tpu.memory_space<vmem>>, vector<1x16xf32>,
      %swap3A_340 = vector.shape_cast %swap3A_339 : vector<1x16xf32> to vector<16xf32>
      %swap3A_341 = vector.shape_cast %get3A_335 : vector<16xf32> to vector<1x16xf32>
      tpu.vector_store %arg8[%swap3A_337, %swap3A_338], %swap3A_341 {strides = array<i32>} : memref<2x128xf32, #tpu.memory_space<vmem>>, vector<1x16xf32>,
      %get3A_342 = arith.constant 48 : i32
      %get3A_343 = arith.index_cast %rem3A_189 : i32 to index
      %get3A_344 = arith.index_cast %get3A_342 : i32 to index
      %get3A_345 = arith.constant 112 : index
      %get3A_346 = tpu.vector_load %arg6[%get3A_343, %get3A_344, %get3A_345] {strides = array<i32>} : memref<2x50x1024xf32, #tpu.memory_space<vmem>>, vector<1x1x16xf32>,
      %get3A_347 = vector.shape_cast %get3A_346 : vector<1x1x16xf32> to vector<16xf32>
      %swap3A_348 = arith.constant 0 : i32
      %swap3A_349 = arith.index_cast %swap3A_348 : i32 to index
      %swap3A_350 = arith.constant 112 : index
      %swap3A_351 = tpu.vector_load %arg8[%swap3A_349, %swap3A_350] {strides = array<i32>} : memref<2x128xf32, #tpu.memory_space<vmem>>, vector<1x16xf32>,
      %swap3A_352 = vector.shape_cast %swap3A_351 : vector<1x16xf32> to vector<16xf32>
      %swap3A_353 = vector.shape_cast %get3A_347 : vector<16xf32> to vector<1x16xf32>
      tpu.vector_store %arg8[%swap3A_349, %swap3A_350], %swap3A_353 {strides = array<i32>} : memref<2x128xf32, #tpu.memory_space<vmem>>, vector<1x16xf32>,
      %get3A_354 = arith.constant 49 : i32
      %get3A_355 = arith.index_cast %rem3A_189 : i32 to index
      %get3A_356 = arith.index_cast %get3A_354 : i32 to index
      %get3A_357 = arith.constant 0 : index
      %get3A_358 = tpu.vector_load %arg6[%get3A_355, %get3A_356, %get3A_357] {strides = array<i32>} : memref<2x50x1024xf32, #tpu.memory_space<vmem>>, vector<1x1x16xf32>,
      %get3A_359 = vector.shape_cast %get3A_358 : vector<1x1x16xf32> to vector<16xf32>
      %swap3A_360 = arith.constant 1 : i32
      %swap3A_361 = arith.index_cast %swap3A_360 : i32 to index
      %swap3A_362 = arith.constant 0 : index
      %swap3A_363 = tpu.vector_load %arg8[%swap3A_361, %swap3A_362] {strides = array<i32>} : memref<2x128xf32, #tpu.memory_space<vmem>>, vector<1x16xf32>,
      %swap3A_364 = vector.shape_cast %swap3A_363 : vector<1x16xf32> to vector<16xf32>
      %swap3A_365 = vector.shape_cast %get3A_359 : vector<16xf32> to vector<1x16xf32>
      tpu.vector_store %arg8[%swap3A_361, %swap3A_362], %swap3A_365 {strides = array<i32>} : memref<2x128xf32, #tpu.memory_space<vmem>>, vector<1x16xf32>,
      %get3A_366 = arith.constant 49 : i32
      %get3A_367 = arith.index_cast %rem3A_189 : i32 to index
      %get3A_368 = arith.index_cast %get3A_366 : i32 to index
      %get3A_369 = arith.constant 16 : index
      %get3A_370 = tpu.vector_load %arg6[%get3A_367, %get3A_368, %get3A_369] {strides = array<i32>} : memref<2x50x1024xf32, #tpu.memory_space<vmem>>, vector<1x1x16xf32>,
      %get3A_371 = vector.shape_cast %get3A_370 : vector<1x1x16xf32> to vector<16xf32>
      %swap3A_372 = arith.constant 1 : i32
      %swap3A_373 = arith.index_cast %swap3A_372 : i32 to index
      %swap3A_374 = arith.constant 16 : index
      %swap3A_375 = tpu.vector_load %arg8[%swap3A_373, %swap3A_374] {strides = array<i32>} : memref<2x128xf32, #tpu.memory_space<vmem>>, vector<1x16xf32>,
      %swap3A_376 = vector.shape_cast %swap3A_375 : vector<1x16xf32> to vector<16xf32>
      %swap3A_377 = vector.shape_cast %get3A_371 : vector<16xf32> to vector<1x16xf32>
      tpu.vector_store %arg8[%swap3A_373, %swap3A_374], %swap3A_377 {strides = array<i32>} : memref<2x128xf32, #tpu.memory_space<vmem>>, vector<1x16xf32>,
      %get3A_378 = arith.constant 49 : i32
      %get3A_379 = arith.index_cast %rem3A_189 : i32 to index
      %get3A_380 = arith.index_cast %get3A_378 : i32 to index
      %get3A_381 = arith.constant 32 : index
      %get3A_382 = tpu.vector_load %arg6[%get3A_379, %get3A_380, %get3A_381] {strides = array<i32>} : memref<2x50x1024xf32, #tpu.memory_space<vmem>>, vector<1x1x16xf32>,
      %get3A_383 = vector.shape_cast %get3A_382 : vector<1x1x16xf32> to vector<16xf32>
      %swap3A_384 = arith.constant 1 : i32
      %swap3A_385 = arith.index_cast %swap3A_384 : i32 to index
      %swap3A_386 = arith.constant 32 : index
      %swap3A_387 = tpu.vector_load %arg8[%swap3A_385, %swap3A_386] {strides = array<i32>} : memref<2x128xf32, #tpu.memory_space<vmem>>, vector<1x16xf32>,
      %swap3A_388 = vector.shape_cast %swap3A_387 : vector<1x16xf32> to vector<16xf32>
      %swap3A_389 = vector.shape_cast %get3A_383 : vector<16xf32> to vector<1x16xf32>
      tpu.vector_store %arg8[%swap3A_385, %swap3A_386], %swap3A_389 {strides = array<i32>} : memref<2x128xf32, #tpu.memory_space<vmem>>, vector<1x16xf32>,
      %get3A_390 = arith.constant 49 : i32
      %get3A_391 = arith.index_cast %rem3A_189 : i32 to index
      %get3A_392 = arith.index_cast %get3A_390 : i32 to index
      %get3A_393 = arith.constant 48 : index
      %get3A_394 = tpu.vector_load %arg6[%get3A_391, %get3A_392, %get3A_393] {strides = array<i32>} : memref<2x50x1024xf32, #tpu.memory_space<vmem>>, vector<1x1x16xf32>,
      %get3A_395 = vector.shape_cast %get3A_394 : vector<1x1x16xf32> to vector<16xf32>
      %swap3A_396 = arith.constant 1 : i32
      %swap3A_397 = arith.index_cast %swap3A_396 : i32 to index
      %swap3A_398 = arith.constant 48 : index
      %swap3A_399 = tpu.vector_load %arg8[%swap3A_397, %swap3A_398] {strides = array<i32>} : memref<2x128xf32, #tpu.memory_space<vmem>>, vector<1x16xf32>,
      %swap3A_400 = vector.shape_cast %swap3A_399 : vector<1x16xf32> to vector<16xf32>
      %swap3A_401 = vector.shape_cast %get3A_395 : vector<16xf32> to vector<1x16xf32>
      tpu.vector_store %arg8[%swap3A_397, %swap3A_398], %swap3A_401 {strides = array<i32>} : memref<2x128xf32, #tpu.memory_space<vmem>>, vector<1x16xf32>,
      %get3A_402 = arith.constant 49 : i32
      %get3A_403 = arith.index_cast %rem3A_189 : i32 to index
      %get3A_404 = arith.index_cast %get3A_402 : i32 to index
      %get3A_405 = arith.constant 64 : index
      %get3A_406 = tpu.vector_load %arg6[%get3A_403, %get3A_404, %get3A_405] {strides = array<i32>} : memref<2x50x1024xf32, #tpu.memory_space<vmem>>, vector<1x1x16xf32>,
      %get3A_407 = vector.shape_cast %get3A_406 : vector<1x1x16xf32> to vector<16xf32>
      %swap3A_408 = arith.constant 1 : i32
      %swap3A_409 = arith.index_cast %swap3A_408 : i32 to index
      %swap3A_410 = arith.constant 64 : index
      %swap3A_411 = tpu.vector_load %arg8[%swap3A_409, %swap3A_410] {strides = array<i32>} : memref<2x128xf32, #tpu.memory_space<vmem>>, vector<1x16xf32>,
      %swap3A_412 = vector.shape_cast %swap3A_411 : vector<1x16xf32> to vector<16xf32>
      %swap3A_413 = vector.shape_cast %get3A_407 : vector<16xf32> to vector<1x16xf32>
      tpu.vector_store %arg8[%swap3A_409, %swap3A_410], %swap3A_413 {strides = array<i32>} : memref<2x128xf32, #tpu.memory_space<vmem>>, vector<1x16xf32>,
      %get3A_414 = arith.constant 49 : i32
      %get3A_415 = arith.index_cast %rem3A_189 : i32 to index
      %get3A_416 = arith.index_cast %get3A_414 : i32 to index
      %get3A_417 = arith.constant 80 : index
      %get3A_418 = tpu.vector_load %arg6[%get3A_415, %get3A_416, %get3A_417] {strides = array<i32>} : memref<2x50x1024xf32, #tpu.memory_space<vmem>>, vector<1x1x16xf32>,
      %get3A_419 = vector.shape_cast %get3A_418 : vector<1x1x16xf32> to vector<16xf32>
      %swap3A_420 = arith.constant 1 : i32
      %swap3A_421 = arith.index_cast %swap3A_420 : i32 to index
      %swap3A_422 = arith.constant 80 : index
      %swap3A_423 = tpu.vector_load %arg8[%swap3A_421, %swap3A_422] {strides = array<i32>} : memref<2x128xf32, #tpu.memory_space<vmem>>, vector<1x16xf32>,
      %swap3A_424 = vector.shape_cast %swap3A_423 : vector<1x16xf32> to vector<16xf32>
      %swap3A_425 = vector.shape_cast %get3A_419 : vector<16xf32> to vector<1x16xf32>
      tpu.vector_store %arg8[%swap3A_421, %swap3A_422], %swap3A_425 {strides = array<i32>} : memref<2x128xf32, #tpu.memory_space<vmem>>, vector<1x16xf32>,
      %get3A_426 = arith.constant 49 : i32
      %get3A_427 = arith.index_cast %rem3A_189 : i32 to index
      %get3A_428 = arith.index_cast %get3A_426 : i32 to index
      %get3A_429 = arith.constant 96 : index
      %get3A_430 = tpu.vector_load %arg6[%get3A_427, %get3A_428, %get3A_429] {strides = array<i32>} : memref<2x50x1024xf32, #tpu.memory_space<vmem>>, vector<1x1x16xf32>,
      %get3A_431 = vector.shape_cast %get3A_430 : vector<1x1x16xf32> to vector<16xf32>
      %swap3A_432 = arith.constant 1 : i32
      %swap3A_433 = arith.index_cast %swap3A_432 : i32 to index
      %swap3A_434 = arith.constant 96 : index
      %swap3A_435 = tpu.vector_load %arg8[%swap3A_433, %swap3A_434] {strides = array<i32>} : memref<2x128xf32, #tpu.memory_space<vmem>>, vector<1x16xf32>,
      %swap3A_436 = vector.shape_cast %swap3A_435 : vector<1x16xf32> to vector<16xf32>
      %swap3A_437 = vector.shape_cast %get3A_431 : vector<16xf32> to vector<1x16xf32>
      tpu.vector_store %arg8[%swap3A_433, %swap3A_434], %swap3A_437 {strides = array<i32>} : memref<2x128xf32, #tpu.memory_space<vmem>>, vector<1x16xf32>,
      %get3A_438 = arith.constant 49 : i32
      %get3A_439 = arith.index_cast %rem3A_189 : i32 to index
      %get3A_440 = arith.index_cast %get3A_438 : i32 to index
      %get3A_441 = arith.constant 112 : index
      %get3A_442 = tpu.vector_load %arg6[%get3A_439, %get3A_440, %get3A_441] {strides = array<i32>} : memref<2x50x1024xf32, #tpu.memory_space<vmem>>, vector<1x1x16xf32>,
      %get3A_443 = vector.shape_cast %get3A_442 : vector<1x1x16xf32> to vector<16xf32>
      %swap3A_444 = arith.constant 1 : i32
      %swap3A_445 = arith.index_cast %swap3A_444 : i32 to index
      %swap3A_446 = arith.constant 112 : index
      %swap3A_447 = tpu.vector_load %arg8[%swap3A_445, %swap3A_446] {strides = array<i32>} : memref<2x128xf32, #tpu.memory_space<vmem>>, vector<1x16xf32>,
      %swap3A_448 = vector.shape_cast %swap3A_447 : vector<1x16xf32> to vector<16xf32>
      %swap3A_449 = vector.shape_cast %get3A_443 : vector<16xf32> to vector<1x16xf32>
      tpu.vector_store %arg8[%swap3A_445, %swap3A_446], %swap3A_449 {strides = array<i32>} : memref<2x128xf32, #tpu.memory_space<vmem>>, vector<1x16xf32>,
      %get3A_450 = arith.constant 48 : i32
      %get3A_451 = arith.index_cast %rem3A_189 : i32 to index
      %get3A_452 = arith.index_cast %get3A_450 : i32 to index
      %get3A_453 = arith.constant 128 : index
      %get3A_454 = tpu.vector_load %arg6[%get3A_451, %get3A_452, %get3A_453] {strides = array<i32>} : memref<2x50x1024xf32, #tpu.memory_space<vmem>>, vector<1x1x16xf32>,
      %get3A_455 = vector.shape_cast %get3A_454 : vector<1x1x16xf32> to vector<16xf32>
      %swap3A_456 = arith.constant 0 : i32
      %swap3A_457 = arith.index_cast %swap3A_456 : i32 to index
      %swap3A_458 = arith.constant 0 : index
      %swap3A_459 = tpu.vector_load %arg9[%swap3A_457, %swap3A_458] {strides = array<i32>} : memref<2x128xf32, #tpu.memory_space<vmem>>, vector<1x16xf32>,
      %swap3A_460 = vector.shape_cast %swap3A_459 : vector<1x16xf32> to vector<16xf32>
      %swap3A_461 = vector.shape_cast %get3A_455 : vector<16xf32> to vector<1x16xf32>
      tpu.vector_store %arg9[%swap3A_457, %swap3A_458], %swap3A_461 {strides = array<i32>} : memref<2x128xf32, #tpu.memory_space<vmem>>, vector<1x16xf32>,
      %get3A_462 = arith.constant 48 : i32
      %get3A_463 = arith.index_cast %rem3A_189 : i32 to index
      %get3A_464 = arith.index_cast %get3A_462 : i32 to index
      %get3A_465 = arith.constant 144 : index
      %get3A_466 = tpu.vector_load %arg6[%get3A_463, %get3A_464, %get3A_465] {strides = array<i32>} : memref<2x50x1024xf32, #tpu.memory_space<vmem>>, vector<1x1x16xf32>,
      %get3A_467 = vector.shape_cast %get3A_466 : vector<1x1x16xf32> to vector<16xf32>
      %swap3A_468 = arith.constant 0 : i32
      %swap3A_469 = arith.index_cast %swap3A_468 : i32 to index
      %swap3A_470 = arith.constant 16 : index
      %swap3A_471 = tpu.vector_load %arg9[%swap3A_469, %swap3A_470] {strides = array<i32>} : memref<2x128xf32, #tpu.memory_space<vmem>>, vector<1x16xf32>,
      %swap3A_472 = vector.shape_cast %swap3A_471 : vector<1x16xf32> to vector<16xf32>
      %swap3A_473 = vector.shape_cast %get3A_467 : vector<16xf32> to vector<1x16xf32>
      tpu.vector_store %arg9[%swap3A_469, %swap3A_470], %swap3A_473 {strides = array<i32>} : memref<2x128xf32, #tpu.memory_space<vmem>>, vector<1x16xf32>,
      %get3A_474 = arith.constant 48 : i32
      %get3A_475 = arith.index_cast %rem3A_189 : i32 to index
      %get3A_476 = arith.index_cast %get3A_474 : i32 to index
      %get3A_477 = arith.constant 160 : index
      %get3A_478 = tpu.vector_load %arg6[%get3A_475, %get3A_476, %get3A_477] {strides = array<i32>} : memref<2x50x1024xf32, #tpu.memory_space<vmem>>, vector<1x1x16xf32>,
      %get3A_479 = vector.shape_cast %get3A_478 : vector<1x1x16xf32> to vector<16xf32>
      %swap3A_480 = arith.constant 0 : i32
      %swap3A_481 = arith.index_cast %swap3A_480 : i32 to index
      %swap3A_482 = arith.constant 32 : index
      %swap3A_483 = tpu.vector_load %arg9[%swap3A_481, %swap3A_482] {strides = array<i32>} : memref<2x128xf32, #tpu.memory_space<vmem>>, vector<1x16xf32>,
      %swap3A_484 = vector.shape_cast %swap3A_483 : vector<1x16xf32> to vector<16xf32>
      %swap3A_485 = vector.shape_cast %get3A_479 : vector<16xf32> to vector<1x16xf32>
      tpu.vector_store %arg9[%swap3A_481, %swap3A_482], %swap3A_485 {strides = array<i32>} : memref<2x128xf32, #tpu.memory_space<vmem>>, vector<1x16xf32>,
      %get3A_486 = arith.constant 48 : i32
      %get3A_487 = arith.index_cast %rem3A_189 : i32 to index
      %get3A_488 = arith.index_cast %get3A_486 : i32 to index
      %get3A_489 = arith.constant 176 : index
      %get3A_490 = tpu.vector_load %arg6[%get3A_487, %get3A_488, %get3A_489] {strides = array<i32>} : memref<2x50x1024xf32, #tpu.memory_space<vmem>>, vector<1x1x16xf32>,
      %get3A_491 = vector.shape_cast %get3A_490 : vector<1x1x16xf32> to vector<16xf32>
      %swap3A_492 = arith.constant 0 : i32
      %swap3A_493 = arith.index_cast %swap3A_492 : i32 to index
      %swap3A_494 = arith.constant 48 : index
      %swap3A_495 = tpu.vector_load %arg9[%swap3A_493, %swap3A_494] {strides = array<i32>} : memref<2x128xf32, #tpu.memory_space<vmem>>, vector<1x16xf32>,
      %swap3A_496 = vector.shape_cast %swap3A_495 : vector<1x16xf32> to vector<16xf32>
      %swap3A_497 = vector.shape_cast %get3A_491 : vector<16xf32> to vector<1x16xf32>
      tpu.vector_store %arg9[%swap3A_493, %swap3A_494], %swap3A_497 {strides = array<i32>} : memref<2x128xf32, #tpu.memory_space<vmem>>, vector<1x16xf32>,
      %get3A_498 = arith.constant 48 : i32
      %get3A_499 = arith.index_cast %rem3A_189 : i32 to index
      %get3A_500 = arith.index_cast %get3A_498 : i32 to index
      %get3A_501 = arith.constant 192 : index
      %get3A_502 = tpu.vector_load %arg6[%get3A_499, %get3A_500, %get3A_501] {strides = array<i32>} : memref<2x50x1024xf32, #tpu.memory_space<vmem>>, vector<1x1x16xf32>,
      %get3A_503 = vector.shape_cast %get3A_502 : vector<1x1x16xf32> to vector<16xf32>
      %swap3A_504 = arith.constant 0 : i32
      %swap3A_505 = arith.index_cast %swap3A_504 : i32 to index
      %swap3A_506 = arith.constant 64 : index
      %swap3A_507 = tpu.vector_load %arg9[%swap3A_505, %swap3A_506] {strides = array<i32>} : memref<2x128xf32, #tpu.memory_space<vmem>>, vector<1x16xf32>,
      %swap3A_508 = vector.shape_cast %swap3A_507 : vector<1x16xf32> to vector<16xf32>
      %swap3A_509 = vector.shape_cast %get3A_503 : vector<16xf32> to vector<1x16xf32>
      tpu.vector_store %arg9[%swap3A_505, %swap3A_506], %swap3A_509 {strides = array<i32>} : memref<2x128xf32, #tpu.memory_space<vmem>>, vector<1x16xf32>,
      %get3A_510 = arith.constant 48 : i32
      %get3A_511 = arith.index_cast %rem3A_189 : i32 to index
      %get3A_512 = arith.index_cast %get3A_510 : i32 to index
      %get3A_513 = arith.constant 208 : index
      %get3A_514 = tpu.vector_load %arg6[%get3A_511, %get3A_512, %get3A_513] {strides = array<i32>} : memref<2x50x1024xf32, #tpu.memory_space<vmem>>, vector<1x1x16xf32>,
      %get3A_515 = vector.shape_cast %get3A_514 : vector<1x1x16xf32> to vector<16xf32>
      %swap3A_516 = arith.constant 0 : i32
      %swap3A_517 = arith.index_cast %swap3A_516 : i32 to index
      %swap3A_518 = arith.constant 80 : index
      %swap3A_519 = tpu.vector_load %arg9[%swap3A_517, %swap3A_518] {strides = array<i32>} : memref<2x128xf32, #tpu.memory_space<vmem>>, vector<1x16xf32>,
      %swap3A_520 = vector.shape_cast %swap3A_519 : vector<1x16xf32> to vector<16xf32>
      %swap3A_521 = vector.shape_cast %get3A_515 : vector<16xf32> to vector<1x16xf32>
      tpu.vector_store %arg9[%swap3A_517, %swap3A_518], %swap3A_521 {strides = array<i32>} : memref<2x128xf32, #tpu.memory_space<vmem>>, vector<1x16xf32>,
      %get3A_522 = arith.constant 48 : i32
      %get3A_523 = arith.index_cast %rem3A_189 : i32 to index
      %get3A_524 = arith.index_cast %get3A_522 : i32 to index
      %get3A_525 = arith.constant 224 : index
      %get3A_526 = tpu.vector_load %arg6[%get3A_523, %get3A_524, %get3A_525] {strides = array<i32>} : memref<2x50x1024xf32, #tpu.memory_space<vmem>>, vector<1x1x16xf32>,
      %get3A_527 = vector.shape_cast %get3A_526 : vector<1x1x16xf32> to vector<16xf32>
      %swap3A_528 = arith.constant 0 : i32
      %swap3A_529 = arith.index_cast %swap3A_528 : i32 to index
      %swap3A_530 = arith.constant 96 : index
      %swap3A_531 = tpu.vector_load %arg9[%swap3A_529, %swap3A_530] {strides = array<i32>} : memref<2x128xf32, #tpu.memory_space<vmem>>, vector<1x16xf32>,
      %swap3A_532 = vector.shape_cast %swap3A_531 : vector<1x16xf32> to vector<16xf32>
      %swap3A_533 = vector.shape_cast %get3A_527 : vector<16xf32> to vector<1x16xf32>
      tpu.vector_store %arg9[%swap3A_529, %swap3A_530], %swap3A_533 {strides = array<i32>} : memref<2x128xf32, #tpu.memory_space<vmem>>, vector<1x16xf32>,
      %get3A_534 = arith.constant 48 : i32
      %get3A_535 = arith.index_cast %rem3A_189 : i32 to index
      %get3A_536 = arith.index_cast %get3A_534 : i32 to index
      %get3A_537 = arith.constant 240 : index
      %get3A_538 = tpu.vector_load %arg6[%get3A_535, %get3A_536, %get3A_537] {strides = array<i32>} : memref<2x50x1024xf32, #tpu.memory_space<vmem>>, vector<1x1x16xf32>,
      %get3A_539 = vector.shape_cast %get3A_538 : vector<1x1x16xf32> to vector<16xf32>
      %swap3A_540 = arith.constant 0 : i32
      %swap3A_541 = arith.index_cast %swap3A_540 : i32 to index
      %swap3A_542 = arith.constant 112 : index
      %swap3A_543 = tpu.vector_load %arg9[%swap3A_541, %swap3A_542] {strides = array<i32>} : memref<2x128xf32, #tpu.memory_space<vmem>>, vector<1x16xf32>,
      %swap3A_544 = vector.shape_cast %swap3A_543 : vector<1x16xf32> to vector<16xf32>
      %swap3A_545 = vector.shape_cast %get3A_539 : vector<16xf32> to vector<1x16xf32>
      tpu.vector_store %arg9[%swap3A_541, %swap3A_542], %swap3A_545 {strides = array<i32>} : memref<2x128xf32, #tpu.memory_space<vmem>>, vector<1x16xf32>,
      %get3A_546 = arith.constant 49 : i32
      %get3A_547 = arith.index_cast %rem3A_189 : i32 to index
      %get3A_548 = arith.index_cast %get3A_546 : i32 to index
      %get3A_549 = arith.constant 128 : index
      %get3A_550 = tpu.vector_load %arg6[%get3A_547, %get3A_548, %get3A_549] {strides = array<i32>} : memref<2x50x1024xf32, #tpu.memory_space<vmem>>, vector<1x1x16xf32>,
      %get3A_551 = vector.shape_cast %get3A_550 : vector<1x1x16xf32> to vector<16xf32>
      %swap3A_552 = arith.constant 1 : i32
      %swap3A_553 = arith.index_cast %swap3A_552 : i32 to index
      %swap3A_554 = arith.constant 0 : index
      %swap3A_555 = tpu.vector_load %arg9[%swap3A_553, %swap3A_554] {strides = array<i32>} : memref<2x128xf32, #tpu.memory_space<vmem>>, vector<1x16xf32>,
      %swap3A_556 = vector.shape_cast %swap3A_555 : vector<1x16xf32> to vector<16xf32>
      %swap3A_557 = vector.shape_cast %get3A_551 : vector<16xf32> to vector<1x16xf32>
      tpu.vector_store %arg9[%swap3A_553, %swap3A_554], %swap3A_557 {strides = array<i32>} : memref<2x128xf32, #tpu.memory_space<vmem>>, vector<1x16xf32>,
      %get3A_558 = arith.constant 49 : i32
      %get3A_559 = arith.index_cast %rem3A_189 : i32 to index
      %get3A_560 = arith.index_cast %get3A_558 : i32 to index
      %get3A_561 = arith.constant 144 : index
      %get3A_562 = tpu.vector_load %arg6[%get3A_559, %get3A_560, %get3A_561] {strides = array<i32>} : memref<2x50x1024xf32, #tpu.memory_space<vmem>>, vector<1x1x16xf32>,
      %get3A_563 = vector.shape_cast %get3A_562 : vector<1x1x16xf32> to vector<16xf32>
      %swap3A_564 = arith.constant 1 : i32
      %swap3A_565 = arith.index_cast %swap3A_564 : i32 to index
      %swap3A_566 = arith.constant 16 : index
      %swap3A_567 = tpu.vector_load %arg9[%swap3A_565, %swap3A_566] {strides = array<i32>} : memref<2x128xf32, #tpu.memory_space<vmem>>, vector<1x16xf32>,
      %swap3A_568 = vector.shape_cast %swap3A_567 : vector<1x16xf32> to vector<16xf32>
      %swap3A_569 = vector.shape_cast %get3A_563 : vector<16xf32> to vector<1x16xf32>
      tpu.vector_store %arg9[%swap3A_565, %swap3A_566], %swap3A_569 {strides = array<i32>} : memref<2x128xf32, #tpu.memory_space<vmem>>, vector<1x16xf32>,
      %get3A_570 = arith.constant 49 : i32
      %get3A_571 = arith.index_cast %rem3A_189 : i32 to index
      %get3A_572 = arith.index_cast %get3A_570 : i32 to index
      %get3A_573 = arith.constant 160 : index
      %get3A_574 = tpu.vector_load %arg6[%get3A_571, %get3A_572, %get3A_573] {strides = array<i32>} : memref<2x50x1024xf32, #tpu.memory_space<vmem>>, vector<1x1x16xf32>,
      %get3A_575 = vector.shape_cast %get3A_574 : vector<1x1x16xf32> to vector<16xf32>
      %swap3A_576 = arith.constant 1 : i32
      %swap3A_577 = arith.index_cast %swap3A_576 : i32 to index
      %swap3A_578 = arith.constant 32 : index
      %swap3A_579 = tpu.vector_load %arg9[%swap3A_577, %swap3A_578] {strides = array<i32>} : memref<2x128xf32, #tpu.memory_space<vmem>>, vector<1x16xf32>,
      %swap3A_580 = vector.shape_cast %swap3A_579 : vector<1x16xf32> to vector<16xf32>
      %swap3A_581 = vector.shape_cast %get3A_575 : vector<16xf32> to vector<1x16xf32>
      tpu.vector_store %arg9[%swap3A_577, %swap3A_578], %swap3A_581 {strides = array<i32>} : memref<2x128xf32, #tpu.memory_space<vmem>>, vector<1x16xf32>,
      %get3A_582 = arith.constant 49 : i32
      %get3A_583 = arith.index_cast %rem3A_189 : i32 to index
      %get3A_584 = arith.index_cast %get3A_582 : i32 to index
      %get3A_585 = arith.constant 176 : index
      %get3A_586 = tpu.vector_load %arg6[%get3A_583, %get3A_584, %get3A_585] {strides = array<i32>} : memref<2x50x1024xf32, #tpu.memory_space<vmem>>, vector<1x1x16xf32>,
      %get3A_587 = vector.shape_cast %get3A_586 : vector<1x1x16xf32> to vector<16xf32>
      %swap3A_588 = arith.constant 1 : i32
      %swap3A_589 = arith.index_cast %swap3A_588 : i32 to index
      %swap3A_590 = arith.constant 48 : index
      %swap3A_591 = tpu.vector_load %arg9[%swap3A_589, %swap3A_590] {strides = array<i32>} : memref<2x128xf32, #tpu.memory_space<vmem>>, vector<1x16xf32>,
      %swap3A_592 = vector.shape_cast %swap3A_591 : vector<1x16xf32> to vector<16xf32>
      %swap3A_593 = vector.shape_cast %get3A_587 : vector<16xf32> to vector<1x16xf32>
      tpu.vector_store %arg9[%swap3A_589, %swap3A_590], %swap3A_593 {strides = array<i32>} : memref<2x128xf32, #tpu.memory_space<vmem>>, vector<1x16xf32>,
      %get3A_594 = arith.constant 49 : i32
      %get3A_595 = arith.index_cast %rem3A_189 : i32 to index
      %get3A_596 = arith.index_cast %get3A_594 : i32 to index
      %get3A_597 = arith.constant 192 : index
      %get3A_598 = tpu.vector_load %arg6[%get3A_595, %get3A_596, %get3A_597] {strides = array<i32>} : memref<2x50x1024xf32, #tpu.memory_space<vmem>>, vector<1x1x16xf32>,
      %get3A_599 = vector.shape_cast %get3A_598 : vector<1x1x16xf32> to vector<16xf32>
      %swap3A_600 = arith.constant 1 : i32
      %swap3A_601 = arith.index_cast %swap3A_600 : i32 to index
      %swap3A_602 = arith.constant 64 : index
      %swap3A_603 = tpu.vector_load %arg9[%swap3A_601, %swap3A_602] {strides = array<i32>} : memref<2x128xf32, #tpu.memory_space<vmem>>, vector<1x16xf32>,
      %swap3A_604 = vector.shape_cast %swap3A_603 : vector<1x16xf32> to vector<16xf32>
      %swap3A_605 = vector.shape_cast %get3A_599 : vector<16xf32> to vector<1x16xf32>
      tpu.vector_store %arg9[%swap3A_601, %swap3A_602], %swap3A_605 {strides = array<i32>} : memref<2x128xf32, #tpu.memory_space<vmem>>, vector<1x16xf32>,
      %get3A_606 = arith.constant 49 : i32
      %get3A_607 = arith.index_cast %rem3A_189 : i32 to index
      %get3A_608 = arith.index_cast %get3A_606 : i32 to index
      %get3A_609 = arith.constant 208 : index
      %get3A_610 = tpu.vector_load %arg6[%get3A_607, %get3A_608, %get3A_609] {strides = array<i32>} : memref<2x50x1024xf32, #tpu.memory_space<vmem>>, vector<1x1x16xf32>,
      %get3A_611 = vector.shape_cast %get3A_610 : vector<1x1x16xf32> to vector<16xf32>
      %swap3A_612 = arith.constant 1 : i32
      %swap3A_613 = arith.index_cast %swap3A_612 : i32 to index
      %swap3A_614 = arith.constant 80 : index
      %swap3A_615 = tpu.vector_load %arg9[%swap3A_613, %swap3A_614] {strides = array<i32>} : memref<2x128xf32, #tpu.memory_space<vmem>>, vector<1x16xf32>,
      %swap3A_616 = vector.shape_cast %swap3A_615 : vector<1x16xf32> to vector<16xf32>
      %swap3A_617 = vector.shape_cast %get3A_611 : vector<16xf32> to vector<1x16xf32>
      tpu.vector_store %arg9[%swap3A_613, %swap3A_614], %swap3A_617 {strides = array<i32>} : memref<2x128xf32, #tpu.memory_space<vmem>>, vector<1x16xf32>,
      %get3A_618 = arith.constant 49 : i32
      %get3A_619 = arith.index_cast %rem3A_189 : i32 to index
      %get3A_620 = arith.index_cast %get3A_618 : i32 to index
      %get3A_621 = arith.constant 224 : index
      %get3A_622 = tpu.vector_load %arg6[%get3A_619, %get3A_620, %get3A_621] {strides = array<i32>} : memref<2x50x1024xf32, #tpu.memory_space<vmem>>, vector<1x1x16xf32>,
      %get3A_623 = vector.shape_cast %get3A_622 : vector<1x1x16xf32> to vector<16xf32>
      %swap3A_624 = arith.constant 1 : i32
      %swap3A_625 = arith.index_cast %swap3A_624 : i32 to index
      %swap3A_626 = arith.constant 96 : index
      %swap3A_627 = tpu.vector_load %arg9[%swap3A_625, %swap3A_626] {strides = array<i32>} : memref<2x128xf32, #tpu.memory_space<vmem>>, vector<1x16xf32>,
      %swap3A_628 = vector.shape_cast %swap3A_627 : vector<1x16xf32> to vector<16xf32>
      %swap3A_629 = vector.shape_cast %get3A_623 : vector<16xf32> to vector<1x16xf32>
      tpu.vector_store %arg9[%swap3A_625, %swap3A_626], %swap3A_629 {strides = array<i32>} : memref<2x128xf32, #tpu.memory_space<vmem>>, vector<1x16xf32>,
      %get3A_630 = arith.constant 49 : i32
      %get3A_631 = arith.index_cast %rem3A_189 : i32 to index
      %get3A_632 = arith.index_cast %get3A_630 : i32 to index
      %get3A_633 = arith.constant 240 : index
      %get3A_634 = tpu.vector_load %arg6[%get3A_631, %get3A_632, %get3A_633] {strides = array<i32>} : memref<2x50x1024xf32, #tpu.memory_space<vmem>>, vector<1x1x16xf32>,
      %get3A_635 = vector.shape_cast %get3A_634 : vector<1x1x16xf32> to vector<16xf32>
      %swap3A_636 = arith.constant 1 : i32
      %swap3A_637 = arith.index_cast %swap3A_636 : i32 to index
      %swap3A_638 = arith.constant 112 : index
      %swap3A_639 = tpu.vector_load %arg9[%swap3A_637, %swap3A_638] {strides = array<i32>} : memref<2x128xf32, #tpu.memory_space<vmem>>, vector<1x16xf32>,
      %swap3A_640 = vector.shape_cast %swap3A_639 : vector<1x16xf32> to vector<16xf32>
      %swap3A_641 = vector.shape_cast %get3A_635 : vector<16xf32> to vector<1x16xf32>
      tpu.vector_store %arg9[%swap3A_637, %swap3A_638], %swap3A_641 {strides = array<i32>} : memref<2x128xf32, #tpu.memory_space<vmem>>, vector<1x16xf32>,
      %get3A_642 = arith.constant 48 : i32
      %get3A_643 = arith.index_cast %rem3A_189 : i32 to index
      %get3A_644 = arith.index_cast %get3A_642 : i32 to index
      %get3A_645 = arith.constant 256 : index
      %get3A_646 = tpu.vector_load %arg6[%get3A_643, %get3A_644, %get3A_645] {strides = array<i32>} : memref<2x50x1024xf32, #tpu.memory_space<vmem>>, vector<1x1x16xf32>,
      %get3A_647 = vector.shape_cast %get3A_646 : vector<1x1x16xf32> to vector<16xf32>
      %swap3A_648 = arith.constant 0 : i32
      %swap3A_649 = arith.index_cast %swap3A_648 : i32 to index
      %swap3A_650 = arith.constant 0 : index
      %swap3A_651 = tpu.vector_load %arg10[%swap3A_649, %swap3A_650] {strides = array<i32>} : memref<2x128xf32, #tpu.memory_space<vmem>>, vector<1x16xf32>,
      %swap3A_652 = vector.shape_cast %swap3A_651 : vector<1x16xf32> to vector<16xf32>
      %swap3A_653 = vector.shape_cast %get3A_647 : vector<16xf32> to vector<1x16xf32>
      tpu.vector_store %arg10[%swap3A_649, %swap3A_650], %swap3A_653 {strides = array<i32>} : memref<2x128xf32, #tpu.memory_space<vmem>>, vector<1x16xf32>,
      %get3A_654 = arith.constant 48 : i32
      %get3A_655 = arith.index_cast %rem3A_189 : i32 to index
      %get3A_656 = arith.index_cast %get3A_654 : i32 to index
      %get3A_657 = arith.constant 272 : index
      %get3A_658 = tpu.vector_load %arg6[%get3A_655, %get3A_656, %get3A_657] {strides = array<i32>} : memref<2x50x1024xf32, #tpu.memory_space<vmem>>, vector<1x1x16xf32>,
      %get3A_659 = vector.shape_cast %get3A_658 : vector<1x1x16xf32> to vector<16xf32>
      %swap3A_660 = arith.constant 0 : i32
      %swap3A_661 = arith.index_cast %swap3A_660 : i32 to index
      %swap3A_662 = arith.constant 16 : index
      %swap3A_663 = tpu.vector_load %arg10[%swap3A_661, %swap3A_662] {strides = array<i32>} : memref<2x128xf32, #tpu.memory_space<vmem>>, vector<1x16xf32>,
      %swap3A_664 = vector.shape_cast %swap3A_663 : vector<1x16xf32> to vector<16xf32>
      %swap3A_665 = vector.shape_cast %get3A_659 : vector<16xf32> to vector<1x16xf32>
      tpu.vector_store %arg10[%swap3A_661, %swap3A_662], %swap3A_665 {strides = array<i32>} : memref<2x128xf32, #tpu.memory_space<vmem>>, vector<1x16xf32>,
      %get3A_666 = arith.constant 48 : i32
      %get3A_667 = arith.index_cast %rem3A_189 : i32 to index
      %get3A_668 = arith.index_cast %get3A_666 : i32 to index
      %get3A_669 = arith.constant 288 : index
      %get3A_670 = tpu.vector_load %arg6[%get3A_667, %get3A_668, %get3A_669] {strides = array<i32>} : memref<2x50x1024xf32, #tpu.memory_space<vmem>>, vector<1x1x16xf32>,
      %get3A_671 = vector.shape_cast %get3A_670 : vector<1x1x16xf32> to vector<16xf32>
      %swap3A_672 = arith.constant 0 : i32
      %swap3A_673 = arith.index_cast %swap3A_672 : i32 to index
      %swap3A_674 = arith.constant 32 : index
      %swap3A_675 = tpu.vector_load %arg10[%swap3A_673, %swap3A_674] {strides = array<i32>} : memref<2x128xf32, #tpu.memory_space<vmem>>, vector<1x16xf32>,
      %swap3A_676 = vector.shape_cast %swap3A_675 : vector<1x16xf32> to vector<16xf32>
      %swap3A_677 = vector.shape_cast %get3A_671 : vector<16xf32> to vector<1x16xf32>
      tpu.vector_store %arg10[%swap3A_673, %swap3A_674], %swap3A_677 {strides = array<i32>} : memref<2x128xf32, #tpu.memory_space<vmem>>, vector<1x16xf32>,
      %get3A_678 = arith.constant 48 : i32
      %get3A_679 = arith.index_cast %rem3A_189 : i32 to index
      %get3A_680 = arith.index_cast %get3A_678 : i32 to index
      %get3A_681 = arith.constant 304 : index
      %get3A_682 = tpu.vector_load %arg6[%get3A_679, %get3A_680, %get3A_681] {strides = array<i32>} : memref<2x50x1024xf32, #tpu.memory_space<vmem>>, vector<1x1x16xf32>,
      %get3A_683 = vector.shape_cast %get3A_682 : vector<1x1x16xf32> to vector<16xf32>
      %swap3A_684 = arith.constant 0 : i32
      %swap3A_685 = arith.index_cast %swap3A_684 : i32 to index
      %swap3A_686 = arith.constant 48 : index
      %swap3A_687 = tpu.vector_load %arg10[%swap3A_685, %swap3A_686] {strides = array<i32>} : memref<2x128xf32, #tpu.memory_space<vmem>>, vector<1x16xf32>,
      %swap3A_688 = vector.shape_cast %swap3A_687 : vector<1x16xf32> to vector<16xf32>
      %swap3A_689 = vector.shape_cast %get3A_683 : vector<16xf32> to vector<1x16xf32>
      tpu.vector_store %arg10[%swap3A_685, %swap3A_686], %swap3A_689 {strides = array<i32>} : memref<2x128xf32, #tpu.memory_space<vmem>>, vector<1x16xf32>,
      %get3A_690 = arith.constant 48 : i32
      %get3A_691 = arith.index_cast %rem3A_189 : i32 to index
      %get3A_692 = arith.index_cast %get3A_690 : i32 to index
      %get3A_693 = arith.constant 320 : index
      %get3A_694 = tpu.vector_load %arg6[%get3A_691, %get3A_692, %get3A_693] {strides = array<i32>} : memref<2x50x1024xf32, #tpu.memory_space<vmem>>, vector<1x1x16xf32>,
      %get3A_695 = vector.shape_cast %get3A_694 : vector<1x1x16xf32> to vector<16xf32>
      %swap3A_696 = arith.constant 0 : i32
      %swap3A_697 = arith.index_cast %swap3A_696 : i32 to index
      %swap3A_698 = arith.constant 64 : index
      %swap3A_699 = tpu.vector_load %arg10[%swap3A_697, %swap3A_698] {strides = array<i32>} : memref<2x128xf32, #tpu.memory_space<vmem>>, vector<1x16xf32>,
      %swap3A_700 = vector.shape_cast %swap3A_699 : vector<1x16xf32> to vector<16xf32>
      %swap3A_701 = vector.shape_cast %get3A_695 : vector<16xf32> to vector<1x16xf32>
      tpu.vector_store %arg10[%swap3A_697, %swap3A_698], %swap3A_701 {strides = array<i32>} : memref<2x128xf32, #tpu.memory_space<vmem>>, vector<1x16xf32>,
      %get3A_702 = arith.constant 48 : i32
      %get3A_703 = arith.index_cast %rem3A_189 : i32 to index
      %get3A_704 = arith.index_cast %get3A_702 : i32 to index
      %get3A_705 = arith.constant 336 : index
      %get3A_706 = tpu.vector_load %arg6[%get3A_703, %get3A_704, %get3A_705] {strides = array<i32>} : memref<2x50x1024xf32, #tpu.memory_space<vmem>>, vector<1x1x16xf32>,
      %get3A_707 = vector.shape_cast %get3A_706 : vector<1x1x16xf32> to vector<16xf32>
      %swap3A_708 = arith.constant 0 : i32
      %swap3A_709 = arith.index_cast %swap3A_708 : i32 to index
      %swap3A_710 = arith.constant 80 : index
      %swap3A_711 = tpu.vector_load %arg10[%swap3A_709, %swap3A_710] {strides = array<i32>} : memref<2x128xf32, #tpu.memory_space<vmem>>, vector<1x16xf32>,
      %swap3A_712 = vector.shape_cast %swap3A_711 : vector<1x16xf32> to vector<16xf32>
      %swap3A_713 = vector.shape_cast %get3A_707 : vector<16xf32> to vector<1x16xf32>
      tpu.vector_store %arg10[%swap3A_709, %swap3A_710], %swap3A_713 {strides = array<i32>} : memref<2x128xf32, #tpu.memory_space<vmem>>, vector<1x16xf32>,
      %get3A_714 = arith.constant 48 : i32
      %get3A_715 = arith.index_cast %rem3A_189 : i32 to index
      %get3A_716 = arith.index_cast %get3A_714 : i32 to index
      %get3A_717 = arith.constant 352 : index
      %get3A_718 = tpu.vector_load %arg6[%get3A_715, %get3A_716, %get3A_717] {strides = array<i32>} : memref<2x50x1024xf32, #tpu.memory_space<vmem>>, vector<1x1x16xf32>,
      %get3A_719 = vector.shape_cast %get3A_718 : vector<1x1x16xf32> to vector<16xf32>
      %swap3A_720 = arith.constant 0 : i32
      %swap3A_721 = arith.index_cast %swap3A_720 : i32 to index
      %swap3A_722 = arith.constant 96 : index
      %swap3A_723 = tpu.vector_load %arg10[%swap3A_721, %swap3A_722] {strides = array<i32>} : memref<2x128xf32, #tpu.memory_space<vmem>>, vector<1x16xf32>,
      %swap3A_724 = vector.shape_cast %swap3A_723 : vector<1x16xf32> to vector<16xf32>
      %swap3A_725 = vector.shape_cast %get3A_719 : vector<16xf32> to vector<1x16xf32>
      tpu.vector_store %arg10[%swap3A_721, %swap3A_722], %swap3A_725 {strides = array<i32>} : memref<2x128xf32, #tpu.memory_space<vmem>>, vector<1x16xf32>,
      %get3A_726 = arith.constant 48 : i32
      %get3A_727 = arith.index_cast %rem3A_189 : i32 to index
      %get3A_728 = arith.index_cast %get3A_726 : i32 to index
      %get3A_729 = arith.constant 368 : index
      %get3A_730 = tpu.vector_load %arg6[%get3A_727, %get3A_728, %get3A_729] {strides = array<i32>} : memref<2x50x1024xf32, #tpu.memory_space<vmem>>, vector<1x1x16xf32>,
      %get3A_731 = vector.shape_cast %get3A_730 : vector<1x1x16xf32> to vector<16xf32>
      %swap3A_732 = arith.constant 0 : i32
      %swap3A_733 = arith.index_cast %swap3A_732 : i32 to index
      %swap3A_734 = arith.constant 112 : index
      %swap3A_735 = tpu.vector_load %arg10[%swap3A_733, %swap3A_734] {strides = array<i32>} : memref<2x128xf32, #tpu.memory_space<vmem>>, vector<1x16xf32>,
      %swap3A_736 = vector.shape_cast %swap3A_735 : vector<1x16xf32> to vector<16xf32>
      %swap3A_737 = vector.shape_cast %get3A_731 : vector<16xf32> to vector<1x16xf32>
      tpu.vector_store %arg10[%swap3A_733, %swap3A_734], %swap3A_737 {strides = array<i32>} : memref<2x128xf32, #tpu.memory_space<vmem>>, vector<1x16xf32>,
      %get3A_738 = arith.constant 49 : i32
      %get3A_739 = arith.index_cast %rem3A_189 : i32 to index
      %get3A_740 = arith.index_cast %get3A_738 : i32 to index
      %get3A_741 = arith.constant 256 : index
      %get3A_742 = tpu.vector_load %arg6[%get3A_739, %get3A_740, %get3A_741] {strides = array<i32>} : memref<2x50x1024xf32, #tpu.memory_space<vmem>>, vector<1x1x16xf32>,
      %get3A_743 = vector.shape_cast %get3A_742 : vector<1x1x16xf32> to vector<16xf32>
      %swap3A_744 = arith.constant 1 : i32
      %swap3A_745 = arith.index_cast %swap3A_744 : i32 to index
      %swap3A_746 = arith.constant 0 : index
      %swap3A_747 = tpu.vector_load %arg10[%swap3A_745, %swap3A_746] {strides = array<i32>} : memref<2x128xf32, #tpu.memory_space<vmem>>, vector<1x16xf32>,
      %swap3A_748 = vector.shape_cast %swap3A_747 : vector<1x16xf32> to vector<16xf32>
      %swap3A_749 = vector.shape_cast %get3A_743 : vector<16xf32> to vector<1x16xf32>
      tpu.vector_store %arg10[%swap3A_745, %swap3A_746], %swap3A_749 {strides = array<i32>} : memref<2x128xf32, #tpu.memory_space<vmem>>, vector<1x16xf32>,
      %get3A_750 = arith.constant 49 : i32
      %get3A_751 = arith.index_cast %rem3A_189 : i32 to index
      %get3A_752 = arith.index_cast %get3A_750 : i32 to index
      %get3A_753 = arith.constant 272 : index
      %get3A_754 = tpu.vector_load %arg6[%get3A_751, %get3A_752, %get3A_753] {strides = array<i32>} : memref<2x50x1024xf32, #tpu.memory_space<vmem>>, vector<1x1x16xf32>,
      %get3A_755 = vector.shape_cast %get3A_754 : vector<1x1x16xf32> to vector<16xf32>
      %swap3A_756 = arith.constant 1 : i32
      %swap3A_757 = arith.index_cast %swap3A_756 : i32 to index
      %swap3A_758 = arith.constant 16 : index
      %swap3A_759 = tpu.vector_load %arg10[%swap3A_757, %swap3A_758] {strides = array<i32>} : memref<2x128xf32, #tpu.memory_space<vmem>>, vector<1x16xf32>,
      %swap3A_760 = vector.shape_cast %swap3A_759 : vector<1x16xf32> to vector<16xf32>
      %swap3A_761 = vector.shape_cast %get3A_755 : vector<16xf32> to vector<1x16xf32>
      tpu.vector_store %arg10[%swap3A_757, %swap3A_758], %swap3A_761 {strides = array<i32>} : memref<2x128xf32, #tpu.memory_space<vmem>>, vector<1x16xf32>,
      %get3A_762 = arith.constant 49 : i32
      %get3A_763 = arith.index_cast %rem3A_189 : i32 to index
      %get3A_764 = arith.index_cast %get3A_762 : i32 to index
      %get3A_765 = arith.constant 288 : index
      %get3A_766 = tpu.vector_load %arg6[%get3A_763, %get3A_764, %get3A_765] {strides = array<i32>} : memref<2x50x1024xf32, #tpu.memory_space<vmem>>, vector<1x1x16xf32>,
      %get3A_767 = vector.shape_cast %get3A_766 : vector<1x1x16xf32> to vector<16xf32>
      %swap3A_768 = arith.constant 1 : i32
      %swap3A_769 = arith.index_cast %swap3A_768 : i32 to index
      %swap3A_770 = arith.constant 32 : index
      %swap3A_771 = tpu.vector_load %arg10[%swap3A_769, %swap3A_770] {strides = array<i32>} : memref<2x128xf32, #tpu.memory_space<vmem>>, vector<1x16xf32>,
      %swap3A_772 = vector.shape_cast %swap3A_771 : vector<1x16xf32> to vector<16xf32>
      %swap3A_773 = vector.shape_cast %get3A_767 : vector<16xf32> to vector<1x16xf32>
      tpu.vector_store %arg10[%swap3A_769, %swap3A_770], %swap3A_773 {strides = array<i32>} : memref<2x128xf32, #tpu.memory_space<vmem>>, vector<1x16xf32>,
      %get3A_774 = arith.constant 49 : i32
      %get3A_775 = arith.index_cast %rem3A_189 : i32 to index
      %get3A_776 = arith.index_cast %get3A_774 : i32 to index
      %get3A_777 = arith.constant 304 : index
      %get3A_778 = tpu.vector_load %arg6[%get3A_775, %get3A_776, %get3A_777] {strides = array<i32>} : memref<2x50x1024xf32, #tpu.memory_space<vmem>>, vector<1x1x16xf32>,
      %get3A_779 = vector.shape_cast %get3A_778 : vector<1x1x16xf32> to vector<16xf32>
      %swap3A_780 = arith.constant 1 : i32
      %swap3A_781 = arith.index_cast %swap3A_780 : i32 to index
      %swap3A_782 = arith.constant 48 : index
      %swap3A_783 = tpu.vector_load %arg10[%swap3A_781, %swap3A_782] {strides = array<i32>} : memref<2x128xf32, #tpu.memory_space<vmem>>, vector<1x16xf32>,
      %swap3A_784 = vector.shape_cast %swap3A_783 : vector<1x16xf32> to vector<16xf32>
      %swap3A_785 = vector.shape_cast %get3A_779 : vector<16xf32> to vector<1x16xf32>
      tpu.vector_store %arg10[%swap3A_781, %swap3A_782], %swap3A_785 {strides = array<i32>} : memref<2x128xf32, #tpu.memory_space<vmem>>, vector<1x16xf32>,
      %get3A_786 = arith.constant 49 : i32
      %get3A_787 = arith.index_cast %rem3A_189 : i32 to index
      %get3A_788 = arith.index_cast %get3A_786 : i32 to index
      %get3A_789 = arith.constant 320 : index
      %get3A_790 = tpu.vector_load %arg6[%get3A_787, %get3A_788, %get3A_789] {strides = array<i32>} : memref<2x50x1024xf32, #tpu.memory_space<vmem>>, vector<1x1x16xf32>,
      %get3A_791 = vector.shape_cast %get3A_790 : vector<1x1x16xf32> to vector<16xf32>
      %swap3A_792 = arith.constant 1 : i32
      %swap3A_793 = arith.index_cast %swap3A_792 : i32 to index
      %swap3A_794 = arith.constant 64 : index
      %swap3A_795 = tpu.vector_load %arg10[%swap3A_793, %swap3A_794] {strides = array<i32>} : memref<2x128xf32, #tpu.memory_space<vmem>>, vector<1x16xf32>,
      %swap3A_796 = vector.shape_cast %swap3A_795 : vector<1x16xf32> to vector<16xf32>
      %swap3A_797 = vector.shape_cast %get3A_791 : vector<16xf32> to vector<1x16xf32>
      tpu.vector_store %arg10[%swap3A_793, %swap3A_794], %swap3A_797 {strides = array<i32>} : memref<2x128xf32, #tpu.memory_space<vmem>>, vector<1x16xf32>,
      %get3A_798 = arith.constant 49 : i32
      %get3A_799 = arith.index_cast %rem3A_189 : i32 to index
      %get3A_800 = arith.index_cast %get3A_798 : i32 to index
      %get3A_801 = arith.constant 336 : index
      %get3A_802 = tpu.vector_load %arg6[%get3A_799, %get3A_800, %get3A_801] {strides = array<i32>} : memref<2x50x1024xf32, #tpu.memory_space<vmem>>, vector<1x1x16xf32>,
      %get3A_803 = vector.shape_cast %get3A_802 : vector<1x1x16xf32> to vector<16xf32>
      %swap3A_804 = arith.constant 1 : i32
      %swap3A_805 = arith.index_cast %swap3A_804 : i32 to index
      %swap3A_806 = arith.constant 80 : index
      %swap3A_807 = tpu.vector_load %arg10[%swap3A_805, %swap3A_806] {strides = array<i32>} : memref<2x128xf32, #tpu.memory_space<vmem>>, vector<1x16xf32>,
      %swap3A_808 = vector.shape_cast %swap3A_807 : vector<1x16xf32> to vector<16xf32>
      %swap3A_809 = vector.shape_cast %get3A_803 : vector<16xf32> to vector<1x16xf32>
      tpu.vector_store %arg10[%swap3A_805, %swap3A_806], %swap3A_809 {strides = array<i32>} : memref<2x128xf32, #tpu.memory_space<vmem>>, vector<1x16xf32>,
      %get3A_810 = arith.constant 49 : i32
      %get3A_811 = arith.index_cast %rem3A_189 : i32 to index
      %get3A_812 = arith.index_cast %get3A_810 : i32 to index
      %get3A_813 = arith.constant 352 : index
      %get3A_814 = tpu.vector_load %arg6[%get3A_811, %get3A_812, %get3A_813] {strides = array<i32>} : memref<2x50x1024xf32, #tpu.memory_space<vmem>>, vector<1x1x16xf32>,
      %get3A_815 = vector.shape_cast %get3A_814 : vector<1x1x16xf32> to vector<16xf32>
      %swap3A_816 = arith.constant 1 : i32
      %swap3A_817 = arith.index_cast %swap3A_816 : i32 to index
      %swap3A_818 = arith.constant 96 : index
      %swap3A_819 = tpu.vector_load %arg10[%swap3A_817, %swap3A_818] {strides = array<i32>} : memref<2x128xf32, #tpu.memory_space<vmem>>, vector<1x16xf32>,
      %swap3A_820 = vector.shape_cast %swap3A_819 : vector<1x16xf32> to vector<16xf32>
      %swap3A_821 = vector.shape_cast %get3A_815 : vector<16xf32> to vector<1x16xf32>
      tpu.vector_store %arg10[%swap3A_817, %swap3A_818], %swap3A_821 {strides = array<i32>} : memref<2x128xf32, #tpu.memory_space<vmem>>, vector<1x16xf32>,
      %get3A_822 = arith.constant 49 : i32
      %get3A_823 = arith.index_cast %rem3A_189 : i32 to index
      %get3A_824 = arith.index_cast %get3A_822 : i32 to index
      %get3A_825 = arith.constant 368 : index
      %get3A_826 = tpu.vector_load %arg6[%get3A_823, %get3A_824, %get3A_825] {strides = array<i32>} : memref<2x50x1024xf32, #tpu.memory_space<vmem>>, vector<1x1x16xf32>,
      %get3A_827 = vector.shape_cast %get3A_826 : vector<1x1x16xf32> to vector<16xf32>
      %swap3A_828 = arith.constant 1 : i32
      %swap3A_829 = arith.index_cast %swap3A_828 : i32 to index
      %swap3A_830 = arith.constant 112 : index
      %swap3A_831 = tpu.vector_load %arg10[%swap3A_829, %swap3A_830] {strides = array<i32>} : memref<2x128xf32, #tpu.memory_space<vmem>>, vector<1x16xf32>,
      %swap3A_832 = vector.shape_cast %swap3A_831 : vector<1x16xf32> to vector<16xf32>
      %swap3A_833 = vector.shape_cast %get3A_827 : vector<16xf32> to vector<1x16xf32>
      tpu.vector_store %arg10[%swap3A_829, %swap3A_830], %swap3A_833 {strides = array<i32>} : memref<2x128xf32, #tpu.memory_space<vmem>>, vector<1x16xf32>,
      %get3A_834 = arith.constant 48 : i32
      %get3A_835 = arith.index_cast %rem3A_189 : i32 to index
      %get3A_836 = arith.index_cast %get3A_834 : i32 to index
      %get3A_837 = arith.constant 384 : index
      %get3A_838 = tpu.vector_load %arg6[%get3A_835, %get3A_836, %get3A_837] {strides = array<i32>} : memref<2x50x1024xf32, #tpu.memory_space<vmem>>, vector<1x1x16xf32>,
      %get3A_839 = vector.shape_cast %get3A_838 : vector<1x1x16xf32> to vector<16xf32>
      %swap3A_840 = arith.constant 0 : i32
      %swap3A_841 = arith.index_cast %swap3A_840 : i32 to index
      %swap3A_842 = arith.constant 0 : index
      %swap3A_843 = tpu.vector_load %arg11[%swap3A_841, %swap3A_842] {strides = array<i32>} : memref<2x128xf32, #tpu.memory_space<vmem>>, vector<1x16xf32>,
      %swap3A_844 = vector.shape_cast %swap3A_843 : vector<1x16xf32> to vector<16xf32>
      %swap3A_845 = vector.shape_cast %get3A_839 : vector<16xf32> to vector<1x16xf32>
      tpu.vector_store %arg11[%swap3A_841, %swap3A_842], %swap3A_845 {strides = array<i32>} : memref<2x128xf32, #tpu.memory_space<vmem>>, vector<1x16xf32>,
      %get3A_846 = arith.constant 48 : i32
      %get3A_847 = arith.index_cast %rem3A_189 : i32 to index
      %get3A_848 = arith.index_cast %get3A_846 : i32 to index
      %get3A_849 = arith.constant 400 : index
      %get3A_850 = tpu.vector_load %arg6[%get3A_847, %get3A_848, %get3A_849] {strides = array<i32>} : memref<2x50x1024xf32, #tpu.memory_space<vmem>>, vector<1x1x16xf32>,
      %get3A_851 = vector.shape_cast %get3A_850 : vector<1x1x16xf32> to vector<16xf32>
      %swap3A_852 = arith.constant 0 : i32
      %swap3A_853 = arith.index_cast %swap3A_852 : i32 to index
      %swap3A_854 = arith.constant 16 : index
      %swap3A_855 = tpu.vector_load %arg11[%swap3A_853, %swap3A_854] {strides = array<i32>} : memref<2x128xf32, #tpu.memory_space<vmem>>, vector<1x16xf32>,
      %swap3A_856 = vector.shape_cast %swap3A_855 : vector<1x16xf32> to vector<16xf32>
      %swap3A_857 = vector.shape_cast %get3A_851 : vector<16xf32> to vector<1x16xf32>
      tpu.vector_store %arg11[%swap3A_853, %swap3A_854], %swap3A_857 {strides = array<i32>} : memref<2x128xf32, #tpu.memory_space<vmem>>, vector<1x16xf32>,
      %get3A_858 = arith.constant 48 : i32
      %get3A_859 = arith.index_cast %rem3A_189 : i32 to index
      %get3A_860 = arith.index_cast %get3A_858 : i32 to index
      %get3A_861 = arith.constant 416 : index
      %get3A_862 = tpu.vector_load %arg6[%get3A_859, %get3A_860, %get3A_861] {strides = array<i32>} : memref<2x50x1024xf32, #tpu.memory_space<vmem>>, vector<1x1x16xf32>,
      %get3A_863 = vector.shape_cast %get3A_862 : vector<1x1x16xf32> to vector<16xf32>
      %swap3A_864 = arith.constant 0 : i32
      %swap3A_865 = arith.index_cast %swap3A_864 : i32 to index
      %swap3A_866 = arith.constant 32 : index
      %swap3A_867 = tpu.vector_load %arg11[%swap3A_865, %swap3A_866] {strides = array<i32>} : memref<2x128xf32, #tpu.memory_space<vmem>>, vector<1x16xf32>,
      %swap3A_868 = vector.shape_cast %swap3A_867 : vector<1x16xf32> to vector<16xf32>
      %swap3A_869 = vector.shape_cast %get3A_863 : vector<16xf32> to vector<1x16xf32>
      tpu.vector_store %arg11[%swap3A_865, %swap3A_866], %swap3A_869 {strides = array<i32>} : memref<2x128xf32, #tpu.memory_space<vmem>>, vector<1x16xf32>,
      %get3A_870 = arith.constant 48 : i32
      %get3A_871 = arith.index_cast %rem3A_189 : i32 to index
      %get3A_872 = arith.index_cast %get3A_870 : i32 to index
      %get3A_873 = arith.constant 432 : index
      %get3A_874 = tpu.vector_load %arg6[%get3A_871, %get3A_872, %get3A_873] {strides = array<i32>} : memref<2x50x1024xf32, #tpu.memory_space<vmem>>, vector<1x1x16xf32>,
      %get3A_875 = vector.shape_cast %get3A_874 : vector<1x1x16xf32> to vector<16xf32>
      %swap3A_876 = arith.constant 0 : i32
      %swap3A_877 = arith.index_cast %swap3A_876 : i32 to index
      %swap3A_878 = arith.constant 48 : index
      %swap3A_879 = tpu.vector_load %arg11[%swap3A_877, %swap3A_878] {strides = array<i32>} : memref<2x128xf32, #tpu.memory_space<vmem>>, vector<1x16xf32>,
      %swap3A_880 = vector.shape_cast %swap3A_879 : vector<1x16xf32> to vector<16xf32>
      %swap3A_881 = vector.shape_cast %get3A_875 : vector<16xf32> to vector<1x16xf32>
      tpu.vector_store %arg11[%swap3A_877, %swap3A_878], %swap3A_881 {strides = array<i32>} : memref<2x128xf32, #tpu.memory_space<vmem>>, vector<1x16xf32>,
      %get3A_882 = arith.constant 48 : i32
      %get3A_883 = arith.index_cast %rem3A_189 : i32 to index
      %get3A_884 = arith.index_cast %get3A_882 : i32 to index
      %get3A_885 = arith.constant 448 : index
      %get3A_886 = tpu.vector_load %arg6[%get3A_883, %get3A_884, %get3A_885] {strides = array<i32>} : memref<2x50x1024xf32, #tpu.memory_space<vmem>>, vector<1x1x16xf32>,
      %get3A_887 = vector.shape_cast %get3A_886 : vector<1x1x16xf32> to vector<16xf32>
      %swap3A_888 = arith.constant 0 : i32
      %swap3A_889 = arith.index_cast %swap3A_888 : i32 to index
      %swap3A_890 = arith.constant 64 : index
      %swap3A_891 = tpu.vector_load %arg11[%swap3A_889, %swap3A_890] {strides = array<i32>} : memref<2x128xf32, #tpu.memory_space<vmem>>, vector<1x16xf32>,
      %swap3A_892 = vector.shape_cast %swap3A_891 : vector<1x16xf32> to vector<16xf32>
      %swap3A_893 = vector.shape_cast %get3A_887 : vector<16xf32> to vector<1x16xf32>
      tpu.vector_store %arg11[%swap3A_889, %swap3A_890], %swap3A_893 {strides = array<i32>} : memref<2x128xf32, #tpu.memory_space<vmem>>, vector<1x16xf32>,
      %get3A_894 = arith.constant 48 : i32
      %get3A_895 = arith.index_cast %rem3A_189 : i32 to index
      %get3A_896 = arith.index_cast %get3A_894 : i32 to index
      %get3A_897 = arith.constant 464 : index
      %get3A_898 = tpu.vector_load %arg6[%get3A_895, %get3A_896, %get3A_897] {strides = array<i32>} : memref<2x50x1024xf32, #tpu.memory_space<vmem>>, vector<1x1x16xf32>,
      %get3A_899 = vector.shape_cast %get3A_898 : vector<1x1x16xf32> to vector<16xf32>
      %swap3A_900 = arith.constant 0 : i32
      %swap3A_901 = arith.index_cast %swap3A_900 : i32 to index
      %swap3A_902 = arith.constant 80 : index
      %swap3A_903 = tpu.vector_load %arg11[%swap3A_901, %swap3A_902] {strides = array<i32>} : memref<2x128xf32, #tpu.memory_space<vmem>>, vector<1x16xf32>,
      %swap3A_904 = vector.shape_cast %swap3A_903 : vector<1x16xf32> to vector<16xf32>
      %swap3A_905 = vector.shape_cast %get3A_899 : vector<16xf32> to vector<1x16xf32>
      tpu.vector_store %arg11[%swap3A_901, %swap3A_902], %swap3A_905 {strides = array<i32>} : memref<2x128xf32, #tpu.memory_space<vmem>>, vector<1x16xf32>,
      %get3A_906 = arith.constant 48 : i32
      %get3A_907 = arith.index_cast %rem3A_189 : i32 to index
      %get3A_908 = arith.index_cast %get3A_906 : i32 to index
      %get3A_909 = arith.constant 480 : index
      %get3A_910 = tpu.vector_load %arg6[%get3A_907, %get3A_908, %get3A_909] {strides = array<i32>} : memref<2x50x1024xf32, #tpu.memory_space<vmem>>, vector<1x1x16xf32>,
      %get3A_911 = vector.shape_cast %get3A_910 : vector<1x1x16xf32> to vector<16xf32>
      %swap3A_912 = arith.constant 0 : i32
      %swap3A_913 = arith.index_cast %swap3A_912 : i32 to index
      %swap3A_914 = arith.constant 96 : index
      %swap3A_915 = tpu.vector_load %arg11[%swap3A_913, %swap3A_914] {strides = array<i32>} : memref<2x128xf32, #tpu.memory_space<vmem>>, vector<1x16xf32>,
      %swap3A_916 = vector.shape_cast %swap3A_915 : vector<1x16xf32> to vector<16xf32>
      %swap3A_917 = vector.shape_cast %get3A_911 : vector<16xf32> to vector<1x16xf32>
      tpu.vector_store %arg11[%swap3A_913, %swap3A_914], %swap3A_917 {strides = array<i32>} : memref<2x128xf32, #tpu.memory_space<vmem>>, vector<1x16xf32>,
      %get3A_918 = arith.constant 48 : i32
      %get3A_919 = arith.index_cast %rem3A_189 : i32 to index
      %get3A_920 = arith.index_cast %get3A_918 : i32 to index
      %get3A_921 = arith.constant 496 : index
      %get3A_922 = tpu.vector_load %arg6[%get3A_919, %get3A_920, %get3A_921] {strides = array<i32>} : memref<2x50x1024xf32, #tpu.memory_space<vmem>>, vector<1x1x16xf32>,
      %get3A_923 = vector.shape_cast %get3A_922 : vector<1x1x16xf32> to vector<16xf32>
      %swap3A_924 = arith.constant 0 : i32
      %swap3A_925 = arith.index_cast %swap3A_924 : i32 to index
      %swap3A_926 = arith.constant 112 : index
      %swap3A_927 = tpu.vector_load %arg11[%swap3A_925, %swap3A_926] {strides = array<i32>} : memref<2x128xf32, #tpu.memory_space<vmem>>, vector<1x16xf32>,
      %swap3A_928 = vector.shape_cast %swap3A_927 : vector<1x16xf32> to vector<16xf32>
      %swap3A_929 = vector.shape_cast %get3A_923 : vector<16xf32> to vector<1x16xf32>
      tpu.vector_store %arg11[%swap3A_925, %swap3A_926], %swap3A_929 {strides = array<i32>} : memref<2x128xf32, #tpu.memory_space<vmem>>, vector<1x16xf32>,
      %get3A_930 = arith.constant 49 : i32
      %get3A_931 = arith.index_cast %rem3A_189 : i32 to index
      %get3A_932 = arith.index_cast %get3A_930 : i32 to index
      %get3A_933 = arith.constant 384 : index
      %get3A_934 = tpu.vector_load %arg6[%get3A_931, %get3A_932, %get3A_933] {strides = array<i32>} : memref<2x50x1024xf32, #tpu.memory_space<vmem>>, vector<1x1x16xf32>,
      %get3A_935 = vector.shape_cast %get3A_934 : vector<1x1x16xf32> to vector<16xf32>
      %swap3A_936 = arith.constant 1 : i32
      %swap3A_937 = arith.index_cast %swap3A_936 : i32 to index
      %swap3A_938 = arith.constant 0 : index
      %swap3A_939 = tpu.vector_load %arg11[%swap3A_937, %swap3A_938] {strides = array<i32>} : memref<2x128xf32, #tpu.memory_space<vmem>>, vector<1x16xf32>,
      %swap3A_940 = vector.shape_cast %swap3A_939 : vector<1x16xf32> to vector<16xf32>
      %swap3A_941 = vector.shape_cast %get3A_935 : vector<16xf32> to vector<1x16xf32>
      tpu.vector_store %arg11[%swap3A_937, %swap3A_938], %swap3A_941 {strides = array<i32>} : memref<2x128xf32, #tpu.memory_space<vmem>>, vector<1x16xf32>,
      %get3A_942 = arith.constant 49 : i32
      %get3A_943 = arith.index_cast %rem3A_189 : i32 to index
      %get3A_944 = arith.index_cast %get3A_942 : i32 to index
      %get3A_945 = arith.constant 400 : index
      %get3A_946 = tpu.vector_load %arg6[%get3A_943, %get3A_944, %get3A_945] {strides = array<i32>} : memref<2x50x1024xf32, #tpu.memory_space<vmem>>, vector<1x1x16xf32>,
      %get3A_947 = vector.shape_cast %get3A_946 : vector<1x1x16xf32> to vector<16xf32>
      %swap3A_948 = arith.constant 1 : i32
      %swap3A_949 = arith.index_cast %swap3A_948 : i32 to index
      %swap3A_950 = arith.constant 16 : index
      %swap3A_951 = tpu.vector_load %arg11[%swap3A_949, %swap3A_950] {strides = array<i32>} : memref<2x128xf32, #tpu.memory_space<vmem>>, vector<1x16xf32>,
      %swap3A_952 = vector.shape_cast %swap3A_951 : vector<1x16xf32> to vector<16xf32>
      %swap3A_953 = vector.shape_cast %get3A_947 : vector<16xf32> to vector<1x16xf32>
      tpu.vector_store %arg11[%swap3A_949, %swap3A_950], %swap3A_953 {strides = array<i32>} : memref<2x128xf32, #tpu.memory_space<vmem>>, vector<1x16xf32>,
      %get3A_954 = arith.constant 49 : i32
      %get3A_955 = arith.index_cast %rem3A_189 : i32 to index
      %get3A_956 = arith.index_cast %get3A_954 : i32 to index
      %get3A_957 = arith.constant 416 : index
      %get3A_958 = tpu.vector_load %arg6[%get3A_955, %get3A_956, %get3A_957] {strides = array<i32>} : memref<2x50x1024xf32, #tpu.memory_space<vmem>>, vector<1x1x16xf32>,
      %get3A_959 = vector.shape_cast %get3A_958 : vector<1x1x16xf32> to vector<16xf32>
      %swap3A_960 = arith.constant 1 : i32
      %swap3A_961 = arith.index_cast %swap3A_960 : i32 to index
      %swap3A_962 = arith.constant 32 : index
      %swap3A_963 = tpu.vector_load %arg11[%swap3A_961, %swap3A_962] {strides = array<i32>} : memref<2x128xf32, #tpu.memory_space<vmem>>, vector<1x16xf32>,
      %swap3A_964 = vector.shape_cast %swap3A_963 : vector<1x16xf32> to vector<16xf32>
      %swap3A_965 = vector.shape_cast %get3A_959 : vector<16xf32> to vector<1x16xf32>
      tpu.vector_store %arg11[%swap3A_961, %swap3A_962], %swap3A_965 {strides = array<i32>} : memref<2x128xf32, #tpu.memory_space<vmem>>, vector<1x16xf32>,
      %get3A_966 = arith.constant 49 : i32
      %get3A_967 = arith.index_cast %rem3A_189 : i32 to index
      %get3A_968 = arith.index_cast %get3A_966 : i32 to index
      %get3A_969 = arith.constant 432 : index
      %get3A_970 = tpu.vector_load %arg6[%get3A_967, %get3A_968, %get3A_969] {strides = array<i32>} : memref<2x50x1024xf32, #tpu.memory_space<vmem>>, vector<1x1x16xf32>,
      %get3A_971 = vector.shape_cast %get3A_970 : vector<1x1x16xf32> to vector<16xf32>
      %swap3A_972 = arith.constant 1 : i32
      %swap3A_973 = arith.index_cast %swap3A_972 : i32 to index
      %swap3A_974 = arith.constant 48 : index
      %swap3A_975 = tpu.vector_load %arg11[%swap3A_973, %swap3A_974] {strides = array<i32>} : memref<2x128xf32, #tpu.memory_space<vmem>>, vector<1x16xf32>,
      %swap3A_976 = vector.shape_cast %swap3A_975 : vector<1x16xf32> to vector<16xf32>
      %swap3A_977 = vector.shape_cast %get3A_971 : vector<16xf32> to vector<1x16xf32>
      tpu.vector_store %arg11[%swap3A_973, %swap3A_974], %swap3A_977 {strides = array<i32>} : memref<2x128xf32, #tpu.memory_space<vmem>>, vector<1x16xf32>,
      %get3A_978 = arith.constant 49 : i32
      %get3A_979 = arith.index_cast %rem3A_189 : i32 to index
      %get3A_980 = arith.index_cast %get3A_978 : i32 to index
      %get3A_981 = arith.constant 448 : index
      %get3A_982 = tpu.vector_load %arg6[%get3A_979, %get3A_980, %get3A_981] {strides = array<i32>} : memref<2x50x1024xf32, #tpu.memory_space<vmem>>, vector<1x1x16xf32>,
      %get3A_983 = vector.shape_cast %get3A_982 : vector<1x1x16xf32> to vector<16xf32>
      %swap3A_984 = arith.constant 1 : i32
      %swap3A_985 = arith.index_cast %swap3A_984 : i32 to index
      %swap3A_986 = arith.constant 64 : index
      %swap3A_987 = tpu.vector_load %arg11[%swap3A_985, %swap3A_986] {strides = array<i32>} : memref<2x128xf32, #tpu.memory_space<vmem>>, vector<1x16xf32>,
      %swap3A_988 = vector.shape_cast %swap3A_987 : vector<1x16xf32> to vector<16xf32>
      %swap3A_989 = vector.shape_cast %get3A_983 : vector<16xf32> to vector<1x16xf32>
      tpu.vector_store %arg11[%swap3A_985, %swap3A_986], %swap3A_989 {strides = array<i32>} : memref<2x128xf32, #tpu.memory_space<vmem>>, vector<1x16xf32>,
      %get3A_990 = arith.constant 49 : i32
      %get3A_991 = arith.index_cast %rem3A_189 : i32 to index
      %get3A_992 = arith.index_cast %get3A_990 : i32 to index
      %get3A_993 = arith.constant 464 : index
      %get3A_994 = tpu.vector_load %arg6[%get3A_991, %get3A_992, %get3A_993] {strides = array<i32>} : memref<2x50x1024xf32, #tpu.memory_space<vmem>>, vector<1x1x16xf32>,
      %get3A_995 = vector.shape_cast %get3A_994 : vector<1x1x16xf32> to vector<16xf32>
      %swap3A_996 = arith.constant 1 : i32
      %swap3A_997 = arith.index_cast %swap3A_996 : i32 to index
      %swap3A_998 = arith.constant 80 : index
      %swap3A_999 = tpu.vector_load %arg11[%swap3A_997, %swap3A_998] {strides = array<i32>} : memref<2x128xf32, #tpu.memory_space<vmem>>, vector<1x16xf32>,
      %swap3A_1000 = vector.shape_cast %swap3A_999 : vector<1x16xf32> to vector<16xf32>
      %swap3A_1001 = vector.shape_cast %get3A_995 : vector<16xf32> to vector<1x16xf32>
      tpu.vector_store %arg11[%swap3A_997, %swap3A_998], %swap3A_1001 {strides = array<i32>} : memref<2x128xf32, #tpu.memory_space<vmem>>, vector<1x16xf32>,
      %get3A_1002 = arith.constant 49 : i32
      %get3A_1003 = arith.index_cast %rem3A_189 : i32 to index
      %get3A_1004 = arith.index_cast %get3A_1002 : i32 to index
      %get3A_1005 = arith.constant 480 : index
      %get3A_1006 = tpu.vector_load %arg6[%get3A_1003, %get3A_1004, %get3A_1005] {strides = array<i32>} : memref<2x50x1024xf32, #tpu.memory_space<vmem>>, vector<1x1x16xf32>,
      %get3A_1007 = vector.shape_cast %get3A_1006 : vector<1x1x16xf32> to vector<16xf32>
      %swap3A_1008 = arith.constant 1 : i32
      %swap3A_1009 = arith.index_cast %swap3A_1008 : i32 to index
      %swap3A_1010 = arith.constant 96 : index
      %swap3A_1011 = tpu.vector_load %arg11[%swap3A_1009, %swap3A_1010] {strides = array<i32>} : memref<2x128xf32, #tpu.memory_space<vmem>>, vector<1x16xf32>,
      %swap3A_1012 = vector.shape_cast %swap3A_1011 : vector<1x16xf32> to vector<16xf32>
      %swap3A_1013 = vector.shape_cast %get3A_1007 : vector<16xf32> to vector<1x16xf32>
      tpu.vector_store %arg11[%swap3A_1009, %swap3A_1010], %swap3A_1013 {strides = array<i32>} : memref<2x128xf32, #tpu.memory_space<vmem>>, vector<1x16xf32>,
      %get3A_1014 = arith.constant 49 : i32
      %get3A_1015 = arith.index_cast %rem3A_189 : i32 to index
      %get3A_1016 = arith.index_cast %get3A_1014 : i32 to index
      %get3A_1017 = arith.constant 496 : index
      %get3A_1018 = tpu.vector_load %arg6[%get3A_1015, %get3A_1016, %get3A_1017] {strides = array<i32>} : memref<2x50x1024xf32, #tpu.memory_space<vmem>>, vector<1x1x16xf32>,
      %get3A_1019 = vector.shape_cast %get3A_1018 : vector<1x1x16xf32> to vector<16xf32>
      %swap3A_1020 = arith.constant 1 : i32
      %swap3A_1021 = arith.index_cast %swap3A_1020 : i32 to index
      %swap3A_1022 = arith.constant 112 : index
      %swap3A_1023 = tpu.vector_load %arg11[%swap3A_1021, %swap3A_1022] {strides = array<i32>} : memref<2x128xf32, #tpu.memory_space<vmem>>, vector<1x16xf32>,
      %swap3A_1024 = vector.shape_cast %swap3A_1023 : vector<1x16xf32> to vector<16xf32>
      %swap3A_1025 = vector.shape_cast %get3A_1019 : vector<16xf32> to vector<1x16xf32>
      tpu.vector_store %arg11[%swap3A_1021, %swap3A_1022], %swap3A_1025 {strides = array<i32>} : memref<2x128xf32, #tpu.memory_space<vmem>>, vector<1x16xf32>,
      %get3A_1026 = arith.constant 48 : i32
      %get3A_1027 = arith.index_cast %rem3A_189 : i32 to index
      %get3A_1028 = arith.index_cast %get3A_1026 : i32 to index
      %get3A_1029 = arith.constant 512 : index
      %get3A_1030 = tpu.vector_load %arg6[%get3A_1027, %get3A_1028, %get3A_1029] {strides = array<i32>} : memref<2x50x1024xf32, #tpu.memory_space<vmem>>, vector<1x1x16xf32>,
      %get3A_1031 = vector.shape_cast %get3A_1030 : vector<1x1x16xf32> to vector<16xf32>
      %swap3A_1032 = arith.constant 0 : i32
      %swap3A_1033 = arith.index_cast %swap3A_1032 : i32 to index
      %swap3A_1034 = arith.constant 0 : index
      %swap3A_1035 = tpu.vector_load %arg12[%swap3A_1033, %swap3A_1034] {strides = array<i32>} : memref<2x128xf32, #tpu.memory_space<vmem>>, vector<1x16xf32>,
      %swap3A_1036 = vector.shape_cast %swap3A_1035 : vector<1x16xf32> to vector<16xf32>
      %swap3A_1037 = vector.shape_cast %get3A_1031 : vector<16xf32> to vector<1x16xf32>
      tpu.vector_store %arg12[%swap3A_1033, %swap3A_1034], %swap3A_1037 {strides = array<i32>} : memref<2x128xf32, #tpu.memory_space<vmem>>, vector<1x16xf32>,
      %get3A_1038 = arith.constant 48 : i32
      %get3A_1039 = arith.index_cast %rem3A_189 : i32 to index
      %get3A_1040 = arith.index_cast %get3A_1038 : i32 to index
      %get3A_1041 = arith.constant 528 : index
      %get3A_1042 = tpu.vector_load %arg6[%get3A_1039, %get3A_1040, %get3A_1041] {strides = array<i32>} : memref<2x50x1024xf32, #tpu.memory_space<vmem>>, vector<1x1x16xf32>,
      %get3A_1043 = vector.shape_cast %get3A_1042 : vector<1x1x16xf32> to vector<16xf32>
      %swap3A_1044 = arith.constant 0 : i32
      %swap3A_1045 = arith.index_cast %swap3A_1044 : i32 to index
      %swap3A_1046 = arith.constant 16 : index
      %swap3A_1047 = tpu.vector_load %arg12[%swap3A_1045, %swap3A_1046] {strides = array<i32>} : memref<2x128xf32, #tpu.memory_space<vmem>>, vector<1x16xf32>,
      %swap3A_1048 = vector.shape_cast %swap3A_1047 : vector<1x16xf32> to vector<16xf32>
      %swap3A_1049 = vector.shape_cast %get3A_1043 : vector<16xf32> to vector<1x16xf32>
      tpu.vector_store %arg12[%swap3A_1045, %swap3A_1046], %swap3A_1049 {strides = array<i32>} : memref<2x128xf32, #tpu.memory_space<vmem>>, vector<1x16xf32>,
      %get3A_1050 = arith.constant 48 : i32
      %get3A_1051 = arith.index_cast %rem3A_189 : i32 to index
      %get3A_1052 = arith.index_cast %get3A_1050 : i32 to index
      %get3A_1053 = arith.constant 544 : index
      %get3A_1054 = tpu.vector_load %arg6[%get3A_1051, %get3A_1052, %get3A_1053] {strides = array<i32>} : memref<2x50x1024xf32, #tpu.memory_space<vmem>>, vector<1x1x16xf32>,
      %get3A_1055 = vector.shape_cast %get3A_1054 : vector<1x1x16xf32> to vector<16xf32>
      %swap3A_1056 = arith.constant 0 : i32
      %swap3A_1057 = arith.index_cast %swap3A_1056 : i32 to index
      %swap3A_1058 = arith.constant 32 : index
      %swap3A_1059 = tpu.vector_load %arg12[%swap3A_1057, %swap3A_1058] {strides = array<i32>} : memref<2x128xf32, #tpu.memory_space<vmem>>, vector<1x16xf32>,
      %swap3A_1060 = vector.shape_cast %swap3A_1059 : vector<1x16xf32> to vector<16xf32>
      %swap3A_1061 = vector.shape_cast %get3A_1055 : vector<16xf32> to vector<1x16xf32>
      tpu.vector_store %arg12[%swap3A_1057, %swap3A_1058], %swap3A_1061 {strides = array<i32>} : memref<2x128xf32, #tpu.memory_space<vmem>>, vector<1x16xf32>,
      %get3A_1062 = arith.constant 48 : i32
      %get3A_1063 = arith.index_cast %rem3A_189 : i32 to index
      %get3A_1064 = arith.index_cast %get3A_1062 : i32 to index
      %get3A_1065 = arith.constant 560 : index
      %get3A_1066 = tpu.vector_load %arg6[%get3A_1063, %get3A_1064, %get3A_1065] {strides = array<i32>} : memref<2x50x1024xf32, #tpu.memory_space<vmem>>, vector<1x1x16xf32>,
      %get3A_1067 = vector.shape_cast %get3A_1066 : vector<1x1x16xf32> to vector<16xf32>
      %swap3A_1068 = arith.constant 0 : i32
      %swap3A_1069 = arith.index_cast %swap3A_1068 : i32 to index
      %swap3A_1070 = arith.constant 48 : index
      %swap3A_1071 = tpu.vector_load %arg12[%swap3A_1069, %swap3A_1070] {strides = array<i32>} : memref<2x128xf32, #tpu.memory_space<vmem>>, vector<1x16xf32>,
      %swap3A_1072 = vector.shape_cast %swap3A_1071 : vector<1x16xf32> to vector<16xf32>
      %swap3A_1073 = vector.shape_cast %get3A_1067 : vector<16xf32> to vector<1x16xf32>
      tpu.vector_store %arg12[%swap3A_1069, %swap3A_1070], %swap3A_1073 {strides = array<i32>} : memref<2x128xf32, #tpu.memory_space<vmem>>, vector<1x16xf32>,
      %get3A_1074 = arith.constant 48 : i32
      %get3A_1075 = arith.index_cast %rem3A_189 : i32 to index
      %get3A_1076 = arith.index_cast %get3A_1074 : i32 to index
      %get3A_1077 = arith.constant 576 : index
      %get3A_1078 = tpu.vector_load %arg6[%get3A_1075, %get3A_1076, %get3A_1077] {strides = array<i32>} : memref<2x50x1024xf32, #tpu.memory_space<vmem>>, vector<1x1x16xf32>,
      %get3A_1079 = vector.shape_cast %get3A_1078 : vector<1x1x16xf32> to vector<16xf32>
      %swap3A_1080 = arith.constant 0 : i32
      %swap3A_1081 = arith.index_cast %swap3A_1080 : i32 to index
      %swap3A_1082 = arith.constant 64 : index
      %swap3A_1083 = tpu.vector_load %arg12[%swap3A_1081, %swap3A_1082] {strides = array<i32>} : memref<2x128xf32, #tpu.memory_space<vmem>>, vector<1x16xf32>,
      %swap3A_1084 = vector.shape_cast %swap3A_1083 : vector<1x16xf32> to vector<16xf32>
      %swap3A_1085 = vector.shape_cast %get3A_1079 : vector<16xf32> to vector<1x16xf32>
      tpu.vector_store %arg12[%swap3A_1081, %swap3A_1082], %swap3A_1085 {strides = array<i32>} : memref<2x128xf32, #tpu.memory_space<vmem>>, vector<1x16xf32>,
      %get3A_1086 = arith.constant 48 : i32
      %get3A_1087 = arith.index_cast %rem3A_189 : i32 to index
      %get3A_1088 = arith.index_cast %get3A_1086 : i32 to index
      %get3A_1089 = arith.constant 592 : index
      %get3A_1090 = tpu.vector_load %arg6[%get3A_1087, %get3A_1088, %get3A_1089] {strides = array<i32>} : memref<2x50x1024xf32, #tpu.memory_space<vmem>>, vector<1x1x16xf32>,
      %get3A_1091 = vector.shape_cast %get3A_1090 : vector<1x1x16xf32> to vector<16xf32>
      %swap3A_1092 = arith.constant 0 : i32
      %swap3A_1093 = arith.index_cast %swap3A_1092 : i32 to index
      %swap3A_1094 = arith.constant 80 : index
      %swap3A_1095 = tpu.vector_load %arg12[%swap3A_1093, %swap3A_1094] {strides = array<i32>} : memref<2x128xf32, #tpu.memory_space<vmem>>, vector<1x16xf32>,
      %swap3A_1096 = vector.shape_cast %swap3A_1095 : vector<1x16xf32> to vector<16xf32>
      %swap3A_1097 = vector.shape_cast %get3A_1091 : vector<16xf32> to vector<1x16xf32>
      tpu.vector_store %arg12[%swap3A_1093, %swap3A_1094], %swap3A_1097 {strides = array<i32>} : memref<2x128xf32, #tpu.memory_space<vmem>>, vector<1x16xf32>,
      %get3A_1098 = arith.constant 48 : i32
      %get3A_1099 = arith.index_cast %rem3A_189 : i32 to index
      %get3A_1100 = arith.index_cast %get3A_1098 : i32 to index
      %get3A_1101 = arith.constant 608 : index
      %get3A_1102 = tpu.vector_load %arg6[%get3A_1099, %get3A_1100, %get3A_1101] {strides = array<i32>} : memref<2x50x1024xf32, #tpu.memory_space<vmem>>, vector<1x1x16xf32>,
      %get3A_1103 = vector.shape_cast %get3A_1102 : vector<1x1x16xf32> to vector<16xf32>
      %swap3A_1104 = arith.constant 0 : i32
      %swap3A_1105 = arith.index_cast %swap3A_1104 : i32 to index
      %swap3A_1106 = arith.constant 96 : index
      %swap3A_1107 = tpu.vector_load %arg12[%swap3A_1105, %swap3A_1106] {strides = array<i32>} : memref<2x128xf32, #tpu.memory_space<vmem>>, vector<1x16xf32>,
      %swap3A_1108 = vector.shape_cast %swap3A_1107 : vector<1x16xf32> to vector<16xf32>
      %swap3A_1109 = vector.shape_cast %get3A_1103 : vector<16xf32> to vector<1x16xf32>
      tpu.vector_store %arg12[%swap3A_1105, %swap3A_1106], %swap3A_1109 {strides = array<i32>} : memref<2x128xf32, #tpu.memory_space<vmem>>, vector<1x16xf32>,
      %get3A_1110 = arith.constant 48 : i32
      %get3A_1111 = arith.index_cast %rem3A_189 : i32 to index
      %get3A_1112 = arith.index_cast %get3A_1110 : i32 to index
      %get3A_1113 = arith.constant 624 : index
      %get3A_1114 = tpu.vector_load %arg6[%get3A_1111, %get3A_1112, %get3A_1113] {strides = array<i32>} : memref<2x50x1024xf32, #tpu.memory_space<vmem>>, vector<1x1x16xf32>,
      %get3A_1115 = vector.shape_cast %get3A_1114 : vector<1x1x16xf32> to vector<16xf32>
      %swap3A_1116 = arith.constant 0 : i32
      %swap3A_1117 = arith.index_cast %swap3A_1116 : i32 to index
      %swap3A_1118 = arith.constant 112 : index
      %swap3A_1119 = tpu.vector_load %arg12[%swap3A_1117, %swap3A_1118] {strides = array<i32>} : memref<2x128xf32, #tpu.memory_space<vmem>>, vector<1x16xf32>,
      %swap3A_1120 = vector.shape_cast %swap3A_1119 : vector<1x16xf32> to vector<16xf32>
      %swap3A_1121 = vector.shape_cast %get3A_1115 : vector<16xf32> to vector<1x16xf32>
      tpu.vector_store %arg12[%swap3A_1117, %swap3A_1118], %swap3A_1121 {strides = array<i32>} : memref<2x128xf32, #tpu.memory_space<vmem>>, vector<1x16xf32>,
      %get3A_1122 = arith.constant 49 : i32
      %get3A_1123 = arith.index_cast %rem3A_189 : i32 to index
      %get3A_1124 = arith.index_cast %get3A_1122 : i32 to index
      %get3A_1125 = arith.constant 512 : index
      %get3A_1126 = tpu.vector_load %arg6[%get3A_1123, %get3A_1124, %get3A_1125] {strides = array<i32>} : memref<2x50x1024xf32, #tpu.memory_space<vmem>>, vector<1x1x16xf32>,
      %get3A_1127 = vector.shape_cast %get3A_1126 : vector<1x1x16xf32> to vector<16xf32>
      %swap3A_1128 = arith.constant 1 : i32
      %swap3A_1129 = arith.index_cast %swap3A_1128 : i32 to index
      %swap3A_1130 = arith.constant 0 : index
      %swap3A_1131 = tpu.vector_load %arg12[%swap3A_1129, %swap3A_1130] {strides = array<i32>} : memref<2x128xf32, #tpu.memory_space<vmem>>, vector<1x16xf32>,
      %swap3A_1132 = vector.shape_cast %swap3A_1131 : vector<1x16xf32> to vector<16xf32>
      %swap3A_1133 = vector.shape_cast %get3A_1127 : vector<16xf32> to vector<1x16xf32>
      tpu.vector_store %arg12[%swap3A_1129, %swap3A_1130], %swap3A_1133 {strides = array<i32>} : memref<2x128xf32, #tpu.memory_space<vmem>>, vector<1x16xf32>,
      %get3A_1134 = arith.constant 49 : i32
      %get3A_1135 = arith.index_cast %rem3A_189 : i32 to index
      %get3A_1136 = arith.index_cast %get3A_1134 : i32 to index
      %get3A_1137 = arith.constant 528 : index
      %get3A_1138 = tpu.vector_load %arg6[%get3A_1135, %get3A_1136, %get3A_1137] {strides = array<i32>} : memref<2x50x1024xf32, #tpu.memory_space<vmem>>, vector<1x1x16xf32>,
      %get3A_1139 = vector.shape_cast %get3A_1138 : vector<1x1x16xf32> to vector<16xf32>
      %swap3A_1140 = arith.constant 1 : i32
      %swap3A_1141 = arith.index_cast %swap3A_1140 : i32 to index
      %swap3A_1142 = arith.constant 16 : index
      %swap3A_1143 = tpu.vector_load %arg12[%swap3A_1141, %swap3A_1142] {strides = array<i32>} : memref<2x128xf32, #tpu.memory_space<vmem>>, vector<1x16xf32>,
      %swap3A_1144 = vector.shape_cast %swap3A_1143 : vector<1x16xf32> to vector<16xf32>
      %swap3A_1145 = vector.shape_cast %get3A_1139 : vector<16xf32> to vector<1x16xf32>
      tpu.vector_store %arg12[%swap3A_1141, %swap3A_1142], %swap3A_1145 {strides = array<i32>} : memref<2x128xf32, #tpu.memory_space<vmem>>, vector<1x16xf32>,
      %get3A_1146 = arith.constant 49 : i32
      %get3A_1147 = arith.index_cast %rem3A_189 : i32 to index
      %get3A_1148 = arith.index_cast %get3A_1146 : i32 to index
      %get3A_1149 = arith.constant 544 : index
      %get3A_1150 = tpu.vector_load %arg6[%get3A_1147, %get3A_1148, %get3A_1149] {strides = array<i32>} : memref<2x50x1024xf32, #tpu.memory_space<vmem>>, vector<1x1x16xf32>,
      %get3A_1151 = vector.shape_cast %get3A_1150 : vector<1x1x16xf32> to vector<16xf32>
      %swap3A_1152 = arith.constant 1 : i32
      %swap3A_1153 = arith.index_cast %swap3A_1152 : i32 to index
      %swap3A_1154 = arith.constant 32 : index
      %swap3A_1155 = tpu.vector_load %arg12[%swap3A_1153, %swap3A_1154] {strides = array<i32>} : memref<2x128xf32, #tpu.memory_space<vmem>>, vector<1x16xf32>,
      %swap3A_1156 = vector.shape_cast %swap3A_1155 : vector<1x16xf32> to vector<16xf32>
      %swap3A_1157 = vector.shape_cast %get3A_1151 : vector<16xf32> to vector<1x16xf32>
      tpu.vector_store %arg12[%swap3A_1153, %swap3A_1154], %swap3A_1157 {strides = array<i32>} : memref<2x128xf32, #tpu.memory_space<vmem>>, vector<1x16xf32>,
      %get3A_1158 = arith.constant 49 : i32
      %get3A_1159 = arith.index_cast %rem3A_189 : i32 to index
      %get3A_1160 = arith.index_cast %get3A_1158 : i32 to index
      %get3A_1161 = arith.constant 560 : index
      %get3A_1162 = tpu.vector_load %arg6[%get3A_1159, %get3A_1160, %get3A_1161] {strides = array<i32>} : memref<2x50x1024xf32, #tpu.memory_space<vmem>>, vector<1x1x16xf32>,
      %get3A_1163 = vector.shape_cast %get3A_1162 : vector<1x1x16xf32> to vector<16xf32>
      %swap3A_1164 = arith.constant 1 : i32
      %swap3A_1165 = arith.index_cast %swap3A_1164 : i32 to index
      %swap3A_1166 = arith.constant 48 : index
      %swap3A_1167 = tpu.vector_load %arg12[%swap3A_1165, %swap3A_1166] {strides = array<i32>} : memref<2x128xf32, #tpu.memory_space<vmem>>, vector<1x16xf32>,
      %swap3A_1168 = vector.shape_cast %swap3A_1167 : vector<1x16xf32> to vector<16xf32>
      %swap3A_1169 = vector.shape_cast %get3A_1163 : vector<16xf32> to vector<1x16xf32>
      tpu.vector_store %arg12[%swap3A_1165, %swap3A_1166], %swap3A_1169 {strides = array<i32>} : memref<2x128xf32, #tpu.memory_space<vmem>>, vector<1x16xf32>,
      %get3A_1170 = arith.constant 49 : i32
      %get3A_1171 = arith.index_cast %rem3A_189 : i32 to index
      %get3A_1172 = arith.index_cast %get3A_1170 : i32 to index
      %get3A_1173 = arith.constant 576 : index
      %get3A_1174 = tpu.vector_load %arg6[%get3A_1171, %get3A_1172, %get3A_1173] {strides = array<i32>} : memref<2x50x1024xf32, #tpu.memory_space<vmem>>, vector<1x1x16xf32>,
      %get3A_1175 = vector.shape_cast %get3A_1174 : vector<1x1x16xf32> to vector<16xf32>
      %swap3A_1176 = arith.constant 1 : i32
      %swap3A_1177 = arith.index_cast %swap3A_1176 : i32 to index
      %swap3A_1178 = arith.constant 64 : index
      %swap3A_1179 = tpu.vector_load %arg12[%swap3A_1177, %swap3A_1178] {strides = array<i32>} : memref<2x128xf32, #tpu.memory_space<vmem>>, vector<1x16xf32>,
      %swap3A_1180 = vector.shape_cast %swap3A_1179 : vector<1x16xf32> to vector<16xf32>
      %swap3A_1181 = vector.shape_cast %get3A_1175 : vector<16xf32> to vector<1x16xf32>
      tpu.vector_store %arg12[%swap3A_1177, %swap3A_1178], %swap3A_1181 {strides = array<i32>} : memref<2x128xf32, #tpu.memory_space<vmem>>, vector<1x16xf32>,
      %get3A_1182 = arith.constant 49 : i32
      %get3A_1183 = arith.index_cast %rem3A_189 : i32 to index
      %get3A_1184 = arith.index_cast %get3A_1182 : i32 to index
      %get3A_1185 = arith.constant 592 : index
      %get3A_1186 = tpu.vector_load %arg6[%get3A_1183, %get3A_1184, %get3A_1185] {strides = array<i32>} : memref<2x50x1024xf32, #tpu.memory_space<vmem>>, vector<1x1x16xf32>,
      %get3A_1187 = vector.shape_cast %get3A_1186 : vector<1x1x16xf32> to vector<16xf32>
      %swap3A_1188 = arith.constant 1 : i32
      %swap3A_1189 = arith.index_cast %swap3A_1188 : i32 to index
      %swap3A_1190 = arith.constant 80 : index
      %swap3A_1191 = tpu.vector_load %arg12[%swap3A_1189, %swap3A_1190] {strides = array<i32>} : memref<2x128xf32, #tpu.memory_space<vmem>>, vector<1x16xf32>,
      %swap3A_1192 = vector.shape_cast %swap3A_1191 : vector<1x16xf32> to vector<16xf32>
      %swap3A_1193 = vector.shape_cast %get3A_1187 : vector<16xf32> to vector<1x16xf32>
      tpu.vector_store %arg12[%swap3A_1189, %swap3A_1190], %swap3A_1193 {strides = array<i32>} : memref<2x128xf32, #tpu.memory_space<vmem>>, vector<1x16xf32>,
      %get3A_1194 = arith.constant 49 : i32
      %get3A_1195 = arith.index_cast %rem3A_189 : i32 to index
      %get3A_1196 = arith.index_cast %get3A_1194 : i32 to index
      %get3A_1197 = arith.constant 608 : index
      %get3A_1198 = tpu.vector_load %arg6[%get3A_1195, %get3A_1196, %get3A_1197] {strides = array<i32>} : memref<2x50x1024xf32, #tpu.memory_space<vmem>>, vector<1x1x16xf32>,
      %get3A_1199 = vector.shape_cast %get3A_1198 : vector<1x1x16xf32> to vector<16xf32>
      %swap3A_1200 = arith.constant 1 : i32
      %swap3A_1201 = arith.index_cast %swap3A_1200 : i32 to index
      %swap3A_1202 = arith.constant 96 : index
      %swap3A_1203 = tpu.vector_load %arg12[%swap3A_1201, %swap3A_1202] {strides = array<i32>} : memref<2x128xf32, #tpu.memory_space<vmem>>, vector<1x16xf32>,
      %swap3A_1204 = vector.shape_cast %swap3A_1203 : vector<1x16xf32> to vector<16xf32>
      %swap3A_1205 = vector.shape_cast %get3A_1199 : vector<16xf32> to vector<1x16xf32>
      tpu.vector_store %arg12[%swap3A_1201, %swap3A_1202], %swap3A_1205 {strides = array<i32>} : memref<2x128xf32, #tpu.memory_space<vmem>>, vector<1x16xf32>,
      %get3A_1206 = arith.constant 49 : i32
      %get3A_1207 = arith.index_cast %rem3A_189 : i32 to index
      %get3A_1208 = arith.index_cast %get3A_1206 : i32 to index
      %get3A_1209 = arith.constant 624 : index
      %get3A_1210 = tpu.vector_load %arg6[%get3A_1207, %get3A_1208, %get3A_1209] {strides = array<i32>} : memref<2x50x1024xf32, #tpu.memory_space<vmem>>, vector<1x1x16xf32>,
      %get3A_1211 = vector.shape_cast %get3A_1210 : vector<1x1x16xf32> to vector<16xf32>
      %swap3A_1212 = arith.constant 1 : i32
      %swap3A_1213 = arith.index_cast %swap3A_1212 : i32 to index
      %swap3A_1214 = arith.constant 112 : index
      %swap3A_1215 = tpu.vector_load %arg12[%swap3A_1213, %swap3A_1214] {strides = array<i32>} : memref<2x128xf32, #tpu.memory_space<vmem>>, vector<1x16xf32>,
      %swap3A_1216 = vector.shape_cast %swap3A_1215 : vector<1x16xf32> to vector<16xf32>
      %swap3A_1217 = vector.shape_cast %get3A_1211 : vector<16xf32> to vector<1x16xf32>
      tpu.vector_store %arg12[%swap3A_1213, %swap3A_1214], %swap3A_1217 {strides = array<i32>} : memref<2x128xf32, #tpu.memory_space<vmem>>, vector<1x16xf32>,
      %get3A_1218 = arith.constant 48 : i32
      %get3A_1219 = arith.index_cast %rem3A_189 : i32 to index
      %get3A_1220 = arith.index_cast %get3A_1218 : i32 to index
      %get3A_1221 = arith.constant 640 : index
      %get3A_1222 = tpu.vector_load %arg6[%get3A_1219, %get3A_1220, %get3A_1221] {strides = array<i32>} : memref<2x50x1024xf32, #tpu.memory_space<vmem>>, vector<1x1x16xf32>,
      %get3A_1223 = vector.shape_cast %get3A_1222 : vector<1x1x16xf32> to vector<16xf32>
      %swap3A_1224 = arith.constant 0 : i32
      %swap3A_1225 = arith.index_cast %swap3A_1224 : i32 to index
      %swap3A_1226 = arith.constant 0 : index
      %swap3A_1227 = tpu.vector_load %arg13[%swap3A_1225, %swap3A_1226] {strides = array<i32>} : memref<2x128xf32, #tpu.memory_space<vmem>>, vector<1x16xf32>,
      %swap3A_1228 = vector.shape_cast %swap3A_1227 : vector<1x16xf32> to vector<16xf32>
      %swap3A_1229 = vector.shape_cast %get3A_1223 : vector<16xf32> to vector<1x16xf32>
      tpu.vector_store %arg13[%swap3A_1225, %swap3A_1226], %swap3A_1229 {strides = array<i32>} : memref<2x128xf32, #tpu.memory_space<vmem>>, vector<1x16xf32>,
      %get3A_1230 = arith.constant 48 : i32
      %get3A_1231 = arith.index_cast %rem3A_189 : i32 to index
      %get3A_1232 = arith.index_cast %get3A_1230 : i32 to index
      %get3A_1233 = arith.constant 656 : index
      %get3A_1234 = tpu.vector_load %arg6[%get3A_1231, %get3A_1232, %get3A_1233] {strides = array<i32>} : memref<2x50x1024xf32, #tpu.memory_space<vmem>>, vector<1x1x16xf32>,
      %get3A_1235 = vector.shape_cast %get3A_1234 : vector<1x1x16xf32> to vector<16xf32>
      %swap3A_1236 = arith.constant 0 : i32
      %swap3A_1237 = arith.index_cast %swap3A_1236 : i32 to index
      %swap3A_1238 = arith.constant 16 : index
      %swap3A_1239 = tpu.vector_load %arg13[%swap3A_1237, %swap3A_1238] {strides = array<i32>} : memref<2x128xf32, #tpu.memory_space<vmem>>, vector<1x16xf32>,
      %swap3A_1240 = vector.shape_cast %swap3A_1239 : vector<1x16xf32> to vector<16xf32>
      %swap3A_1241 = vector.shape_cast %get3A_1235 : vector<16xf32> to vector<1x16xf32>
      tpu.vector_store %arg13[%swap3A_1237, %swap3A_1238], %swap3A_1241 {strides = array<i32>} : memref<2x128xf32, #tpu.memory_space<vmem>>, vector<1x16xf32>,
      %get3A_1242 = arith.constant 48 : i32
      %get3A_1243 = arith.index_cast %rem3A_189 : i32 to index
      %get3A_1244 = arith.index_cast %get3A_1242 : i32 to index
      %get3A_1245 = arith.constant 672 : index
      %get3A_1246 = tpu.vector_load %arg6[%get3A_1243, %get3A_1244, %get3A_1245] {strides = array<i32>} : memref<2x50x1024xf32, #tpu.memory_space<vmem>>, vector<1x1x16xf32>,
      %get3A_1247 = vector.shape_cast %get3A_1246 : vector<1x1x16xf32> to vector<16xf32>
      %swap3A_1248 = arith.constant 0 : i32
      %swap3A_1249 = arith.index_cast %swap3A_1248 : i32 to index
      %swap3A_1250 = arith.constant 32 : index
      %swap3A_1251 = tpu.vector_load %arg13[%swap3A_1249, %swap3A_1250] {strides = array<i32>} : memref<2x128xf32, #tpu.memory_space<vmem>>, vector<1x16xf32>,
      %swap3A_1252 = vector.shape_cast %swap3A_1251 : vector<1x16xf32> to vector<16xf32>
      %swap3A_1253 = vector.shape_cast %get3A_1247 : vector<16xf32> to vector<1x16xf32>
      tpu.vector_store %arg13[%swap3A_1249, %swap3A_1250], %swap3A_1253 {strides = array<i32>} : memref<2x128xf32, #tpu.memory_space<vmem>>, vector<1x16xf32>,
      %get3A_1254 = arith.constant 48 : i32
      %get3A_1255 = arith.index_cast %rem3A_189 : i32 to index
      %get3A_1256 = arith.index_cast %get3A_1254 : i32 to index
      %get3A_1257 = arith.constant 688 : index
      %get3A_1258 = tpu.vector_load %arg6[%get3A_1255, %get3A_1256, %get3A_1257] {strides = array<i32>} : memref<2x50x1024xf32, #tpu.memory_space<vmem>>, vector<1x1x16xf32>,
      %get3A_1259 = vector.shape_cast %get3A_1258 : vector<1x1x16xf32> to vector<16xf32>
      %swap3A_1260 = arith.constant 0 : i32
      %swap3A_1261 = arith.index_cast %swap3A_1260 : i32 to index
      %swap3A_1262 = arith.constant 48 : index
      %swap3A_1263 = tpu.vector_load %arg13[%swap3A_1261, %swap3A_1262] {strides = array<i32>} : memref<2x128xf32, #tpu.memory_space<vmem>>, vector<1x16xf32>,
      %swap3A_1264 = vector.shape_cast %swap3A_1263 : vector<1x16xf32> to vector<16xf32>
      %swap3A_1265 = vector.shape_cast %get3A_1259 : vector<16xf32> to vector<1x16xf32>
      tpu.vector_store %arg13[%swap3A_1261, %swap3A_1262], %swap3A_1265 {strides = array<i32>} : memref<2x128xf32, #tpu.memory_space<vmem>>, vector<1x16xf32>,
      %get3A_1266 = arith.constant 48 : i32
      %get3A_1267 = arith.index_cast %rem3A_189 : i32 to index
      %get3A_1268 = arith.index_cast %get3A_1266 : i32 to index
      %get3A_1269 = arith.constant 704 : index
      %get3A_1270 = tpu.vector_load %arg6[%get3A_1267, %get3A_1268, %get3A_1269] {strides = array<i32>} : memref<2x50x1024xf32, #tpu.memory_space<vmem>>, vector<1x1x16xf32>,
      %get3A_1271 = vector.shape_cast %get3A_1270 : vector<1x1x16xf32> to vector<16xf32>
      %swap3A_1272 = arith.constant 0 : i32
      %swap3A_1273 = arith.index_cast %swap3A_1272 : i32 to index
      %swap3A_1274 = arith.constant 64 : index
      %swap3A_1275 = tpu.vector_load %arg13[%swap3A_1273, %swap3A_1274] {strides = array<i32>} : memref<2x128xf32, #tpu.memory_space<vmem>>, vector<1x16xf32>,
      %swap3A_1276 = vector.shape_cast %swap3A_1275 : vector<1x16xf32> to vector<16xf32>
      %swap3A_1277 = vector.shape_cast %get3A_1271 : vector<16xf32> to vector<1x16xf32>
      tpu.vector_store %arg13[%swap3A_1273, %swap3A_1274], %swap3A_1277 {strides = array<i32>} : memref<2x128xf32, #tpu.memory_space<vmem>>, vector<1x16xf32>,
      %get3A_1278 = arith.constant 48 : i32
      %get3A_1279 = arith.index_cast %rem3A_189 : i32 to index
      %get3A_1280 = arith.index_cast %get3A_1278 : i32 to index
      %get3A_1281 = arith.constant 720 : index
      %get3A_1282 = tpu.vector_load %arg6[%get3A_1279, %get3A_1280, %get3A_1281] {strides = array<i32>} : memref<2x50x1024xf32, #tpu.memory_space<vmem>>, vector<1x1x16xf32>,
      %get3A_1283 = vector.shape_cast %get3A_1282 : vector<1x1x16xf32> to vector<16xf32>
      %swap3A_1284 = arith.constant 0 : i32
      %swap3A_1285 = arith.index_cast %swap3A_1284 : i32 to index
      %swap3A_1286 = arith.constant 80 : index
      %swap3A_1287 = tpu.vector_load %arg13[%swap3A_1285, %swap3A_1286] {strides = array<i32>} : memref<2x128xf32, #tpu.memory_space<vmem>>, vector<1x16xf32>,
      %swap3A_1288 = vector.shape_cast %swap3A_1287 : vector<1x16xf32> to vector<16xf32>
      %swap3A_1289 = vector.shape_cast %get3A_1283 : vector<16xf32> to vector<1x16xf32>
      tpu.vector_store %arg13[%swap3A_1285, %swap3A_1286], %swap3A_1289 {strides = array<i32>} : memref<2x128xf32, #tpu.memory_space<vmem>>, vector<1x16xf32>,
      %get3A_1290 = arith.constant 48 : i32
      %get3A_1291 = arith.index_cast %rem3A_189 : i32 to index
      %get3A_1292 = arith.index_cast %get3A_1290 : i32 to index
      %get3A_1293 = arith.constant 736 : index
      %get3A_1294 = tpu.vector_load %arg6[%get3A_1291, %get3A_1292, %get3A_1293] {strides = array<i32>} : memref<2x50x1024xf32, #tpu.memory_space<vmem>>, vector<1x1x16xf32>,
      %get3A_1295 = vector.shape_cast %get3A_1294 : vector<1x1x16xf32> to vector<16xf32>
      %swap3A_1296 = arith.constant 0 : i32
      %swap3A_1297 = arith.index_cast %swap3A_1296 : i32 to index
      %swap3A_1298 = arith.constant 96 : index
      %swap3A_1299 = tpu.vector_load %arg13[%swap3A_1297, %swap3A_1298] {strides = array<i32>} : memref<2x128xf32, #tpu.memory_space<vmem>>, vector<1x16xf32>,
      %swap3A_1300 = vector.shape_cast %swap3A_1299 : vector<1x16xf32> to vector<16xf32>
      %swap3A_1301 = vector.shape_cast %get3A_1295 : vector<16xf32> to vector<1x16xf32>
      tpu.vector_store %arg13[%swap3A_1297, %swap3A_1298], %swap3A_1301 {strides = array<i32>} : memref<2x128xf32, #tpu.memory_space<vmem>>, vector<1x16xf32>,
      %get3A_1302 = arith.constant 48 : i32
      %get3A_1303 = arith.index_cast %rem3A_189 : i32 to index
      %get3A_1304 = arith.index_cast %get3A_1302 : i32 to index
      %get3A_1305 = arith.constant 752 : index
      %get3A_1306 = tpu.vector_load %arg6[%get3A_1303, %get3A_1304, %get3A_1305] {strides = array<i32>} : memref<2x50x1024xf32, #tpu.memory_space<vmem>>, vector<1x1x16xf32>,
      %get3A_1307 = vector.shape_cast %get3A_1306 : vector<1x1x16xf32> to vector<16xf32>
      %swap3A_1308 = arith.constant 0 : i32
      %swap3A_1309 = arith.index_cast %swap3A_1308 : i32 to index
      %swap3A_1310 = arith.constant 112 : index
      %swap3A_1311 = tpu.vector_load %arg13[%swap3A_1309, %swap3A_1310] {strides = array<i32>} : memref<2x128xf32, #tpu.memory_space<vmem>>, vector<1x16xf32>,
      %swap3A_1312 = vector.shape_cast %swap3A_1311 : vector<1x16xf32> to vector<16xf32>
      %swap3A_1313 = vector.shape_cast %get3A_1307 : vector<16xf32> to vector<1x16xf32>
      tpu.vector_store %arg13[%swap3A_1309, %swap3A_1310], %swap3A_1313 {strides = array<i32>} : memref<2x128xf32, #tpu.memory_space<vmem>>, vector<1x16xf32>,
      %get3A_1314 = arith.constant 49 : i32
      %get3A_1315 = arith.index_cast %rem3A_189 : i32 to index
      %get3A_1316 = arith.index_cast %get3A_1314 : i32 to index
      %get3A_1317 = arith.constant 640 : index
      %get3A_1318 = tpu.vector_load %arg6[%get3A_1315, %get3A_1316, %get3A_1317] {strides = array<i32>} : memref<2x50x1024xf32, #tpu.memory_space<vmem>>, vector<1x1x16xf32>,
      %get3A_1319 = vector.shape_cast %get3A_1318 : vector<1x1x16xf32> to vector<16xf32>
      %swap3A_1320 = arith.constant 1 : i32
      %swap3A_1321 = arith.index_cast %swap3A_1320 : i32 to index
      %swap3A_1322 = arith.constant 0 : index
      %swap3A_1323 = tpu.vector_load %arg13[%swap3A_1321, %swap3A_1322] {strides = array<i32>} : memref<2x128xf32, #tpu.memory_space<vmem>>, vector<1x16xf32>,
      %swap3A_1324 = vector.shape_cast %swap3A_1323 : vector<1x16xf32> to vector<16xf32>
      %swap3A_1325 = vector.shape_cast %get3A_1319 : vector<16xf32> to vector<1x16xf32>
      tpu.vector_store %arg13[%swap3A_1321, %swap3A_1322], %swap3A_1325 {strides = array<i32>} : memref<2x128xf32, #tpu.memory_space<vmem>>, vector<1x16xf32>,
      %get3A_1326 = arith.constant 49 : i32
      %get3A_1327 = arith.index_cast %rem3A_189 : i32 to index
      %get3A_1328 = arith.index_cast %get3A_1326 : i32 to index
      %get3A_1329 = arith.constant 656 : index
      %get3A_1330 = tpu.vector_load %arg6[%get3A_1327, %get3A_1328, %get3A_1329] {strides = array<i32>} : memref<2x50x1024xf32, #tpu.memory_space<vmem>>, vector<1x1x16xf32>,
      %get3A_1331 = vector.shape_cast %get3A_1330 : vector<1x1x16xf32> to vector<16xf32>
      %swap3A_1332 = arith.constant 1 : i32
      %swap3A_1333 = arith.index_cast %swap3A_1332 : i32 to index
      %swap3A_1334 = arith.constant 16 : index
      %swap3A_1335 = tpu.vector_load %arg13[%swap3A_1333, %swap3A_1334] {strides = array<i32>} : memref<2x128xf32, #tpu.memory_space<vmem>>, vector<1x16xf32>,
      %swap3A_1336 = vector.shape_cast %swap3A_1335 : vector<1x16xf32> to vector<16xf32>
      %swap3A_1337 = vector.shape_cast %get3A_1331 : vector<16xf32> to vector<1x16xf32>
      tpu.vector_store %arg13[%swap3A_1333, %swap3A_1334], %swap3A_1337 {strides = array<i32>} : memref<2x128xf32, #tpu.memory_space<vmem>>, vector<1x16xf32>,
      %get3A_1338 = arith.constant 49 : i32
      %get3A_1339 = arith.index_cast %rem3A_189 : i32 to index
      %get3A_1340 = arith.index_cast %get3A_1338 : i32 to index
      %get3A_1341 = arith.constant 672 : index
      %get3A_1342 = tpu.vector_load %arg6[%get3A_1339, %get3A_1340, %get3A_1341] {strides = array<i32>} : memref<2x50x1024xf32, #tpu.memory_space<vmem>>, vector<1x1x16xf32>,
      %get3A_1343 = vector.shape_cast %get3A_1342 : vector<1x1x16xf32> to vector<16xf32>
      %swap3A_1344 = arith.constant 1 : i32
      %swap3A_1345 = arith.index_cast %swap3A_1344 : i32 to index
      %swap3A_1346 = arith.constant 32 : index
      %swap3A_1347 = tpu.vector_load %arg13[%swap3A_1345, %swap3A_1346] {strides = array<i32>} : memref<2x128xf32, #tpu.memory_space<vmem>>, vector<1x16xf32>,
      %swap3A_1348 = vector.shape_cast %swap3A_1347 : vector<1x16xf32> to vector<16xf32>
      %swap3A_1349 = vector.shape_cast %get3A_1343 : vector<16xf32> to vector<1x16xf32>
      tpu.vector_store %arg13[%swap3A_1345, %swap3A_1346], %swap3A_1349 {strides = array<i32>} : memref<2x128xf32, #tpu.memory_space<vmem>>, vector<1x16xf32>,
      %get3A_1350 = arith.constant 49 : i32
      %get3A_1351 = arith.index_cast %rem3A_189 : i32 to index
      %get3A_1352 = arith.index_cast %get3A_1350 : i32 to index
      %get3A_1353 = arith.constant 688 : index
      %get3A_1354 = tpu.vector_load %arg6[%get3A_1351, %get3A_1352, %get3A_1353] {strides = array<i32>} : memref<2x50x1024xf32, #tpu.memory_space<vmem>>, vector<1x1x16xf32>,
      %get3A_1355 = vector.shape_cast %get3A_1354 : vector<1x1x16xf32> to vector<16xf32>
      %swap3A_1356 = arith.constant 1 : i32
      %swap3A_1357 = arith.index_cast %swap3A_1356 : i32 to index
      %swap3A_1358 = arith.constant 48 : index
      %swap3A_1359 = tpu.vector_load %arg13[%swap3A_1357, %swap3A_1358] {strides = array<i32>} : memref<2x128xf32, #tpu.memory_space<vmem>>, vector<1x16xf32>,
      %swap3A_1360 = vector.shape_cast %swap3A_1359 : vector<1x16xf32> to vector<16xf32>
      %swap3A_1361 = vector.shape_cast %get3A_1355 : vector<16xf32> to vector<1x16xf32>
      tpu.vector_store %arg13[%swap3A_1357, %swap3A_1358], %swap3A_1361 {strides = array<i32>} : memref<2x128xf32, #tpu.memory_space<vmem>>, vector<1x16xf32>,
      %get3A_1362 = arith.constant 49 : i32
      %get3A_1363 = arith.index_cast %rem3A_189 : i32 to index
      %get3A_1364 = arith.index_cast %get3A_1362 : i32 to index
      %get3A_1365 = arith.constant 704 : index
      %get3A_1366 = tpu.vector_load %arg6[%get3A_1363, %get3A_1364, %get3A_1365] {strides = array<i32>} : memref<2x50x1024xf32, #tpu.memory_space<vmem>>, vector<1x1x16xf32>,
      %get3A_1367 = vector.shape_cast %get3A_1366 : vector<1x1x16xf32> to vector<16xf32>
      %swap3A_1368 = arith.constant 1 : i32
      %swap3A_1369 = arith.index_cast %swap3A_1368 : i32 to index
      %swap3A_1370 = arith.constant 64 : index
      %swap3A_1371 = tpu.vector_load %arg13[%swap3A_1369, %swap3A_1370] {strides = array<i32>} : memref<2x128xf32, #tpu.memory_space<vmem>>, vector<1x16xf32>,
      %swap3A_1372 = vector.shape_cast %swap3A_1371 : vector<1x16xf32> to vector<16xf32>
      %swap3A_1373 = vector.shape_cast %get3A_1367 : vector<16xf32> to vector<1x16xf32>
      tpu.vector_store %arg13[%swap3A_1369, %swap3A_1370], %swap3A_1373 {strides = array<i32>} : memref<2x128xf32, #tpu.memory_space<vmem>>, vector<1x16xf32>,
      %get3A_1374 = arith.constant 49 : i32
      %get3A_1375 = arith.index_cast %rem3A_189 : i32 to index
      %get3A_1376 = arith.index_cast %get3A_1374 : i32 to index
      %get3A_1377 = arith.constant 720 : index
      %get3A_1378 = tpu.vector_load %arg6[%get3A_1375, %get3A_1376, %get3A_1377] {strides = array<i32>} : memref<2x50x1024xf32, #tpu.memory_space<vmem>>, vector<1x1x16xf32>,
      %get3A_1379 = vector.shape_cast %get3A_1378 : vector<1x1x16xf32> to vector<16xf32>
      %swap3A_1380 = arith.constant 1 : i32
      %swap3A_1381 = arith.index_cast %swap3A_1380 : i32 to index
      %swap3A_1382 = arith.constant 80 : index
      %swap3A_1383 = tpu.vector_load %arg13[%swap3A_1381, %swap3A_1382] {strides = array<i32>} : memref<2x128xf32, #tpu.memory_space<vmem>>, vector<1x16xf32>,
      %swap3A_1384 = vector.shape_cast %swap3A_1383 : vector<1x16xf32> to vector<16xf32>
      %swap3A_1385 = vector.shape_cast %get3A_1379 : vector<16xf32> to vector<1x16xf32>
      tpu.vector_store %arg13[%swap3A_1381, %swap3A_1382], %swap3A_1385 {strides = array<i32>} : memref<2x128xf32, #tpu.memory_space<vmem>>, vector<1x16xf32>,
      %get3A_1386 = arith.constant 49 : i32
      %get3A_1387 = arith.index_cast %rem3A_189 : i32 to index
      %get3A_1388 = arith.index_cast %get3A_1386 : i32 to index
      %get3A_1389 = arith.constant 736 : index
      %get3A_1390 = tpu.vector_load %arg6[%get3A_1387, %get3A_1388, %get3A_1389] {strides = array<i32>} : memref<2x50x1024xf32, #tpu.memory_space<vmem>>, vector<1x1x16xf32>,
      %get3A_1391 = vector.shape_cast %get3A_1390 : vector<1x1x16xf32> to vector<16xf32>
      %swap3A_1392 = arith.constant 1 : i32
      %swap3A_1393 = arith.index_cast %swap3A_1392 : i32 to index
      %swap3A_1394 = arith.constant 96 : index
      %swap3A_1395 = tpu.vector_load %arg13[%swap3A_1393, %swap3A_1394] {strides = array<i32>} : memref<2x128xf32, #tpu.memory_space<vmem>>, vector<1x16xf32>,
      %swap3A_1396 = vector.shape_cast %swap3A_1395 : vector<1x16xf32> to vector<16xf32>
      %swap3A_1397 = vector.shape_cast %get3A_1391 : vector<16xf32> to vector<1x16xf32>
      tpu.vector_store %arg13[%swap3A_1393, %swap3A_1394], %swap3A_1397 {strides = array<i32>} : memref<2x128xf32, #tpu.memory_space<vmem>>, vector<1x16xf32>,
      %get3A_1398 = arith.constant 49 : i32
      %get3A_1399 = arith.index_cast %rem3A_189 : i32 to index
      %get3A_1400 = arith.index_cast %get3A_1398 : i32 to index
      %get3A_1401 = arith.constant 752 : index
      %get3A_1402 = tpu.vector_load %arg6[%get3A_1399, %get3A_1400, %get3A_1401] {strides = array<i32>} : memref<2x50x1024xf32, #tpu.memory_space<vmem>>, vector<1x1x16xf32>,
      %get3A_1403 = vector.shape_cast %get3A_1402 : vector<1x1x16xf32> to vector<16xf32>
      %swap3A_1404 = arith.constant 1 : i32
      %swap3A_1405 = arith.index_cast %swap3A_1404 : i32 to index
      %swap3A_1406 = arith.constant 112 : index
      %swap3A_1407 = tpu.vector_load %arg13[%swap3A_1405, %swap3A_1406] {strides = array<i32>} : memref<2x128xf32, #tpu.memory_space<vmem>>, vector<1x16xf32>,
      %swap3A_1408 = vector.shape_cast %swap3A_1407 : vector<1x16xf32> to vector<16xf32>
      %swap3A_1409 = vector.shape_cast %get3A_1403 : vector<16xf32> to vector<1x16xf32>
      tpu.vector_store %arg13[%swap3A_1405, %swap3A_1406], %swap3A_1409 {strides = array<i32>} : memref<2x128xf32, #tpu.memory_space<vmem>>, vector<1x16xf32>,
      %get3A_1410 = arith.constant 48 : i32
      %get3A_1411 = arith.index_cast %rem3A_189 : i32 to index
      %get3A_1412 = arith.index_cast %get3A_1410 : i32 to index
      %get3A_1413 = arith.constant 768 : index
      %get3A_1414 = tpu.vector_load %arg6[%get3A_1411, %get3A_1412, %get3A_1413] {strides = array<i32>} : memref<2x50x1024xf32, #tpu.memory_space<vmem>>, vector<1x1x16xf32>,
      %get3A_1415 = vector.shape_cast %get3A_1414 : vector<1x1x16xf32> to vector<16xf32>
      %swap3A_1416 = arith.constant 0 : i32
      %swap3A_1417 = arith.index_cast %swap3A_1416 : i32 to index
      %swap3A_1418 = arith.constant 0 : index
      %swap3A_1419 = tpu.vector_load %arg14[%swap3A_1417, %swap3A_1418] {strides = array<i32>} : memref<2x128xf32, #tpu.memory_space<vmem>>, vector<1x16xf32>,
      %swap3A_1420 = vector.shape_cast %swap3A_1419 : vector<1x16xf32> to vector<16xf32>
      %swap3A_1421 = vector.shape_cast %get3A_1415 : vector<16xf32> to vector<1x16xf32>
      tpu.vector_store %arg14[%swap3A_1417, %swap3A_1418], %swap3A_1421 {strides = array<i32>} : memref<2x128xf32, #tpu.memory_space<vmem>>, vector<1x16xf32>,
      %get3A_1422 = arith.constant 48 : i32
      %get3A_1423 = arith.index_cast %rem3A_189 : i32 to index
      %get3A_1424 = arith.index_cast %get3A_1422 : i32 to index
      %get3A_1425 = arith.constant 784 : index
      %get3A_1426 = tpu.vector_load %arg6[%get3A_1423, %get3A_1424, %get3A_1425] {strides = array<i32>} : memref<2x50x1024xf32, #tpu.memory_space<vmem>>, vector<1x1x16xf32>,
      %get3A_1427 = vector.shape_cast %get3A_1426 : vector<1x1x16xf32> to vector<16xf32>
      %swap3A_1428 = arith.constant 0 : i32
      %swap3A_1429 = arith.index_cast %swap3A_1428 : i32 to index
      %swap3A_1430 = arith.constant 16 : index
      %swap3A_1431 = tpu.vector_load %arg14[%swap3A_1429, %swap3A_1430] {strides = array<i32>} : memref<2x128xf32, #tpu.memory_space<vmem>>, vector<1x16xf32>,
      %swap3A_1432 = vector.shape_cast %swap3A_1431 : vector<1x16xf32> to vector<16xf32>
      %swap3A_1433 = vector.shape_cast %get3A_1427 : vector<16xf32> to vector<1x16xf32>
      tpu.vector_store %arg14[%swap3A_1429, %swap3A_1430], %swap3A_1433 {strides = array<i32>} : memref<2x128xf32, #tpu.memory_space<vmem>>, vector<1x16xf32>,
      %get3A_1434 = arith.constant 48 : i32
      %get3A_1435 = arith.index_cast %rem3A_189 : i32 to index
      %get3A_1436 = arith.index_cast %get3A_1434 : i32 to index
      %get3A_1437 = arith.constant 800 : index
      %get3A_1438 = tpu.vector_load %arg6[%get3A_1435, %get3A_1436, %get3A_1437] {strides = array<i32>} : memref<2x50x1024xf32, #tpu.memory_space<vmem>>, vector<1x1x16xf32>,
      %get3A_1439 = vector.shape_cast %get3A_1438 : vector<1x1x16xf32> to vector<16xf32>
      %swap3A_1440 = arith.constant 0 : i32
      %swap3A_1441 = arith.index_cast %swap3A_1440 : i32 to index
      %swap3A_1442 = arith.constant 32 : index
      %swap3A_1443 = tpu.vector_load %arg14[%swap3A_1441, %swap3A_1442] {strides = array<i32>} : memref<2x128xf32, #tpu.memory_space<vmem>>, vector<1x16xf32>,
      %swap3A_1444 = vector.shape_cast %swap3A_1443 : vector<1x16xf32> to vector<16xf32>
      %swap3A_1445 = vector.shape_cast %get3A_1439 : vector<16xf32> to vector<1x16xf32>
      tpu.vector_store %arg14[%swap3A_1441, %swap3A_1442], %swap3A_1445 {strides = array<i32>} : memref<2x128xf32, #tpu.memory_space<vmem>>, vector<1x16xf32>,
      %get3A_1446 = arith.constant 48 : i32
      %get3A_1447 = arith.index_cast %rem3A_189 : i32 to index
      %get3A_1448 = arith.index_cast %get3A_1446 : i32 to index
      %get3A_1449 = arith.constant 816 : index
      %get3A_1450 = tpu.vector_load %arg6[%get3A_1447, %get3A_1448, %get3A_1449] {strides = array<i32>} : memref<2x50x1024xf32, #tpu.memory_space<vmem>>, vector<1x1x16xf32>,
      %get3A_1451 = vector.shape_cast %get3A_1450 : vector<1x1x16xf32> to vector<16xf32>
      %swap3A_1452 = arith.constant 0 : i32
      %swap3A_1453 = arith.index_cast %swap3A_1452 : i32 to index
      %swap3A_1454 = arith.constant 48 : index
      %swap3A_1455 = tpu.vector_load %arg14[%swap3A_1453, %swap3A_1454] {strides = array<i32>} : memref<2x128xf32, #tpu.memory_space<vmem>>, vector<1x16xf32>,
      %swap3A_1456 = vector.shape_cast %swap3A_1455 : vector<1x16xf32> to vector<16xf32>
      %swap3A_1457 = vector.shape_cast %get3A_1451 : vector<16xf32> to vector<1x16xf32>
      tpu.vector_store %arg14[%swap3A_1453, %swap3A_1454], %swap3A_1457 {strides = array<i32>} : memref<2x128xf32, #tpu.memory_space<vmem>>, vector<1x16xf32>,
      %get3A_1458 = arith.constant 48 : i32
      %get3A_1459 = arith.index_cast %rem3A_189 : i32 to index
      %get3A_1460 = arith.index_cast %get3A_1458 : i32 to index
      %get3A_1461 = arith.constant 832 : index
      %get3A_1462 = tpu.vector_load %arg6[%get3A_1459, %get3A_1460, %get3A_1461] {strides = array<i32>} : memref<2x50x1024xf32, #tpu.memory_space<vmem>>, vector<1x1x16xf32>,
      %get3A_1463 = vector.shape_cast %get3A_1462 : vector<1x1x16xf32> to vector<16xf32>
      %swap3A_1464 = arith.constant 0 : i32
      %swap3A_1465 = arith.index_cast %swap3A_1464 : i32 to index
      %swap3A_1466 = arith.constant 64 : index
      %swap3A_1467 = tpu.vector_load %arg14[%swap3A_1465, %swap3A_1466] {strides = array<i32>} : memref<2x128xf32, #tpu.memory_space<vmem>>, vector<1x16xf32>,
      %swap3A_1468 = vector.shape_cast %swap3A_1467 : vector<1x16xf32> to vector<16xf32>
      %swap3A_1469 = vector.shape_cast %get3A_1463 : vector<16xf32> to vector<1x16xf32>
      tpu.vector_store %arg14[%swap3A_1465, %swap3A_1466], %swap3A_1469 {strides = array<i32>} : memref<2x128xf32, #tpu.memory_space<vmem>>, vector<1x16xf32>,
      %get3A_1470 = arith.constant 48 : i32
      %get3A_1471 = arith.index_cast %rem3A_189 : i32 to index
      %get3A_1472 = arith.index_cast %get3A_1470 : i32 to index
      %get3A_1473 = arith.constant 848 : index
      %get3A_1474 = tpu.vector_load %arg6[%get3A_1471, %get3A_1472, %get3A_1473] {strides = array<i32>} : memref<2x50x1024xf32, #tpu.memory_space<vmem>>, vector<1x1x16xf32>,
      %get3A_1475 = vector.shape_cast %get3A_1474 : vector<1x1x16xf32> to vector<16xf32>
      %swap3A_1476 = arith.constant 0 : i32
      %swap3A_1477 = arith.index_cast %swap3A_1476 : i32 to index
      %swap3A_1478 = arith.constant 80 : index
      %swap3A_1479 = tpu.vector_load %arg14[%swap3A_1477, %swap3A_1478] {strides = array<i32>} : memref<2x128xf32, #tpu.memory_space<vmem>>, vector<1x16xf32>,
      %swap3A_1480 = vector.shape_cast %swap3A_1479 : vector<1x16xf32> to vector<16xf32>
      %swap3A_1481 = vector.shape_cast %get3A_1475 : vector<16xf32> to vector<1x16xf32>
      tpu.vector_store %arg14[%swap3A_1477, %swap3A_1478], %swap3A_1481 {strides = array<i32>} : memref<2x128xf32, #tpu.memory_space<vmem>>, vector<1x16xf32>,
      %get3A_1482 = arith.constant 48 : i32
      %get3A_1483 = arith.index_cast %rem3A_189 : i32 to index
      %get3A_1484 = arith.index_cast %get3A_1482 : i32 to index
      %get3A_1485 = arith.constant 864 : index
      %get3A_1486 = tpu.vector_load %arg6[%get3A_1483, %get3A_1484, %get3A_1485] {strides = array<i32>} : memref<2x50x1024xf32, #tpu.memory_space<vmem>>, vector<1x1x16xf32>,
      %get3A_1487 = vector.shape_cast %get3A_1486 : vector<1x1x16xf32> to vector<16xf32>
      %swap3A_1488 = arith.constant 0 : i32
      %swap3A_1489 = arith.index_cast %swap3A_1488 : i32 to index
      %swap3A_1490 = arith.constant 96 : index
      %swap3A_1491 = tpu.vector_load %arg14[%swap3A_1489, %swap3A_1490] {strides = array<i32>} : memref<2x128xf32, #tpu.memory_space<vmem>>, vector<1x16xf32>,
      %swap3A_1492 = vector.shape_cast %swap3A_1491 : vector<1x16xf32> to vector<16xf32>
      %swap3A_1493 = vector.shape_cast %get3A_1487 : vector<16xf32> to vector<1x16xf32>
      tpu.vector_store %arg14[%swap3A_1489, %swap3A_1490], %swap3A_1493 {strides = array<i32>} : memref<2x128xf32, #tpu.memory_space<vmem>>, vector<1x16xf32>,
      %get3A_1494 = arith.constant 48 : i32
      %get3A_1495 = arith.index_cast %rem3A_189 : i32 to index
      %get3A_1496 = arith.index_cast %get3A_1494 : i32 to index
      %get3A_1497 = arith.constant 880 : index
      %get3A_1498 = tpu.vector_load %arg6[%get3A_1495, %get3A_1496, %get3A_1497] {strides = array<i32>} : memref<2x50x1024xf32, #tpu.memory_space<vmem>>, vector<1x1x16xf32>,
      %get3A_1499 = vector.shape_cast %get3A_1498 : vector<1x1x16xf32> to vector<16xf32>
      %swap3A_1500 = arith.constant 0 : i32
      %swap3A_1501 = arith.index_cast %swap3A_1500 : i32 to index
      %swap3A_1502 = arith.constant 112 : index
      %swap3A_1503 = tpu.vector_load %arg14[%swap3A_1501, %swap3A_1502] {strides = array<i32>} : memref<2x128xf32, #tpu.memory_space<vmem>>, vector<1x16xf32>,
      %swap3A_1504 = vector.shape_cast %swap3A_1503 : vector<1x16xf32> to vector<16xf32>
      %swap3A_1505 = vector.shape_cast %get3A_1499 : vector<16xf32> to vector<1x16xf32>
      tpu.vector_store %arg14[%swap3A_1501, %swap3A_1502], %swap3A_1505 {strides = array<i32>} : memref<2x128xf32, #tpu.memory_space<vmem>>, vector<1x16xf32>,
      %get3A_1506 = arith.constant 49 : i32
      %get3A_1507 = arith.index_cast %rem3A_189 : i32 to index
      %get3A_1508 = arith.index_cast %get3A_1506 : i32 to index
      %get3A_1509 = arith.constant 768 : index
      %get3A_1510 = tpu.vector_load %arg6[%get3A_1507, %get3A_1508, %get3A_1509] {strides = array<i32>} : memref<2x50x1024xf32, #tpu.memory_space<vmem>>, vector<1x1x16xf32>,
      %get3A_1511 = vector.shape_cast %get3A_1510 : vector<1x1x16xf32> to vector<16xf32>
      %swap3A_1512 = arith.constant 1 : i32
      %swap3A_1513 = arith.index_cast %swap3A_1512 : i32 to index
      %swap3A_1514 = arith.constant 0 : index
      %swap3A_1515 = tpu.vector_load %arg14[%swap3A_1513, %swap3A_1514] {strides = array<i32>} : memref<2x128xf32, #tpu.memory_space<vmem>>, vector<1x16xf32>,
      %swap3A_1516 = vector.shape_cast %swap3A_1515 : vector<1x16xf32> to vector<16xf32>
      %swap3A_1517 = vector.shape_cast %get3A_1511 : vector<16xf32> to vector<1x16xf32>
      tpu.vector_store %arg14[%swap3A_1513, %swap3A_1514], %swap3A_1517 {strides = array<i32>} : memref<2x128xf32, #tpu.memory_space<vmem>>, vector<1x16xf32>,
      %get3A_1518 = arith.constant 49 : i32
      %get3A_1519 = arith.index_cast %rem3A_189 : i32 to index
      %get3A_1520 = arith.index_cast %get3A_1518 : i32 to index
      %get3A_1521 = arith.constant 784 : index
      %get3A_1522 = tpu.vector_load %arg6[%get3A_1519, %get3A_1520, %get3A_1521] {strides = array<i32>} : memref<2x50x1024xf32, #tpu.memory_space<vmem>>, vector<1x1x16xf32>,
      %get3A_1523 = vector.shape_cast %get3A_1522 : vector<1x1x16xf32> to vector<16xf32>
      %swap3A_1524 = arith.constant 1 : i32
      %swap3A_1525 = arith.index_cast %swap3A_1524 : i32 to index
      %swap3A_1526 = arith.constant 16 : index
      %swap3A_1527 = tpu.vector_load %arg14[%swap3A_1525, %swap3A_1526] {strides = array<i32>} : memref<2x128xf32, #tpu.memory_space<vmem>>, vector<1x16xf32>,
      %swap3A_1528 = vector.shape_cast %swap3A_1527 : vector<1x16xf32> to vector<16xf32>
      %swap3A_1529 = vector.shape_cast %get3A_1523 : vector<16xf32> to vector<1x16xf32>
      tpu.vector_store %arg14[%swap3A_1525, %swap3A_1526], %swap3A_1529 {strides = array<i32>} : memref<2x128xf32, #tpu.memory_space<vmem>>, vector<1x16xf32>,
      %get3A_1530 = arith.constant 49 : i32
      %get3A_1531 = arith.index_cast %rem3A_189 : i32 to index
      %get3A_1532 = arith.index_cast %get3A_1530 : i32 to index
      %get3A_1533 = arith.constant 800 : index
      %get3A_1534 = tpu.vector_load %arg6[%get3A_1531, %get3A_1532, %get3A_1533] {strides = array<i32>} : memref<2x50x1024xf32, #tpu.memory_space<vmem>>, vector<1x1x16xf32>,
      %get3A_1535 = vector.shape_cast %get3A_1534 : vector<1x1x16xf32> to vector<16xf32>
      %swap3A_1536 = arith.constant 1 : i32
      %swap3A_1537 = arith.index_cast %swap3A_1536 : i32 to index
      %swap3A_1538 = arith.constant 32 : index
      %swap3A_1539 = tpu.vector_load %arg14[%swap3A_1537, %swap3A_1538] {strides = array<i32>} : memref<2x128xf32, #tpu.memory_space<vmem>>, vector<1x16xf32>,
      %swap3A_1540 = vector.shape_cast %swap3A_1539 : vector<1x16xf32> to vector<16xf32>
      %swap3A_1541 = vector.shape_cast %get3A_1535 : vector<16xf32> to vector<1x16xf32>
      tpu.vector_store %arg14[%swap3A_1537, %swap3A_1538], %swap3A_1541 {strides = array<i32>} : memref<2x128xf32, #tpu.memory_space<vmem>>, vector<1x16xf32>,
      %get3A_1542 = arith.constant 49 : i32
      %get3A_1543 = arith.index_cast %rem3A_189 : i32 to index
      %get3A_1544 = arith.index_cast %get3A_1542 : i32 to index
      %get3A_1545 = arith.constant 816 : index
      %get3A_1546 = tpu.vector_load %arg6[%get3A_1543, %get3A_1544, %get3A_1545] {strides = array<i32>} : memref<2x50x1024xf32, #tpu.memory_space<vmem>>, vector<1x1x16xf32>,
      %get3A_1547 = vector.shape_cast %get3A_1546 : vector<1x1x16xf32> to vector<16xf32>
      %swap3A_1548 = arith.constant 1 : i32
      %swap3A_1549 = arith.index_cast %swap3A_1548 : i32 to index
      %swap3A_1550 = arith.constant 48 : index
      %swap3A_1551 = tpu.vector_load %arg14[%swap3A_1549, %swap3A_1550] {strides = array<i32>} : memref<2x128xf32, #tpu.memory_space<vmem>>, vector<1x16xf32>,
      %swap3A_1552 = vector.shape_cast %swap3A_1551 : vector<1x16xf32> to vector<16xf32>
      %swap3A_1553 = vector.shape_cast %get3A_1547 : vector<16xf32> to vector<1x16xf32>
      tpu.vector_store %arg14[%swap3A_1549, %swap3A_1550], %swap3A_1553 {strides = array<i32>} : memref<2x128xf32, #tpu.memory_space<vmem>>, vector<1x16xf32>,
      %get3A_1554 = arith.constant 49 : i32
      %get3A_1555 = arith.index_cast %rem3A_189 : i32 to index
      %get3A_1556 = arith.index_cast %get3A_1554 : i32 to index
      %get3A_1557 = arith.constant 832 : index
      %get3A_1558 = tpu.vector_load %arg6[%get3A_1555, %get3A_1556, %get3A_1557] {strides = array<i32>} : memref<2x50x1024xf32, #tpu.memory_space<vmem>>, vector<1x1x16xf32>,
      %get3A_1559 = vector.shape_cast %get3A_1558 : vector<1x1x16xf32> to vector<16xf32>
      %swap3A_1560 = arith.constant 1 : i32
      %swap3A_1561 = arith.index_cast %swap3A_1560 : i32 to index
      %swap3A_1562 = arith.constant 64 : index
      %swap3A_1563 = tpu.vector_load %arg14[%swap3A_1561, %swap3A_1562] {strides = array<i32>} : memref<2x128xf32, #tpu.memory_space<vmem>>, vector<1x16xf32>,
      %swap3A_1564 = vector.shape_cast %swap3A_1563 : vector<1x16xf32> to vector<16xf32>
      %swap3A_1565 = vector.shape_cast %get3A_1559 : vector<16xf32> to vector<1x16xf32>
      tpu.vector_store %arg14[%swap3A_1561, %swap3A_1562], %swap3A_1565 {strides = array<i32>} : memref<2x128xf32, #tpu.memory_space<vmem>>, vector<1x16xf32>,
      %get3A_1566 = arith.constant 49 : i32
      %get3A_1567 = arith.index_cast %rem3A_189 : i32 to index
      %get3A_1568 = arith.index_cast %get3A_1566 : i32 to index
      %get3A_1569 = arith.constant 848 : index
      %get3A_1570 = tpu.vector_load %arg6[%get3A_1567, %get3A_1568, %get3A_1569] {strides = array<i32>} : memref<2x50x1024xf32, #tpu.memory_space<vmem>>, vector<1x1x16xf32>,
      %get3A_1571 = vector.shape_cast %get3A_1570 : vector<1x1x16xf32> to vector<16xf32>
      %swap3A_1572 = arith.constant 1 : i32
      %swap3A_1573 = arith.index_cast %swap3A_1572 : i32 to index
      %swap3A_1574 = arith.constant 80 : index
      %swap3A_1575 = tpu.vector_load %arg14[%swap3A_1573, %swap3A_1574] {strides = array<i32>} : memref<2x128xf32, #tpu.memory_space<vmem>>, vector<1x16xf32>,
      %swap3A_1576 = vector.shape_cast %swap3A_1575 : vector<1x16xf32> to vector<16xf32>
      %swap3A_1577 = vector.shape_cast %get3A_1571 : vector<16xf32> to vector<1x16xf32>
      tpu.vector_store %arg14[%swap3A_1573, %swap3A_1574], %swap3A_1577 {strides = array<i32>} : memref<2x128xf32, #tpu.memory_space<vmem>>, vector<1x16xf32>,
      %get3A_1578 = arith.constant 49 : i32
      %get3A_1579 = arith.index_cast %rem3A_189 : i32 to index
      %get3A_1580 = arith.index_cast %get3A_1578 : i32 to index
      %get3A_1581 = arith.constant 864 : index
      %get3A_1582 = tpu.vector_load %arg6[%get3A_1579, %get3A_1580, %get3A_1581] {strides = array<i32>} : memref<2x50x1024xf32, #tpu.memory_space<vmem>>, vector<1x1x16xf32>,
      %get3A_1583 = vector.shape_cast %get3A_1582 : vector<1x1x16xf32> to vector<16xf32>
      %swap3A_1584 = arith.constant 1 : i32
      %swap3A_1585 = arith.index_cast %swap3A_1584 : i32 to index
      %swap3A_1586 = arith.constant 96 : index
      %swap3A_1587 = tpu.vector_load %arg14[%swap3A_1585, %swap3A_1586] {strides = array<i32>} : memref<2x128xf32, #tpu.memory_space<vmem>>, vector<1x16xf32>,
      %swap3A_1588 = vector.shape_cast %swap3A_1587 : vector<1x16xf32> to vector<16xf32>
      %swap3A_1589 = vector.shape_cast %get3A_1583 : vector<16xf32> to vector<1x16xf32>
      tpu.vector_store %arg14[%swap3A_1585, %swap3A_1586], %swap3A_1589 {strides = array<i32>} : memref<2x128xf32, #tpu.memory_space<vmem>>, vector<1x16xf32>,
      %get3A_1590 = arith.constant 49 : i32
      %get3A_1591 = arith.index_cast %rem3A_189 : i32 to index
      %get3A_1592 = arith.index_cast %get3A_1590 : i32 to index
      %get3A_1593 = arith.constant 880 : index
      %get3A_1594 = tpu.vector_load %arg6[%get3A_1591, %get3A_1592, %get3A_1593] {strides = array<i32>} : memref<2x50x1024xf32, #tpu.memory_space<vmem>>, vector<1x1x16xf32>,
      %get3A_1595 = vector.shape_cast %get3A_1594 : vector<1x1x16xf32> to vector<16xf32>
      %swap3A_1596 = arith.constant 1 : i32
      %swap3A_1597 = arith.index_cast %swap3A_1596 : i32 to index
      %swap3A_1598 = arith.constant 112 : index
      %swap3A_1599 = tpu.vector_load %arg14[%swap3A_1597, %swap3A_1598] {strides = array<i32>} : memref<2x128xf32, #tpu.memory_space<vmem>>, vector<1x16xf32>,
      %swap3A_1600 = vector.shape_cast %swap3A_1599 : vector<1x16xf32> to vector<16xf32>
      %swap3A_1601 = vector.shape_cast %get3A_1595 : vector<16xf32> to vector<1x16xf32>
      tpu.vector_store %arg14[%swap3A_1597, %swap3A_1598], %swap3A_1601 {strides = array<i32>} : memref<2x128xf32, #tpu.memory_space<vmem>>, vector<1x16xf32>,
      %get3A_1602 = arith.constant 48 : i32
      %get3A_1603 = arith.index_cast %rem3A_189 : i32 to index
      %get3A_1604 = arith.index_cast %get3A_1602 : i32 to index
      %get3A_1605 = arith.constant 896 : index
      %get3A_1606 = tpu.vector_load %arg6[%get3A_1603, %get3A_1604, %get3A_1605] {strides = array<i32>} : memref<2x50x1024xf32, #tpu.memory_space<vmem>>, vector<1x1x16xf32>,
      %get3A_1607 = vector.shape_cast %get3A_1606 : vector<1x1x16xf32> to vector<16xf32>
      %swap3A_1608 = arith.constant 0 : i32
      %swap3A_1609 = arith.index_cast %swap3A_1608 : i32 to index
      %swap3A_1610 = arith.constant 0 : index
      %swap3A_1611 = tpu.vector_load %arg15[%swap3A_1609, %swap3A_1610] {strides = array<i32>} : memref<2x104xf32, #tpu.memory_space<vmem>>, vector<1x16xf32>,
      %swap3A_1612 = vector.shape_cast %swap3A_1611 : vector<1x16xf32> to vector<16xf32>
      %swap3A_1613 = vector.shape_cast %get3A_1607 : vector<16xf32> to vector<1x16xf32>
      tpu.vector_store %arg15[%swap3A_1609, %swap3A_1610], %swap3A_1613 {strides = array<i32>} : memref<2x104xf32, #tpu.memory_space<vmem>>, vector<1x16xf32>,
      %get3A_1614 = arith.constant 48 : i32
      %get3A_1615 = arith.index_cast %rem3A_189 : i32 to index
      %get3A_1616 = arith.index_cast %get3A_1614 : i32 to index
      %get3A_1617 = arith.constant 912 : index
      %get3A_1618 = tpu.vector_load %arg6[%get3A_1615, %get3A_1616, %get3A_1617] {strides = array<i32>} : memref<2x50x1024xf32, #tpu.memory_space<vmem>>, vector<1x1x16xf32>,
      %get3A_1619 = vector.shape_cast %get3A_1618 : vector<1x1x16xf32> to vector<16xf32>
      %swap3A_1620 = arith.constant 0 : i32
      %swap3A_1621 = arith.index_cast %swap3A_1620 : i32 to index
      %swap3A_1622 = arith.constant 16 : index
      %swap3A_1623 = tpu.vector_load %arg15[%swap3A_1621, %swap3A_1622] {strides = array<i32>} : memref<2x104xf32, #tpu.memory_space<vmem>>, vector<1x16xf32>,
      %swap3A_1624 = vector.shape_cast %swap3A_1623 : vector<1x16xf32> to vector<16xf32>
      %swap3A_1625 = vector.shape_cast %get3A_1619 : vector<16xf32> to vector<1x16xf32>
      tpu.vector_store %arg15[%swap3A_1621, %swap3A_1622], %swap3A_1625 {strides = array<i32>} : memref<2x104xf32, #tpu.memory_space<vmem>>, vector<1x16xf32>,
      %get3A_1626 = arith.constant 48 : i32
      %get3A_1627 = arith.index_cast %rem3A_189 : i32 to index
      %get3A_1628 = arith.index_cast %get3A_1626 : i32 to index
      %get3A_1629 = arith.constant 928 : index
      %get3A_1630 = tpu.vector_load %arg6[%get3A_1627, %get3A_1628, %get3A_1629] {strides = array<i32>} : memref<2x50x1024xf32, #tpu.memory_space<vmem>>, vector<1x1x16xf32>,
      %get3A_1631 = vector.shape_cast %get3A_1630 : vector<1x1x16xf32> to vector<16xf32>
      %swap3A_1632 = arith.constant 0 : i32
      %swap3A_1633 = arith.index_cast %swap3A_1632 : i32 to index
      %swap3A_1634 = arith.constant 32 : index
      %swap3A_1635 = tpu.vector_load %arg15[%swap3A_1633, %swap3A_1634] {strides = array<i32>} : memref<2x104xf32, #tpu.memory_space<vmem>>, vector<1x16xf32>,
      %swap3A_1636 = vector.shape_cast %swap3A_1635 : vector<1x16xf32> to vector<16xf32>
      %swap3A_1637 = vector.shape_cast %get3A_1631 : vector<16xf32> to vector<1x16xf32>
      tpu.vector_store %arg15[%swap3A_1633, %swap3A_1634], %swap3A_1637 {strides = array<i32>} : memref<2x104xf32, #tpu.memory_space<vmem>>, vector<1x16xf32>,
      %get3A_1638 = arith.constant 48 : i32
      %get3A_1639 = arith.index_cast %rem3A_189 : i32 to index
      %get3A_1640 = arith.index_cast %get3A_1638 : i32 to index
      %get3A_1641 = arith.constant 944 : index
      %get3A_1642 = tpu.vector_load %arg6[%get3A_1639, %get3A_1640, %get3A_1641] {strides = array<i32>} : memref<2x50x1024xf32, #tpu.memory_space<vmem>>, vector<1x1x16xf32>,
      %get3A_1643 = vector.shape_cast %get3A_1642 : vector<1x1x16xf32> to vector<16xf32>
      %swap3A_1644 = arith.constant 0 : i32
      %swap3A_1645 = arith.index_cast %swap3A_1644 : i32 to index
      %swap3A_1646 = arith.constant 48 : index
      %swap3A_1647 = tpu.vector_load %arg15[%swap3A_1645, %swap3A_1646] {strides = array<i32>} : memref<2x104xf32, #tpu.memory_space<vmem>>, vector<1x16xf32>,
      %swap3A_1648 = vector.shape_cast %swap3A_1647 : vector<1x16xf32> to vector<16xf32>
      %swap3A_1649 = vector.shape_cast %get3A_1643 : vector<16xf32> to vector<1x16xf32>
      tpu.vector_store %arg15[%swap3A_1645, %swap3A_1646], %swap3A_1649 {strides = array<i32>} : memref<2x104xf32, #tpu.memory_space<vmem>>, vector<1x16xf32>,
      %get3A_1650 = arith.constant 48 : i32
      %get3A_1651 = arith.index_cast %rem3A_189 : i32 to index
      %get3A_1652 = arith.index_cast %get3A_1650 : i32 to index
      %get3A_1653 = arith.constant 960 : index
      %get3A_1654 = tpu.vector_load %arg6[%get3A_1651, %get3A_1652, %get3A_1653] {strides = array<i32>} : memref<2x50x1024xf32, #tpu.memory_space<vmem>>, vector<1x1x16xf32>,
      %get3A_1655 = vector.shape_cast %get3A_1654 : vector<1x1x16xf32> to vector<16xf32>
      %swap3A_1656 = arith.constant 0 : i32
      %swap3A_1657 = arith.index_cast %swap3A_1656 : i32 to index
      %swap3A_1658 = arith.constant 64 : index
      %swap3A_1659 = tpu.vector_load %arg15[%swap3A_1657, %swap3A_1658] {strides = array<i32>} : memref<2x104xf32, #tpu.memory_space<vmem>>, vector<1x16xf32>,
      %swap3A_1660 = vector.shape_cast %swap3A_1659 : vector<1x16xf32> to vector<16xf32>
      %swap3A_1661 = vector.shape_cast %get3A_1655 : vector<16xf32> to vector<1x16xf32>
      tpu.vector_store %arg15[%swap3A_1657, %swap3A_1658], %swap3A_1661 {strides = array<i32>} : memref<2x104xf32, #tpu.memory_space<vmem>>, vector<1x16xf32>,
      %get3A_1662 = arith.constant 48 : i32
      %get3A_1663 = arith.index_cast %rem3A_189 : i32 to index
      %get3A_1664 = arith.index_cast %get3A_1662 : i32 to index
      %get3A_1665 = arith.constant 976 : index
      %get3A_1666 = tpu.vector_load %arg6[%get3A_1663, %get3A_1664, %get3A_1665] {strides = array<i32>} : memref<2x50x1024xf32, #tpu.memory_space<vmem>>, vector<1x1x16xf32>,
      %get3A_1667 = vector.shape_cast %get3A_1666 : vector<1x1x16xf32> to vector<16xf32>
      %swap3A_1668 = arith.constant 0 : i32
      %swap3A_1669 = arith.index_cast %swap3A_1668 : i32 to index
      %swap3A_1670 = arith.constant 80 : index
      %swap3A_1671 = tpu.vector_load %arg15[%swap3A_1669, %swap3A_1670] {strides = array<i32>} : memref<2x104xf32, #tpu.memory_space<vmem>>, vector<1x16xf32>,
      %swap3A_1672 = vector.shape_cast %swap3A_1671 : vector<1x16xf32> to vector<16xf32>
      %swap3A_1673 = vector.shape_cast %get3A_1667 : vector<16xf32> to vector<1x16xf32>
      tpu.vector_store %arg15[%swap3A_1669, %swap3A_1670], %swap3A_1673 {strides = array<i32>} : memref<2x104xf32, #tpu.memory_space<vmem>>, vector<1x16xf32>,
      %get3A_1674 = arith.constant 48 : i32
      %get3A_1675 = arith.index_cast %rem3A_189 : i32 to index
      %get3A_1676 = arith.index_cast %get3A_1674 : i32 to index
      %get3A_1677 = arith.constant 984 : index
      %get3A_1678 = tpu.vector_load %arg6[%get3A_1675, %get3A_1676, %get3A_1677] {strides = array<i32>} : memref<2x50x1024xf32, #tpu.memory_space<vmem>>, vector<1x1x16xf32>,
      %get3A_1679 = vector.shape_cast %get3A_1678 : vector<1x1x16xf32> to vector<16xf32>
      %swap3A_1680 = arith.constant 0 : i32
      %swap3A_1681 = arith.index_cast %swap3A_1680 : i32 to index
      %swap3A_1682 = arith.constant 88 : index
      %swap3A_1683 = tpu.vector_load %arg15[%swap3A_1681, %swap3A_1682] {strides = array<i32>} : memref<2x104xf32, #tpu.memory_space<vmem>>, vector<1x16xf32>,
      %swap3A_1684 = vector.shape_cast %swap3A_1683 : vector<1x16xf32> to vector<16xf32>
      %swap3A_1685 = vector.shape_cast %get3A_1679 : vector<16xf32> to vector<1x16xf32>
      tpu.vector_store %arg15[%swap3A_1681, %swap3A_1682], %swap3A_1685 {strides = array<i32>} : memref<2x104xf32, #tpu.memory_space<vmem>>, vector<1x16xf32>,
      %get3A_1686 = arith.constant 49 : i32
      %get3A_1687 = arith.index_cast %rem3A_189 : i32 to index
      %get3A_1688 = arith.index_cast %get3A_1686 : i32 to index
      %get3A_1689 = arith.constant 896 : index
      %get3A_1690 = tpu.vector_load %arg6[%get3A_1687, %get3A_1688, %get3A_1689] {strides = array<i32>} : memref<2x50x1024xf32, #tpu.memory_space<vmem>>, vector<1x1x16xf32>,
      %get3A_1691 = vector.shape_cast %get3A_1690 : vector<1x1x16xf32> to vector<16xf32>
      %swap3A_1692 = arith.constant 1 : i32
      %swap3A_1693 = arith.index_cast %swap3A_1692 : i32 to index
      %swap3A_1694 = arith.constant 0 : index
      %swap3A_1695 = tpu.vector_load %arg15[%swap3A_1693, %swap3A_1694] {strides = array<i32>} : memref<2x104xf32, #tpu.memory_space<vmem>>, vector<1x16xf32>,
      %swap3A_1696 = vector.shape_cast %swap3A_1695 : vector<1x16xf32> to vector<16xf32>
      %swap3A_1697 = vector.shape_cast %get3A_1691 : vector<16xf32> to vector<1x16xf32>
      tpu.vector_store %arg15[%swap3A_1693, %swap3A_1694], %swap3A_1697 {strides = array<i32>} : memref<2x104xf32, #tpu.memory_space<vmem>>, vector<1x16xf32>,
      %get3A_1698 = arith.constant 49 : i32
      %get3A_1699 = arith.index_cast %rem3A_189 : i32 to index
      %get3A_1700 = arith.index_cast %get3A_1698 : i32 to index
      %get3A_1701 = arith.constant 912 : index
      %get3A_1702 = tpu.vector_load %arg6[%get3A_1699, %get3A_1700, %get3A_1701] {strides = array<i32>} : memref<2x50x1024xf32, #tpu.memory_space<vmem>>, vector<1x1x16xf32>,
      %get3A_1703 = vector.shape_cast %get3A_1702 : vector<1x1x16xf32> to vector<16xf32>
      %swap3A_1704 = arith.constant 1 : i32
      %swap3A_1705 = arith.index_cast %swap3A_1704 : i32 to index
      %swap3A_1706 = arith.constant 16 : index
      %swap3A_1707 = tpu.vector_load %arg15[%swap3A_1705, %swap3A_1706] {strides = array<i32>} : memref<2x104xf32, #tpu.memory_space<vmem>>, vector<1x16xf32>,
      %swap3A_1708 = vector.shape_cast %swap3A_1707 : vector<1x16xf32> to vector<16xf32>
      %swap3A_1709 = vector.shape_cast %get3A_1703 : vector<16xf32> to vector<1x16xf32>
      tpu.vector_store %arg15[%swap3A_1705, %swap3A_1706], %swap3A_1709 {strides = array<i32>} : memref<2x104xf32, #tpu.memory_space<vmem>>, vector<1x16xf32>,
      %get3A_1710 = arith.constant 49 : i32
      %get3A_1711 = arith.index_cast %rem3A_189 : i32 to index
      %get3A_1712 = arith.index_cast %get3A_1710 : i32 to index
      %get3A_1713 = arith.constant 928 : index
      %get3A_1714 = tpu.vector_load %arg6[%get3A_1711, %get3A_1712, %get3A_1713] {strides = array<i32>} : memref<2x50x1024xf32, #tpu.memory_space<vmem>>, vector<1x1x16xf32>,
      %get3A_1715 = vector.shape_cast %get3A_1714 : vector<1x1x16xf32> to vector<16xf32>
      %swap3A_1716 = arith.constant 1 : i32
      %swap3A_1717 = arith.index_cast %swap3A_1716 : i32 to index
      %swap3A_1718 = arith.constant 32 : index
      %swap3A_1719 = tpu.vector_load %arg15[%swap3A_1717, %swap3A_1718] {strides = array<i32>} : memref<2x104xf32, #tpu.memory_space<vmem>>, vector<1x16xf32>,
      %swap3A_1720 = vector.shape_cast %swap3A_1719 : vector<1x16xf32> to vector<16xf32>
      %swap3A_1721 = vector.shape_cast %get3A_1715 : vector<16xf32> to vector<1x16xf32>
      tpu.vector_store %arg15[%swap3A_1717, %swap3A_1718], %swap3A_1721 {strides = array<i32>} : memref<2x104xf32, #tpu.memory_space<vmem>>, vector<1x16xf32>,
      %get3A_1722 = arith.constant 49 : i32
      %get3A_1723 = arith.index_cast %rem3A_189 : i32 to index
      %get3A_1724 = arith.index_cast %get3A_1722 : i32 to index
      %get3A_1725 = arith.constant 944 : index
      %get3A_1726 = tpu.vector_load %arg6[%get3A_1723, %get3A_1724, %get3A_1725] {strides = array<i32>} : memref<2x50x1024xf32, #tpu.memory_space<vmem>>, vector<1x1x16xf32>,
      %get3A_1727 = vector.shape_cast %get3A_1726 : vector<1x1x16xf32> to vector<16xf32>
      %swap3A_1728 = arith.constant 1 : i32
      %swap3A_1729 = arith.index_cast %swap3A_1728 : i32 to index
      %swap3A_1730 = arith.constant 48 : index
      %swap3A_1731 = tpu.vector_load %arg15[%swap3A_1729, %swap3A_1730] {strides = array<i32>} : memref<2x104xf32, #tpu.memory_space<vmem>>, vector<1x16xf32>,
      %swap3A_1732 = vector.shape_cast %swap3A_1731 : vector<1x16xf32> to vector<16xf32>
      %swap3A_1733 = vector.shape_cast %get3A_1727 : vector<16xf32> to vector<1x16xf32>
      tpu.vector_store %arg15[%swap3A_1729, %swap3A_1730], %swap3A_1733 {strides = array<i32>} : memref<2x104xf32, #tpu.memory_space<vmem>>, vector<1x16xf32>,
      %get3A_1734 = arith.constant 49 : i32
      %get3A_1735 = arith.index_cast %rem3A_189 : i32 to index
      %get3A_1736 = arith.index_cast %get3A_1734 : i32 to index
      %get3A_1737 = arith.constant 960 : index
      %get3A_1738 = tpu.vector_load %arg6[%get3A_1735, %get3A_1736, %get3A_1737] {strides = array<i32>} : memref<2x50x1024xf32, #tpu.memory_space<vmem>>, vector<1x1x16xf32>,
      %get3A_1739 = vector.shape_cast %get3A_1738 : vector<1x1x16xf32> to vector<16xf32>
      %swap3A_1740 = arith.constant 1 : i32
      %swap3A_1741 = arith.index_cast %swap3A_1740 : i32 to index
      %swap3A_1742 = arith.constant 64 : index
      %swap3A_1743 = tpu.vector_load %arg15[%swap3A_1741, %swap3A_1742] {strides = array<i32>} : memref<2x104xf32, #tpu.memory_space<vmem>>, vector<1x16xf32>,
      %swap3A_1744 = vector.shape_cast %swap3A_1743 : vector<1x16xf32> to vector<16xf32>
      %swap3A_1745 = vector.shape_cast %get3A_1739 : vector<16xf32> to vector<1x16xf32>
      tpu.vector_store %arg15[%swap3A_1741, %swap3A_1742], %swap3A_1745 {strides = array<i32>} : memref<2x104xf32, #tpu.memory_space<vmem>>, vector<1x16xf32>,
      %get3A_1746 = arith.constant 49 : i32
      %get3A_1747 = arith.index_cast %rem3A_189 : i32 to index
      %get3A_1748 = arith.index_cast %get3A_1746 : i32 to index
      %get3A_1749 = arith.constant 976 : index
      %get3A_1750 = tpu.vector_load %arg6[%get3A_1747, %get3A_1748, %get3A_1749] {strides = array<i32>} : memref<2x50x1024xf32, #tpu.memory_space<vmem>>, vector<1x1x16xf32>,
      %get3A_1751 = vector.shape_cast %get3A_1750 : vector<1x1x16xf32> to vector<16xf32>
      %swap3A_1752 = arith.constant 1 : i32
      %swap3A_1753 = arith.index_cast %swap3A_1752 : i32 to index
      %swap3A_1754 = arith.constant 80 : index
      %swap3A_1755 = tpu.vector_load %arg15[%swap3A_1753, %swap3A_1754] {strides = array<i32>} : memref<2x104xf32, #tpu.memory_space<vmem>>, vector<1x16xf32>,
      %swap3A_1756 = vector.shape_cast %swap3A_1755 : vector<1x16xf32> to vector<16xf32>
      %swap3A_1757 = vector.shape_cast %get3A_1751 : vector<16xf32> to vector<1x16xf32>
      tpu.vector_store %arg15[%swap3A_1753, %swap3A_1754], %swap3A_1757 {strides = array<i32>} : memref<2x104xf32, #tpu.memory_space<vmem>>, vector<1x16xf32>,
      %get3A_1758 = arith.constant 49 : i32
      %get3A_1759 = arith.index_cast %rem3A_189 : i32 to index
      %get3A_1760 = arith.index_cast %get3A_1758 : i32 to index
      %get3A_1761 = arith.constant 984 : index
      %get3A_1762 = tpu.vector_load %arg6[%get3A_1759, %get3A_1760, %get3A_1761] {strides = array<i32>} : memref<2x50x1024xf32, #tpu.memory_space<vmem>>, vector<1x1x16xf32>,
      %get3A_1763 = vector.shape_cast %get3A_1762 : vector<1x1x16xf32> to vector<16xf32>
      %swap3A_1764 = arith.constant 1 : i32
      %swap3A_1765 = arith.index_cast %swap3A_1764 : i32 to index
      %swap3A_1766 = arith.constant 88 : index
      %swap3A_1767 = tpu.vector_load %arg15[%swap3A_1765, %swap3A_1766] {strides = array<i32>} : memref<2x104xf32, #tpu.memory_space<vmem>>, vector<1x16xf32>,
      %swap3A_1768 = vector.shape_cast %swap3A_1767 : vector<1x16xf32> to vector<16xf32>
      %swap3A_1769 = vector.shape_cast %get3A_1763 : vector<16xf32> to vector<1x16xf32>
      tpu.vector_store %arg15[%swap3A_1765, %swap3A_1766], %swap3A_1769 {strides = array<i32>} : memref<2x104xf32, #tpu.memory_space<vmem>>, vector<1x16xf32>,
      %dma_start3A_1770 = arith.constant 0 : i32
      %dma_start3A_1771 = arith.constant 0 : i32
      %dma_start3A_1772 = tpu.memref_slice %arg4[%add3A_217, %dma_start3A_1770, %dma_start3A_1771] : memref<1024x50x1000xf32, #tpu.memory_space<hbm>> -> memref<1x50x1000xf32, #tpu.memory_space<hbm>>
      %dma_start3A_1773 = tpu.memref_squeeze %dma_start3A_1772 : memref<1x50x1000xf32, #tpu.memory_space<hbm>> -> memref<50x1000xf32, #tpu.memory_space<hbm>>
      %dma_start3A_1774 = arith.constant 48 : i32
      %dma_start3A_1775 = arith.constant 0 : i32
      %dma_start3A_1776 = tpu.memref_slice %dma_start3A_1773[%dma_start3A_1774, %dma_start3A_1775] : memref<50x1000xf32, #tpu.memory_space<hbm>> -> memref<2x128xf32, #tpu.memory_space<hbm>>
      %dma_start3A_1777 = arith.constant 0 : i32
      %dma_start3A_1778 = arith.constant 0 : i32
      %dma_start3A_1779 = tpu.memref_slice %arg4[%add3A_217, %dma_start3A_1777, %dma_start3A_1778] : memref<1024x50x1000xf32, #tpu.memory_space<hbm>> -> memref<1x50x1000xf32, #tpu.memory_space<hbm>>
      %dma_start3A_1780 = tpu.memref_squeeze %dma_start3A_1779 : memref<1x50x1000xf32, #tpu.memory_space<hbm>> -> memref<50x1000xf32, #tpu.memory_space<hbm>>
      %dma_start3A_1781 = arith.constant 48 : i32
      %dma_start3A_1782 = arith.constant 0 : i32
      %dma_start3A_1783 = tpu.memref_slice %dma_start3A_1780[%dma_start3A_1781, %dma_start3A_1782] : memref<50x1000xf32, #tpu.memory_space<hbm>> -> memref<2x128xf32, #tpu.memory_space<hbm>>
      tpu.enqueue_dma source(%arg8 : memref<2x128xf32, #tpu.memory_space<vmem>>) target(%dma_start3A_1783 : memref<2x128xf32, #tpu.memory_space<hbm>>) target_semaphore(%arg17 : memref<!tpu.dma_semaphore, #tpu.memory_space<semaphore_mem>>)
      %dma_start3A_1784 = arith.constant 0 : i32
      %dma_start3A_1785 = arith.constant 0 : i32
      %dma_start3A_1786 = tpu.memref_slice %arg4[%add3A_217, %dma_start3A_1784, %dma_start3A_1785] : memref<1024x50x1000xf32, #tpu.memory_space<hbm>> -> memref<1x50x1000xf32, #tpu.memory_space<hbm>>
      %dma_start3A_1787 = tpu.memref_squeeze %dma_start3A_1786 : memref<1x50x1000xf32, #tpu.memory_space<hbm>> -> memref<50x1000xf32, #tpu.memory_space<hbm>>
      %dma_start3A_1788 = arith.constant 48 : i32
      %dma_start3A_1789 = arith.constant 128 : i32
      %dma_start3A_1790 = tpu.memref_slice %dma_start3A_1787[%dma_start3A_1788, %dma_start3A_1789] : memref<50x1000xf32, #tpu.memory_space<hbm>> -> memref<2x128xf32, #tpu.memory_space<hbm>>
      %dma_start3A_1791 = arith.constant 0 : i32
      %dma_start3A_1792 = arith.constant 0 : i32
      %dma_start3A_1793 = tpu.memref_slice %arg4[%add3A_217, %dma_start3A_1791, %dma_start3A_1792] : memref<1024x50x1000xf32, #tpu.memory_space<hbm>> -> memref<1x50x1000xf32, #tpu.memory_space<hbm>>
      %dma_start3A_1794 = tpu.memref_squeeze %dma_start3A_1793 : memref<1x50x1000xf32, #tpu.memory_space<hbm>> -> memref<50x1000xf32, #tpu.memory_space<hbm>>
      %dma_start3A_1795 = arith.constant 48 : i32
      %dma_start3A_1796 = arith.constant 128 : i32
      %dma_start3A_1797 = tpu.memref_slice %dma_start3A_1794[%dma_start3A_1795, %dma_start3A_1796] : memref<50x1000xf32, #tpu.memory_space<hbm>> -> memref<2x128xf32, #tpu.memory_space<hbm>>
      tpu.enqueue_dma source(%arg9 : memref<2x128xf32, #tpu.memory_space<vmem>>) target(%dma_start3A_1797 : memref<2x128xf32, #tpu.memory_space<hbm>>) target_semaphore(%arg17 : memref<!tpu.dma_semaphore, #tpu.memory_space<semaphore_mem>>)
      %dma_start3A_1798 = arith.constant 0 : i32
      %dma_start3A_1799 = arith.constant 0 : i32
      %dma_start3A_1800 = tpu.memref_slice %arg4[%add3A_217, %dma_start3A_1798, %dma_start3A_1799] : memref<1024x50x1000xf32, #tpu.memory_space<hbm>> -> memref<1x50x1000xf32, #tpu.memory_space<hbm>>
      %dma_start3A_1801 = tpu.memref_squeeze %dma_start3A_1800 : memref<1x50x1000xf32, #tpu.memory_space<hbm>> -> memref<50x1000xf32, #tpu.memory_space<hbm>>
      %dma_start3A_1802 = arith.constant 48 : i32
      %dma_start3A_1803 = arith.constant 256 : i32
      %dma_start3A_1804 = tpu.memref_slice %dma_start3A_1801[%dma_start3A_1802, %dma_start3A_1803] : memref<50x1000xf32, #tpu.memory_space<hbm>> -> memref<2x128xf32, #tpu.memory_space<hbm>>
      %dma_start3A_1805 = arith.constant 0 : i32
      %dma_start3A_1806 = arith.constant 0 : i32
      %dma_start3A_1807 = tpu.memref_slice %arg4[%add3A_217, %dma_start3A_1805, %dma_start3A_1806] : memref<1024x50x1000xf32, #tpu.memory_space<hbm>> -> memref<1x50x1000xf32, #tpu.memory_space<hbm>>
      %dma_start3A_1808 = tpu.memref_squeeze %dma_start3A_1807 : memref<1x50x1000xf32, #tpu.memory_space<hbm>> -> memref<50x1000xf32, #tpu.memory_space<hbm>>
      %dma_start3A_1809 = arith.constant 48 : i32
      %dma_start3A_1810 = arith.constant 256 : i32
      %dma_start3A_1811 = tpu.memref_slice %dma_start3A_1808[%dma_start3A_1809, %dma_start3A_1810] : memref<50x1000xf32, #tpu.memory_space<hbm>> -> memref<2x128xf32, #tpu.memory_space<hbm>>
      tpu.enqueue_dma source(%arg10 : memref<2x128xf32, #tpu.memory_space<vmem>>) target(%dma_start3A_1811 : memref<2x128xf32, #tpu.memory_space<hbm>>) target_semaphore(%arg17 : memref<!tpu.dma_semaphore, #tpu.memory_space<semaphore_mem>>)
      %dma_start3A_1812 = arith.constant 0 : i32
      %dma_start3A_1813 = arith.constant 0 : i32
      %dma_start3A_1814 = tpu.memref_slice %arg4[%add3A_217, %dma_start3A_1812, %dma_start3A_1813] : memref<1024x50x1000xf32, #tpu.memory_space<hbm>> -> memref<1x50x1000xf32, #tpu.memory_space<hbm>>
      %dma_start3A_1815 = tpu.memref_squeeze %dma_start3A_1814 : memref<1x50x1000xf32, #tpu.memory_space<hbm>> -> memref<50x1000xf32, #tpu.memory_space<hbm>>
      %dma_start3A_1816 = arith.constant 48 : i32
      %dma_start3A_1817 = arith.constant 384 : i32
      %dma_start3A_1818 = tpu.memref_slice %dma_start3A_1815[%dma_start3A_1816, %dma_start3A_1817] : memref<50x1000xf32, #tpu.memory_space<hbm>> -> memref<2x128xf32, #tpu.memory_space<hbm>>
      %dma_start3A_1819 = arith.constant 0 : i32
      %dma_start3A_1820 = arith.constant 0 : i32
      %dma_start3A_1821 = tpu.memref_slice %arg4[%add3A_217, %dma_start3A_1819, %dma_start3A_1820] : memref<1024x50x1000xf32, #tpu.memory_space<hbm>> -> memref<1x50x1000xf32, #tpu.memory_space<hbm>>
      %dma_start3A_1822 = tpu.memref_squeeze %dma_start3A_1821 : memref<1x50x1000xf32, #tpu.memory_space<hbm>> -> memref<50x1000xf32, #tpu.memory_space<hbm>>
      %dma_start3A_1823 = arith.constant 48 : i32
      %dma_start3A_1824 = arith.constant 384 : i32
      %dma_start3A_1825 = tpu.memref_slice %dma_start3A_1822[%dma_start3A_1823, %dma_start3A_1824] : memref<50x1000xf32, #tpu.memory_space<hbm>> -> memref<2x128xf32, #tpu.memory_space<hbm>>
      tpu.enqueue_dma source(%arg11 : memref<2x128xf32, #tpu.memory_space<vmem>>) target(%dma_start3A_1825 : memref<2x128xf32, #tpu.memory_space<hbm>>) target_semaphore(%arg17 : memref<!tpu.dma_semaphore, #tpu.memory_space<semaphore_mem>>)
      %dma_start3A_1826 = arith.constant 0 : i32
      %dma_start3A_1827 = arith.constant 0 : i32
      %dma_start3A_1828 = tpu.memref_slice %arg4[%add3A_217, %dma_start3A_1826, %dma_start3A_1827] : memref<1024x50x1000xf32, #tpu.memory_space<hbm>> -> memref<1x50x1000xf32, #tpu.memory_space<hbm>>
      %dma_start3A_1829 = tpu.memref_squeeze %dma_start3A_1828 : memref<1x50x1000xf32, #tpu.memory_space<hbm>> -> memref<50x1000xf32, #tpu.memory_space<hbm>>
      %dma_start3A_1830 = arith.constant 48 : i32
      %dma_start3A_1831 = arith.constant 512 : i32
      %dma_start3A_1832 = tpu.memref_slice %dma_start3A_1829[%dma_start3A_1830, %dma_start3A_1831] : memref<50x1000xf32, #tpu.memory_space<hbm>> -> memref<2x128xf32, #tpu.memory_space<hbm>>
      %dma_start3A_1833 = arith.constant 0 : i32
      %dma_start3A_1834 = arith.constant 0 : i32
      %dma_start3A_1835 = tpu.memref_slice %arg4[%add3A_217, %dma_start3A_1833, %dma_start3A_1834] : memref<1024x50x1000xf32, #tpu.memory_space<hbm>> -> memref<1x50x1000xf32, #tpu.memory_space<hbm>>
      %dma_start3A_1836 = tpu.memref_squeeze %dma_start3A_1835 : memref<1x50x1000xf32, #tpu.memory_space<hbm>> -> memref<50x1000xf32, #tpu.memory_space<hbm>>
      %dma_start3A_1837 = arith.constant 48 : i32
      %dma_start3A_1838 = arith.constant 512 : i32
      %dma_start3A_1839 = tpu.memref_slice %dma_start3A_1836[%dma_start3A_1837, %dma_start3A_1838] : memref<50x1000xf32, #tpu.memory_space<hbm>> -> memref<2x128xf32, #tpu.memory_space<hbm>>
      tpu.enqueue_dma source(%arg12 : memref<2x128xf32, #tpu.memory_space<vmem>>) target(%dma_start3A_1839 : memref<2x128xf32, #tpu.memory_space<hbm>>) target_semaphore(%arg17 : memref<!tpu.dma_semaphore, #tpu.memory_space<semaphore_mem>>)
      %dma_start3A_1840 = arith.constant 0 : i32
      %dma_start3A_1841 = arith.constant 0 : i32
      %dma_start3A_1842 = tpu.memref_slice %arg4[%add3A_217, %dma_start3A_1840, %dma_start3A_1841] : memref<1024x50x1000xf32, #tpu.memory_space<hbm>> -> memref<1x50x1000xf32, #tpu.memory_space<hbm>>
      %dma_start3A_1843 = tpu.memref_squeeze %dma_start3A_1842 : memref<1x50x1000xf32, #tpu.memory_space<hbm>> -> memref<50x1000xf32, #tpu.memory_space<hbm>>
      %dma_start3A_1844 = arith.constant 48 : i32
      %dma_start3A_1845 = arith.constant 640 : i32
      %dma_start3A_1846 = tpu.memref_slice %dma_start3A_1843[%dma_start3A_1844, %dma_start3A_1845] : memref<50x1000xf32, #tpu.memory_space<hbm>> -> memref<2x128xf32, #tpu.memory_space<hbm>>
      %dma_start3A_1847 = arith.constant 0 : i32
      %dma_start3A_1848 = arith.constant 0 : i32
      %dma_start3A_1849 = tpu.memref_slice %arg4[%add3A_217, %dma_start3A_1847, %dma_start3A_1848] : memref<1024x50x1000xf32, #tpu.memory_space<hbm>> -> memref<1x50x1000xf32, #tpu.memory_space<hbm>>
      %dma_start3A_1850 = tpu.memref_squeeze %dma_start3A_1849 : memref<1x50x1000xf32, #tpu.memory_space<hbm>> -> memref<50x1000xf32, #tpu.memory_space<hbm>>
      %dma_start3A_1851 = arith.constant 48 : i32
      %dma_start3A_1852 = arith.constant 640 : i32
      %dma_start3A_1853 = tpu.memref_slice %dma_start3A_1850[%dma_start3A_1851, %dma_start3A_1852] : memref<50x1000xf32, #tpu.memory_space<hbm>> -> memref<2x128xf32, #tpu.memory_space<hbm>>
      tpu.enqueue_dma source(%arg13 : memref<2x128xf32, #tpu.memory_space<vmem>>) target(%dma_start3A_1853 : memref<2x128xf32, #tpu.memory_space<hbm>>) target_semaphore(%arg17 : memref<!tpu.dma_semaphore, #tpu.memory_space<semaphore_mem>>)
      %dma_start3A_1854 = arith.constant 0 : i32
      %dma_start3A_1855 = arith.constant 0 : i32
      %dma_start3A_1856 = tpu.memref_slice %arg4[%add3A_217, %dma_start3A_1854, %dma_start3A_1855] : memref<1024x50x1000xf32, #tpu.memory_space<hbm>> -> memref<1x50x1000xf32, #tpu.memory_space<hbm>>
      %dma_start3A_1857 = tpu.memref_squeeze %dma_start3A_1856 : memref<1x50x1000xf32, #tpu.memory_space<hbm>> -> memref<50x1000xf32, #tpu.memory_space<hbm>>
      %dma_start3A_1858 = arith.constant 48 : i32
      %dma_start3A_1859 = arith.constant 768 : i32
      %dma_start3A_1860 = tpu.memref_slice %dma_start3A_1857[%dma_start3A_1858, %dma_start3A_1859] : memref<50x1000xf32, #tpu.memory_space<hbm>> -> memref<2x128xf32, #tpu.memory_space<hbm>>
      %dma_start3A_1861 = arith.constant 0 : i32
      %dma_start3A_1862 = arith.constant 0 : i32
      %dma_start3A_1863 = tpu.memref_slice %arg4[%add3A_217, %dma_start3A_1861, %dma_start3A_1862] : memref<1024x50x1000xf32, #tpu.memory_space<hbm>> -> memref<1x50x1000xf32, #tpu.memory_space<hbm>>
      %dma_start3A_1864 = tpu.memref_squeeze %dma_start3A_1863 : memref<1x50x1000xf32, #tpu.memory_space<hbm>> -> memref<50x1000xf32, #tpu.memory_space<hbm>>
      %dma_start3A_1865 = arith.constant 48 : i32
      %dma_start3A_1866 = arith.constant 768 : i32
      %dma_start3A_1867 = tpu.memref_slice %dma_start3A_1864[%dma_start3A_1865, %dma_start3A_1866] : memref<50x1000xf32, #tpu.memory_space<hbm>> -> memref<2x128xf32, #tpu.memory_space<hbm>>
      tpu.enqueue_dma source(%arg14 : memref<2x128xf32, #tpu.memory_space<vmem>>) target(%dma_start3A_1867 : memref<2x128xf32, #tpu.memory_space<hbm>>) target_semaphore(%arg17 : memref<!tpu.dma_semaphore, #tpu.memory_space<semaphore_mem>>)
      %dma_start3A_1868 = arith.constant 0 : i32
      %dma_start3A_1869 = arith.constant 0 : i32
      %dma_start3A_1870 = tpu.memref_slice %arg4[%add3A_217, %dma_start3A_1868, %dma_start3A_1869] : memref<1024x50x1000xf32, #tpu.memory_space<hbm>> -> memref<1x50x1000xf32, #tpu.memory_space<hbm>>
      %dma_start3A_1871 = tpu.memref_squeeze %dma_start3A_1870 : memref<1x50x1000xf32, #tpu.memory_space<hbm>> -> memref<50x1000xf32, #tpu.memory_space<hbm>>
      %dma_start3A_1872 = arith.constant 48 : i32
      %dma_start3A_1873 = arith.constant 896 : i32
      %dma_start3A_1874 = tpu.memref_slice %dma_start3A_1871[%dma_start3A_1872, %dma_start3A_1873] : memref<50x1000xf32, #tpu.memory_space<hbm>> -> memref<2x104xf32, #tpu.memory_space<hbm>>
      %dma_start3A_1875 = arith.constant 0 : i32
      %dma_start3A_1876 = arith.constant 0 : i32
      %dma_start3A_1877 = tpu.memref_slice %arg4[%add3A_217, %dma_start3A_1875, %dma_start3A_1876] : memref<1024x50x1000xf32, #tpu.memory_space<hbm>> -> memref<1x50x1000xf32, #tpu.memory_space<hbm>>
      %dma_start3A_1878 = tpu.memref_squeeze %dma_start3A_1877 : memref<1x50x1000xf32, #tpu.memory_space<hbm>> -> memref<50x1000xf32, #tpu.memory_space<hbm>>
      %dma_start3A_1879 = arith.constant 48 : i32
      %dma_start3A_1880 = arith.constant 896 : i32
      %dma_start3A_1881 = tpu.memref_slice %dma_start3A_1878[%dma_start3A_1879, %dma_start3A_1880] : memref<50x1000xf32, #tpu.memory_space<hbm>> -> memref<2x104xf32, #tpu.memory_space<hbm>>
      tpu.enqueue_dma source(%arg15 : memref<2x104xf32, #tpu.memory_space<vmem>>) target(%dma_start3A_1881 : memref<2x104xf32, #tpu.memory_space<hbm>>) target_semaphore(%arg17 : memref<!tpu.dma_semaphore, #tpu.memory_space<semaphore_mem>>)
    }
    %scan3A_17 = arith.constant 32 : i32
    %rem3A = arith.constant 31 : i32
    %rem3A_18 = arith.constant 2 : i32
    %rem3A_19 = arith.remsi %rem3A, %rem3A_18 : i32
    %dma_wait3A = arith.constant 0 : i32
    %dma_wait3A_20 = arith.constant 0 : i32
    %dma_wait3A_21 = arith.constant 0 : i32
    %dma_wait3A_22 = tpu.memref_slice %arg6[%rem3A_19, %dma_wait3A_20, %dma_wait3A_21] : memref<2x50x1024xf32, #tpu.memory_space<vmem>> -> memref<1x50x1024xf32, #tpu.memory_space<vmem>>
    %dma_wait3A_23 = tpu.memref_squeeze %dma_wait3A_22 : memref<1x50x1024xf32, #tpu.memory_space<vmem>> -> memref<50x1024xf32, #tpu.memory_space<vmem>>
    %dma_wait3A_24 = arith.constant 0 : i32
    %dma_wait3A_25 = arith.constant 0 : i32
    %dma_wait3A_26 = tpu.memref_slice %dma_wait3A_23[%dma_wait3A_24, %dma_wait3A_25] : memref<50x1024xf32, #tpu.memory_space<vmem>> -> memref<48x896xf32, #tpu.memory_space<vmem>>
    %dma_wait3A_27 = arith.constant 0 : i32
    %dma_wait3A_28 = arith.constant 0 : i32
    %dma_wait3A_29 = tpu.memref_slice %arg4[%dma_wait3A, %dma_wait3A_27, %dma_wait3A_28] : memref<1024x50x1000xf32, #tpu.memory_space<hbm>> -> memref<1x50x1000xf32, #tpu.memory_space<hbm>>
    %dma_wait3A_30 = tpu.memref_squeeze %dma_wait3A_29 : memref<1x50x1000xf32, #tpu.memory_space<hbm>> -> memref<50x1000xf32, #tpu.memory_space<hbm>>
    %dma_wait3A_31 = arith.constant 0 : i32
    %dma_wait3A_32 = arith.constant 0 : i32
    %dma_wait3A_33 = tpu.memref_slice %dma_wait3A_30[%dma_wait3A_31, %dma_wait3A_32] : memref<50x1000xf32, #tpu.memory_space<hbm>> -> memref<48x896xf32, #tpu.memory_space<hbm>>
    %dma_wait3A_34 = arith.constant 0 : i32
    %dma_wait3A_35 = arith.constant 0 : i32
    %dma_wait3A_36 = tpu.memref_slice %arg4[%dma_wait3A, %dma_wait3A_34, %dma_wait3A_35] : memref<1024x50x1000xf32, #tpu.memory_space<hbm>> -> memref<1x50x1000xf32, #tpu.memory_space<hbm>>
    %dma_wait3A_37 = tpu.memref_squeeze %dma_wait3A_36 : memref<1x50x1000xf32, #tpu.memory_space<hbm>> -> memref<50x1000xf32, #tpu.memory_space<hbm>>
    %dma_wait3A_38 = arith.constant 0 : i32
    %dma_wait3A_39 = arith.constant 0 : i32
    %dma_wait3A_40 = tpu.memref_slice %dma_wait3A_37[%dma_wait3A_38, %dma_wait3A_39] : memref<50x1000xf32, #tpu.memory_space<hbm>> -> memref<48x896xf32, #tpu.memory_space<hbm>>
    %dma_wait3A_41 = arith.constant 0 : i32
    %dma_wait3A_42 = arith.constant 0 : i32
    %dma_wait3A_43 = tpu.memref_slice %arg6[%rem3A_19, %dma_wait3A_41, %dma_wait3A_42] : memref<2x50x1024xf32, #tpu.memory_space<vmem>> -> memref<1x50x1024xf32, #tpu.memory_space<vmem>>
    %dma_wait3A_44 = tpu.memref_squeeze %dma_wait3A_43 : memref<1x50x1024xf32, #tpu.memory_space<vmem>> -> memref<50x1024xf32, #tpu.memory_space<vmem>>
    %dma_wait3A_45 = arith.constant 0 : i32
    %dma_wait3A_46 = arith.constant 0 : i32
    %dma_wait3A_47 = tpu.memref_slice %dma_wait3A_44[%dma_wait3A_45, %dma_wait3A_46] : memref<50x1024xf32, #tpu.memory_space<vmem>> -> memref<48x896xf32, #tpu.memory_space<vmem>>
    tpu.wait_dma2 semaphore(%arg17 : memref<!tpu.dma_semaphore, #tpu.memory_space<semaphore_mem>>) src(%dma_wait3A_47 : memref<48x896xf32, #tpu.memory_space<vmem>>) dst(%dma_wait3A_40 : memref<48x896xf32, #tpu.memory_space<hbm>>)
    %dma_wait3A_48 = arith.constant 0 : i32
    %dma_wait3A_49 = arith.constant 0 : i32
    %dma_wait3A_50 = arith.constant 0 : i32
    %dma_wait3A_51 = tpu.memref_slice %arg4[%dma_wait3A_48, %dma_wait3A_49, %dma_wait3A_50] : memref<1024x50x1000xf32, #tpu.memory_space<hbm>> -> memref<1x50x1000xf32, #tpu.memory_space<hbm>>
    %dma_wait3A_52 = tpu.memref_squeeze %dma_wait3A_51 : memref<1x50x1000xf32, #tpu.memory_space<hbm>> -> memref<50x1000xf32, #tpu.memory_space<hbm>>
    %dma_wait3A_53 = arith.constant 0 : i32
    %dma_wait3A_54 = arith.constant 896 : i32
    %dma_wait3A_55 = tpu.memref_slice %dma_wait3A_52[%dma_wait3A_53, %dma_wait3A_54] : memref<50x1000xf32, #tpu.memory_space<hbm>> -> memref<48x104xf32, #tpu.memory_space<hbm>>
    %dma_wait3A_56 = arith.constant 0 : i32
    %dma_wait3A_57 = arith.constant 0 : i32
    %dma_wait3A_58 = tpu.memref_slice %arg4[%dma_wait3A_48, %dma_wait3A_56, %dma_wait3A_57] : memref<1024x50x1000xf32, #tpu.memory_space<hbm>> -> memref<1x50x1000xf32, #tpu.memory_space<hbm>>
    %dma_wait3A_59 = tpu.memref_squeeze %dma_wait3A_58 : memref<1x50x1000xf32, #tpu.memory_space<hbm>> -> memref<50x1000xf32, #tpu.memory_space<hbm>>
    %dma_wait3A_60 = arith.constant 0 : i32
    %dma_wait3A_61 = arith.constant 896 : i32
    %dma_wait3A_62 = tpu.memref_slice %dma_wait3A_59[%dma_wait3A_60, %dma_wait3A_61] : memref<50x1000xf32, #tpu.memory_space<hbm>> -> memref<48x104xf32, #tpu.memory_space<hbm>>
    tpu.wait_dma2 semaphore(%arg17 : memref<!tpu.dma_semaphore, #tpu.memory_space<semaphore_mem>>) src(%arg7 : memref<48x104xf32, #tpu.memory_space<vmem>>) dst(%dma_wait3A_62 : memref<48x104xf32, #tpu.memory_space<hbm>>)
    %dma_wait3A_63 = arith.constant 0 : i32
    %dma_wait3A_64 = arith.constant 0 : i32
    %dma_wait3A_65 = arith.constant 0 : i32
    %dma_wait3A_66 = tpu.memref_slice %arg4[%dma_wait3A_63, %dma_wait3A_64, %dma_wait3A_65] : memref<1024x50x1000xf32, #tpu.memory_space<hbm>> -> memref<1x50x1000xf32, #tpu.memory_space<hbm>>
    %dma_wait3A_67 = tpu.memref_squeeze %dma_wait3A_66 : memref<1x50x1000xf32, #tpu.memory_space<hbm>> -> memref<50x1000xf32, #tpu.memory_space<hbm>>
    %dma_wait3A_68 = arith.constant 48 : i32
    %dma_wait3A_69 = arith.constant 0 : i32
    %dma_wait3A_70 = tpu.memref_slice %dma_wait3A_67[%dma_wait3A_68, %dma_wait3A_69] : memref<50x1000xf32, #tpu.memory_space<hbm>> -> memref<2x128xf32, #tpu.memory_space<hbm>>
    %dma_wait3A_71 = arith.constant 0 : i32
    %dma_wait3A_72 = arith.constant 0 : i32
    %dma_wait3A_73 = tpu.memref_slice %arg4[%dma_wait3A_63, %dma_wait3A_71, %dma_wait3A_72] : memref<1024x50x1000xf32, #tpu.memory_space<hbm>> -> memref<1x50x1000xf32, #tpu.memory_space<hbm>>
    %dma_wait3A_74 = tpu.memref_squeeze %dma_wait3A_73 : memref<1x50x1000xf32, #tpu.memory_space<hbm>> -> memref<50x1000xf32, #tpu.memory_space<hbm>>
    %dma_wait3A_75 = arith.constant 48 : i32
    %dma_wait3A_76 = arith.constant 0 : i32
    %dma_wait3A_77 = tpu.memref_slice %dma_wait3A_74[%dma_wait3A_75, %dma_wait3A_76] : memref<50x1000xf32, #tpu.memory_space<hbm>> -> memref<2x128xf32, #tpu.memory_space<hbm>>
    tpu.wait_dma2 semaphore(%arg17 : memref<!tpu.dma_semaphore, #tpu.memory_space<semaphore_mem>>) src(%arg8 : memref<2x128xf32, #tpu.memory_space<vmem>>) dst(%dma_wait3A_77 : memref<2x128xf32, #tpu.memory_space<hbm>>)
    %dma_wait3A_78 = arith.constant 0 : i32
    %dma_wait3A_79 = arith.constant 0 : i32
    %dma_wait3A_80 = arith.constant 0 : i32
    %dma_wait3A_81 = tpu.memref_slice %arg4[%dma_wait3A_78, %dma_wait3A_79, %dma_wait3A_80] : memref<1024x50x1000xf32, #tpu.memory_space<hbm>> -> memref<1x50x1000xf32, #tpu.memory_space<hbm>>
    %dma_wait3A_82 = tpu.memref_squeeze %dma_wait3A_81 : memref<1x50x1000xf32, #tpu.memory_space<hbm>> -> memref<50x1000xf32, #tpu.memory_space<hbm>>
    %dma_wait3A_83 = arith.constant 48 : i32
    %dma_wait3A_84 = arith.constant 128 : i32
    %dma_wait3A_85 = tpu.memref_slice %dma_wait3A_82[%dma_wait3A_83, %dma_wait3A_84] : memref<50x1000xf32, #tpu.memory_space<hbm>> -> memref<2x128xf32, #tpu.memory_space<hbm>>
    %dma_wait3A_86 = arith.constant 0 : i32
    %dma_wait3A_87 = arith.constant 0 : i32
    %dma_wait3A_88 = tpu.memref_slice %arg4[%dma_wait3A_78, %dma_wait3A_86, %dma_wait3A_87] : memref<1024x50x1000xf32, #tpu.memory_space<hbm>> -> memref<1x50x1000xf32, #tpu.memory_space<hbm>>
    %dma_wait3A_89 = tpu.memref_squeeze %dma_wait3A_88 : memref<1x50x1000xf32, #tpu.memory_space<hbm>> -> memref<50x1000xf32, #tpu.memory_space<hbm>>
    %dma_wait3A_90 = arith.constant 48 : i32
    %dma_wait3A_91 = arith.constant 128 : i32
    %dma_wait3A_92 = tpu.memref_slice %dma_wait3A_89[%dma_wait3A_90, %dma_wait3A_91] : memref<50x1000xf32, #tpu.memory_space<hbm>> -> memref<2x128xf32, #tpu.memory_space<hbm>>
    tpu.wait_dma2 semaphore(%arg17 : memref<!tpu.dma_semaphore, #tpu.memory_space<semaphore_mem>>) src(%arg9 : memref<2x128xf32, #tpu.memory_space<vmem>>) dst(%dma_wait3A_92 : memref<2x128xf32, #tpu.memory_space<hbm>>)
    %dma_wait3A_93 = arith.constant 0 : i32
    %dma_wait3A_94 = arith.constant 0 : i32
    %dma_wait3A_95 = arith.constant 0 : i32
    %dma_wait3A_96 = tpu.memref_slice %arg4[%dma_wait3A_93, %dma_wait3A_94, %dma_wait3A_95] : memref<1024x50x1000xf32, #tpu.memory_space<hbm>> -> memref<1x50x1000xf32, #tpu.memory_space<hbm>>
    %dma_wait3A_97 = tpu.memref_squeeze %dma_wait3A_96 : memref<1x50x1000xf32, #tpu.memory_space<hbm>> -> memref<50x1000xf32, #tpu.memory_space<hbm>>
    %dma_wait3A_98 = arith.constant 48 : i32
    %dma_wait3A_99 = arith.constant 256 : i32
    %dma_wait3A_100 = tpu.memref_slice %dma_wait3A_97[%dma_wait3A_98, %dma_wait3A_99] : memref<50x1000xf32, #tpu.memory_space<hbm>> -> memref<2x128xf32, #tpu.memory_space<hbm>>
    %dma_wait3A_101 = arith.constant 0 : i32
    %dma_wait3A_102 = arith.constant 0 : i32
    %dma_wait3A_103 = tpu.memref_slice %arg4[%dma_wait3A_93, %dma_wait3A_101, %dma_wait3A_102] : memref<1024x50x1000xf32, #tpu.memory_space<hbm>> -> memref<1x50x1000xf32, #tpu.memory_space<hbm>>
    %dma_wait3A_104 = tpu.memref_squeeze %dma_wait3A_103 : memref<1x50x1000xf32, #tpu.memory_space<hbm>> -> memref<50x1000xf32, #tpu.memory_space<hbm>>
    %dma_wait3A_105 = arith.constant 48 : i32
    %dma_wait3A_106 = arith.constant 256 : i32
    %dma_wait3A_107 = tpu.memref_slice %dma_wait3A_104[%dma_wait3A_105, %dma_wait3A_106] : memref<50x1000xf32, #tpu.memory_space<hbm>> -> memref<2x128xf32, #tpu.memory_space<hbm>>
    tpu.wait_dma2 semaphore(%arg17 : memref<!tpu.dma_semaphore, #tpu.memory_space<semaphore_mem>>) src(%arg10 : memref<2x128xf32, #tpu.memory_space<vmem>>) dst(%dma_wait3A_107 : memref<2x128xf32, #tpu.memory_space<hbm>>)
    %dma_wait3A_108 = arith.constant 0 : i32
    %dma_wait3A_109 = arith.constant 0 : i32
    %dma_wait3A_110 = arith.constant 0 : i32
    %dma_wait3A_111 = tpu.memref_slice %arg4[%dma_wait3A_108, %dma_wait3A_109, %dma_wait3A_110] : memref<1024x50x1000xf32, #tpu.memory_space<hbm>> -> memref<1x50x1000xf32, #tpu.memory_space<hbm>>
    %dma_wait3A_112 = tpu.memref_squeeze %dma_wait3A_111 : memref<1x50x1000xf32, #tpu.memory_space<hbm>> -> memref<50x1000xf32, #tpu.memory_space<hbm>>
    %dma_wait3A_113 = arith.constant 48 : i32
    %dma_wait3A_114 = arith.constant 384 : i32
    %dma_wait3A_115 = tpu.memref_slice %dma_wait3A_112[%dma_wait3A_113, %dma_wait3A_114] : memref<50x1000xf32, #tpu.memory_space<hbm>> -> memref<2x128xf32, #tpu.memory_space<hbm>>
    %dma_wait3A_116 = arith.constant 0 : i32
    %dma_wait3A_117 = arith.constant 0 : i32
    %dma_wait3A_118 = tpu.memref_slice %arg4[%dma_wait3A_108, %dma_wait3A_116, %dma_wait3A_117] : memref<1024x50x1000xf32, #tpu.memory_space<hbm>> -> memref<1x50x1000xf32, #tpu.memory_space<hbm>>
    %dma_wait3A_119 = tpu.memref_squeeze %dma_wait3A_118 : memref<1x50x1000xf32, #tpu.memory_space<hbm>> -> memref<50x1000xf32, #tpu.memory_space<hbm>>
    %dma_wait3A_120 = arith.constant 48 : i32
    %dma_wait3A_121 = arith.constant 384 : i32
    %dma_wait3A_122 = tpu.memref_slice %dma_wait3A_119[%dma_wait3A_120, %dma_wait3A_121] : memref<50x1000xf32, #tpu.memory_space<hbm>> -> memref<2x128xf32, #tpu.memory_space<hbm>>
    tpu.wait_dma2 semaphore(%arg17 : memref<!tpu.dma_semaphore, #tpu.memory_space<semaphore_mem>>) src(%arg11 : memref<2x128xf32, #tpu.memory_space<vmem>>) dst(%dma_wait3A_122 : memref<2x128xf32, #tpu.memory_space<hbm>>)
    %dma_wait3A_123 = arith.constant 0 : i32
    %dma_wait3A_124 = arith.constant 0 : i32
    %dma_wait3A_125 = arith.constant 0 : i32
    %dma_wait3A_126 = tpu.memref_slice %arg4[%dma_wait3A_123, %dma_wait3A_124, %dma_wait3A_125] : memref<1024x50x1000xf32, #tpu.memory_space<hbm>> -> memref<1x50x1000xf32, #tpu.memory_space<hbm>>
    %dma_wait3A_127 = tpu.memref_squeeze %dma_wait3A_126 : memref<1x50x1000xf32, #tpu.memory_space<hbm>> -> memref<50x1000xf32, #tpu.memory_space<hbm>>
    %dma_wait3A_128 = arith.constant 48 : i32
    %dma_wait3A_129 = arith.constant 512 : i32
    %dma_wait3A_130 = tpu.memref_slice %dma_wait3A_127[%dma_wait3A_128, %dma_wait3A_129] : memref<50x1000xf32, #tpu.memory_space<hbm>> -> memref<2x128xf32, #tpu.memory_space<hbm>>
    %dma_wait3A_131 = arith.constant 0 : i32
    %dma_wait3A_132 = arith.constant 0 : i32
    %dma_wait3A_133 = tpu.memref_slice %arg4[%dma_wait3A_123, %dma_wait3A_131, %dma_wait3A_132] : memref<1024x50x1000xf32, #tpu.memory_space<hbm>> -> memref<1x50x1000xf32, #tpu.memory_space<hbm>>
    %dma_wait3A_134 = tpu.memref_squeeze %dma_wait3A_133 : memref<1x50x1000xf32, #tpu.memory_space<hbm>> -> memref<50x1000xf32, #tpu.memory_space<hbm>>
    %dma_wait3A_135 = arith.constant 48 : i32
    %dma_wait3A_136 = arith.constant 512 : i32
    %dma_wait3A_137 = tpu.memref_slice %dma_wait3A_134[%dma_wait3A_135, %dma_wait3A_136] : memref<50x1000xf32, #tpu.memory_space<hbm>> -> memref<2x128xf32, #tpu.memory_space<hbm>>
    tpu.wait_dma2 semaphore(%arg17 : memref<!tpu.dma_semaphore, #tpu.memory_space<semaphore_mem>>) src(%arg12 : memref<2x128xf32, #tpu.memory_space<vmem>>) dst(%dma_wait3A_137 : memref<2x128xf32, #tpu.memory_space<hbm>>)
    %dma_wait3A_138 = arith.constant 0 : i32
    %dma_wait3A_139 = arith.constant 0 : i32
    %dma_wait3A_140 = arith.constant 0 : i32
    %dma_wait3A_141 = tpu.memref_slice %arg4[%dma_wait3A_138, %dma_wait3A_139, %dma_wait3A_140] : memref<1024x50x1000xf32, #tpu.memory_space<hbm>> -> memref<1x50x1000xf32, #tpu.memory_space<hbm>>
    %dma_wait3A_142 = tpu.memref_squeeze %dma_wait3A_141 : memref<1x50x1000xf32, #tpu.memory_space<hbm>> -> memref<50x1000xf32, #tpu.memory_space<hbm>>
    %dma_wait3A_143 = arith.constant 48 : i32
    %dma_wait3A_144 = arith.constant 640 : i32
    %dma_wait3A_145 = tpu.memref_slice %dma_wait3A_142[%dma_wait3A_143, %dma_wait3A_144] : memref<50x1000xf32, #tpu.memory_space<hbm>> -> memref<2x128xf32, #tpu.memory_space<hbm>>
    %dma_wait3A_146 = arith.constant 0 : i32
    %dma_wait3A_147 = arith.constant 0 : i32
    %dma_wait3A_148 = tpu.memref_slice %arg4[%dma_wait3A_138, %dma_wait3A_146, %dma_wait3A_147] : memref<1024x50x1000xf32, #tpu.memory_space<hbm>> -> memref<1x50x1000xf32, #tpu.memory_space<hbm>>
    %dma_wait3A_149 = tpu.memref_squeeze %dma_wait3A_148 : memref<1x50x1000xf32, #tpu.memory_space<hbm>> -> memref<50x1000xf32, #tpu.memory_space<hbm>>
    %dma_wait3A_150 = arith.constant 48 : i32
    %dma_wait3A_151 = arith.constant 640 : i32
    %dma_wait3A_152 = tpu.memref_slice %dma_wait3A_149[%dma_wait3A_150, %dma_wait3A_151] : memref<50x1000xf32, #tpu.memory_space<hbm>> -> memref<2x128xf32, #tpu.memory_space<hbm>>
    tpu.wait_dma2 semaphore(%arg17 : memref<!tpu.dma_semaphore, #tpu.memory_space<semaphore_mem>>) src(%arg13 : memref<2x128xf32, #tpu.memory_space<vmem>>) dst(%dma_wait3A_152 : memref<2x128xf32, #tpu.memory_space<hbm>>)
    %dma_wait3A_153 = arith.constant 0 : i32
    %dma_wait3A_154 = arith.constant 0 : i32
    %dma_wait3A_155 = arith.constant 0 : i32
    %dma_wait3A_156 = tpu.memref_slice %arg4[%dma_wait3A_153, %dma_wait3A_154, %dma_wait3A_155] : memref<1024x50x1000xf32, #tpu.memory_space<hbm>> -> memref<1x50x1000xf32, #tpu.memory_space<hbm>>
    %dma_wait3A_157 = tpu.memref_squeeze %dma_wait3A_156 : memref<1x50x1000xf32, #tpu.memory_space<hbm>> -> memref<50x1000xf32, #tpu.memory_space<hbm>>
    %dma_wait3A_158 = arith.constant 48 : i32
    %dma_wait3A_159 = arith.constant 768 : i32
    %dma_wait3A_160 = tpu.memref_slice %dma_wait3A_157[%dma_wait3A_158, %dma_wait3A_159] : memref<50x1000xf32, #tpu.memory_space<hbm>> -> memref<2x128xf32, #tpu.memory_space<hbm>>
    %dma_wait3A_161 = arith.constant 0 : i32
    %dma_wait3A_162 = arith.constant 0 : i32
    %dma_wait3A_163 = tpu.memref_slice %arg4[%dma_wait3A_153, %dma_wait3A_161, %dma_wait3A_162] : memref<1024x50x1000xf32, #tpu.memory_space<hbm>> -> memref<1x50x1000xf32, #tpu.memory_space<hbm>>
    %dma_wait3A_164 = tpu.memref_squeeze %dma_wait3A_163 : memref<1x50x1000xf32, #tpu.memory_space<hbm>> -> memref<50x1000xf32, #tpu.memory_space<hbm>>
    %dma_wait3A_165 = arith.constant 48 : i32
    %dma_wait3A_166 = arith.constant 768 : i32
    %dma_wait3A_167 = tpu.memref_slice %dma_wait3A_164[%dma_wait3A_165, %dma_wait3A_166] : memref<50x1000xf32, #tpu.memory_space<hbm>> -> memref<2x128xf32, #tpu.memory_space<hbm>>
    tpu.wait_dma2 semaphore(%arg17 : memref<!tpu.dma_semaphore, #tpu.memory_space<semaphore_mem>>) src(%arg14 : memref<2x128xf32, #tpu.memory_space<vmem>>) dst(%dma_wait3A_167 : memref<2x128xf32, #tpu.memory_space<hbm>>)
    %dma_wait3A_168 = arith.constant 0 : i32
    %dma_wait3A_169 = arith.constant 0 : i32
    %dma_wait3A_170 = arith.constant 0 : i32
    %dma_wait3A_171 = tpu.memref_slice %arg4[%dma_wait3A_168, %dma_wait3A_169, %dma_wait3A_170] : memref<1024x50x1000xf32, #tpu.memory_space<hbm>> -> memref<1x50x1000xf32, #tpu.memory_space<hbm>>
    %dma_wait3A_172 = tpu.memref_squeeze %dma_wait3A_171 : memref<1x50x1000xf32, #tpu.memory_space<hbm>> -> memref<50x1000xf32, #tpu.memory_space<hbm>>
    %dma_wait3A_173 = arith.constant 48 : i32
    %dma_wait3A_174 = arith.constant 896 : i32
    %dma_wait3A_175 = tpu.memref_slice %dma_wait3A_172[%dma_wait3A_173, %dma_wait3A_174] : memref<50x1000xf32, #tpu.memory_space<hbm>> -> memref<2x104xf32, #tpu.memory_space<hbm>>
    %dma_wait3A_176 = arith.constant 0 : i32
    %dma_wait3A_177 = arith.constant 0 : i32
    %dma_wait3A_178 = tpu.memref_slice %arg4[%dma_wait3A_168, %dma_wait3A_176, %dma_wait3A_177] : memref<1024x50x1000xf32, #tpu.memory_space<hbm>> -> memref<1x50x1000xf32, #tpu.memory_space<hbm>>
    %dma_wait3A_179 = tpu.memref_squeeze %dma_wait3A_178 : memref<1x50x1000xf32, #tpu.memory_space<hbm>> -> memref<50x1000xf32, #tpu.memory_space<hbm>>
    %dma_wait3A_180 = arith.constant 48 : i32
    %dma_wait3A_181 = arith.constant 896 : i32
    %dma_wait3A_182 = tpu.memref_slice %dma_wait3A_179[%dma_wait3A_180, %dma_wait3A_181] : memref<50x1000xf32, #tpu.memory_space<hbm>> -> memref<2x104xf32, #tpu.memory_space<hbm>>
    tpu.wait_dma2 semaphore(%arg17 : memref<!tpu.dma_semaphore, #tpu.memory_space<semaphore_mem>>) src(%arg15 : memref<2x104xf32, #tpu.memory_space<vmem>>) dst(%dma_wait3A_182 : memref<2x104xf32, #tpu.memory_space<hbm>>)
    return
  }
}

</mosaic_0001>

<sc_bundles>
// kernel: _embedding_lookup.3.cloned.1.call-start
scs
__scs_entry_jumppad:
0x0: {  	(pc) =	sbr.rel $0x88, $3  }
0x1: {  	(tag) =	ssettag $0x0;
	lr =	simm.s32 $0x1  }
0x2: {  	[smem:$0x3F9F] =	sst lr;
	_ =	strace $0xD0000000  }
0x3: {  	_ = 	snop  }
0x4: {  	_ = 	snop  }
0x5: {  	_ = 	snop  }
0x6: {  	_ = 	snop  }
0x7: {  	_ = 	snop  }
__scs_overlays_trampoline_lowered:
0x8: {  	[smem:$0x3FAE] =	sst s0  }
0x9: {  	[smem:$0x3FAF] =	sst s1  }
0xa: {  	[smem:$0x3FB0] =	sst s2  }
0xb: {  	[smem:$0x3FB1] =	sst s3  }
0xc: {  	[smem:$0x3FB2] =	sst s4  }
0xd: {  	[smem:$0x3FB3] =	sst s5  }
0xe: {  	[smem:$0x3FB4] =	sst s6  }
0xf: {  	[smem:$0x3FB5] =	sst s7  }
0x10: {  	[smem:$0x3FB6] =	sst s8  }
0x11: {  	[smem:$0x3FB7] =	sst s9;
	s0 =	simm.s32 @!p0 $0x0  }
0x12: {  	s1 =	sld [smem:$0x3F9D];
	s0 =	simm.s32 @p0 $0x1  }
0x13: {  	[smem:$0x3FB8] =	sst s0;
	s0 =	simm.s32 @!p1 $0x0  }
0x14: {  	s2 =	sld [smem:$0x3F9C];
	s0 =	simm.s32 @p1 $0x1  }
0x15: {  	[smem:$0x3FB9] =	sst s0;
	s0 =	simm.s32 @!p2 $0x0  }
0x16: {  	s3 =	sld [smem:$0x3FDB];
	s0 =	simm.s32 @p2 $0x1  }
0x17: {  	s4 =	simm.s32 $0x1BF5;
	[smem:$0x3FBB] =	sst s0  }
0x18: {  	s0 =	sld [smem:$0x3F9E];
	_ =	swait.ge [sflag:s4], $0x0  }
0x19: {  	s7 =	sld [smem:$0x3F9F]  }
0x1a: {  	s8 =	sadd.s32 $0xFFFFE003, lr  }
0x1b: {  	s9 =	sadd.s32 $0xFFFFFEF7, lr;
	s5 =	simm.s32 $0xFFFFFFFF;
	p2 =	slt.u32 s8, $0xFFFFF086  }
0x1c: {  	p1 =	slt.u32 s9, $0xF7A;
	s5 =	simm.s32 @!p2 $0x0  }
0x1d: {  	s5 =	simm.s32 @p1 $0x1;
	p0 =	seq.s32 s7, s2  }
0x1e: {  	s7 =	smul.u32 @!p0 $0xF7A, s2;
	p2 =	seq.s32 @!p0 s5, $0x0  }
0x1f: {  	s9 =	smul.u32 $0xF7A, s1;
	s8 =	simm.s32 @!p0 $0x1BF5;
	p2 =	por !p2, p0  }
0x20: {  	[sflag:s8] =	ssyncset.s32 @!p0 $0xFFFFF086;
	s6 =	sadd.s32 @!p0 s3, s7;
	s7 =	simm.s32 @!p0 $0x108  }
0x21: {  	s3 =	sadd.s32 s3, s9;
	s6 =	sadd.s32 @!p0 $0x88, s6;
	s7 =	simm.s32 @p2 $0x1082  }
0x22: {  	[simem:s7], [sflag:s8] =	dma.local @!p0 [hbm:s6], $0xF7A  }
0x23: {  	s9 =	sor.u32 $0xD0000000, s2;
	s6 =	simm.s32 $0x108;
	_ =	swait.ge @!p0 [sflag:s8], $0x0  }
0x24: {  	s3 =	sadd.s32 $0x88, s3;
	s6 =	simm.s32 @!p1 $0x1082;
	[sflag:s4] =	ssyncset.s32 $0xFFFFF086  }
0x25: {  	[simem:s6], [sflag:s4] =	dma.local [hbm:s3], $0xF7A  }
0x26: {  	[smem:$0x3F9F] =	sst s1;
	(tag) =	ssettag s2;
	_ =	strace s9  }
0x27: {  	s1 =	sld [smem:$0x3FAF]  }
0x28: {  	s2 =	sld [smem:$0x3FB0]  }
0x29: {  	s4 =	sld [smem:$0x3FB2]  }
0x2a: {  	p0 =	seq.s32 s5, $0x0;
	s5 =	sld [smem:$0x3FB3]  }
0x2b: {  	s6 =	sld [smem:$0x3FB4]  }
0x2c: {  	s7 =	sld [smem:$0x3FB5]  }
0x2d: {  	s3 =	simm.s32 $0x108;
	s8 =	sld [smem:$0x3FB6]  }
0x2e: {  	s3 =	simm.s32 @!p0 $0x1082;
	s9 =	sld [smem:$0x3FB7]  }
0x2f: {  	lr =	sadd.s32 s0, s3;
	s0 =	sld [smem:$0x3FAE]  }
0x30: {  	s3 =	sld [smem:$0x3FB1]  }
0x31: {  	[smem:$0x3FBA] =	sst s10  }
0x32: {  	s10 =	sld [smem:$0x3FB8];
	_ =	sdelay $0x3  }
0x33: {  	p0 =	seq.s32 s10, $0x1;
	s10 =	sld [smem:$0x3FBA];
	_ =	sdelay $0x3  }
0x34: {  	[smem:$0x3FBA] =	sst s10  }
0x35: {  	s10 =	sld [smem:$0x3FB9];
	_ =	sdelay $0x3  }
0x36: {  	p1 =	seq.s32 s10, $0x1;
	s10 =	sld [smem:$0x3FBA];
	_ =	sdelay $0x3  }
0x37: {  	[smem:$0x3FBA] =	sst s10  }
0x38: {  	s10 =	sld [smem:$0x3FBB]  }
0x39: {  	_ = 	snop;
	(pc) =	sbr.ind lr, $3  }
0x3a: {  	_ = 	snop  }
0x3b: {  	_ = 	snop  }
0x3c: {  	p2 =	seq.s32 s10, $0x1;
	s10 =	sld [smem:$0x3FBA]  }
0x3d: {  	_ =	shalt  }
0x3e: {  	_ =	shalt  }
0x3f: {  	_ =	shalt  }
0x40: {  	_ =	shalt  }
0x41: {  	_ =	shalt  }
0x42: {  	_ =	shalt  }
0x43: {  	_ =	shalt  }
0x44: {  	_ =	shalt  }
0x45: {  	_ =	shalt  }
0x46: {  	_ =	shalt  }
0x47: {  	_ =	shalt  }
0x48: {  	_ =	shalt  }
0x49: {  	_ =	shalt  }
0x4a: {  	_ =	shalt  }
0x4b: {  	_ =	shalt  }
0x4c: {  	_ =	shalt  }
0x4d: {  	_ =	shalt  }
0x4e: {  	_ =	shalt  }
0x4f: {  	_ =	shalt  }
0x50: {  	_ =	shalt  }
0x51: {  	_ =	shalt  }
0x52: {  	_ =	shalt  }
0x53: {  	_ =	shalt  }
0x54: {  	_ =	shalt  }
0x55: {  	_ =	shalt  }
0x56: {  	_ =	shalt  }
0x57: {  	_ =	shalt  }
0x58: {  	_ =	shalt  }
0x59: {  	_ =	shalt  }
0x5a: {  	_ =	shalt  }
0x5b: {  	_ =	shalt  }
0x5c: {  	_ =	shalt  }
0x5d: {  	_ =	shalt  }
0x5e: {  	_ =	shalt  }
0x5f: {  	_ =	shalt  }
0x60: {  	_ =	shalt  }
0x61: {  	_ =	shalt  }
0x62: {  	_ =	shalt  }
0x63: {  	_ =	shalt  }
0x64: {  	_ =	shalt  }
0x65: {  	_ =	shalt  }
0x66: {  	_ =	shalt  }
0x67: {  	_ =	shalt  }
0x68: {  	_ =	shalt  }
0x69: {  	_ =	shalt  }
0x6a: {  	_ =	shalt  }
0x6b: {  	_ =	shalt  }
0x6c: {  	_ =	shalt  }
0x6d: {  	_ =	shalt  }
0x6e: {  	_ =	shalt  }
0x6f: {  	_ =	shalt  }
0x70: {  	_ =	shalt  }
0x71: {  	_ =	shalt  }
0x72: {  	_ =	shalt  }
0x73: {  	_ =	shalt  }
0x74: {  	_ =	shalt  }
0x75: {  	_ =	shalt  }
0x76: {  	_ =	shalt  }
0x77: {  	_ =	shalt  }
0x78: {  	_ =	shalt  }
0x79: {  	_ =	shalt  }
0x7a: {  	_ =	shalt  }
0x7b: {  	_ =	shalt  }
0x7c: {  	_ =	shalt  }
0x7d: {  	_ =	shalt  }
0x7e: {  	_ =	shalt  }
0x7f: {  	_ =	shalt  }
0x80: {  	_ =	shalt  }
0x81: {  	_ =	shalt  }
0x82: {  	_ =	shalt  }
0x83: {  	_ =	shalt  }
0x84: {  	_ =	shalt  }
0x85: {  	_ =	shalt  }
0x86: {  	_ =	shalt  }
0x87: {  	_ =	shalt  }
.Lfunc_end0:
.L_simem_size_0:
called_computation_lowered:
.L_overlay_start_0:
0x88: {  	s2 =	sld [smem:$0x3FD9]  }
0x89: {  	s3 =	sld [smem:$0x3FFE];
	_ =	sdelay $0x1  }
0x8a: {  	s1 =	srdreg.scid  }
0x8b: {  	s0 =	sand.u32 $0x1, s1  }
0x8c: {  	s17 =	sshll.u32 s0, $0xA;
	s2 =	sadd.s32 s3, s2  }
0x8d: {  	s2 =	sadd.s32 s2, s17  }
0x8e: {  	[smem:$0x3FC6] =	sst s2  }
0x8f: {  	_ = 	snop  }
0x90: {  	s2 =	sld [smem:$0x3FD0];
	(tm) =	ssettm $0x1  }
0x91: {  	s18 =	sld [smem:$0x3FFB];
	_ =	sdelay $0x3  }
0x92: {  	_ =	strace s18  }
0x93: {  	s3 =	sld [smem:$0x3FFC];
	_ =	sdelay $0x3  }
0x94: {  	_ =	strace s3  }
0x95: {  	s3 =	sld [smem:$0x3FFD];
	_ =	sdelay $0x3  }
0x96: {  	_ =	strace s3  }
0x97: {  	_ =	strace $0x8FFFFFFF  }
0x98: {  	s19 =	sld [smem:$0x3FDB];
	_ =	sdelay $0x1  }
0x99: {  	s4 =	simm.s32 $_scs_section_size  }
0x9a: {  	s5 =	simm.s32 $_size__tile_overlayer_lowered;
	s6 =	simm.s32 $_tile_overlayer_lowered  }
0x9b: {  	s22 =	simm.s32 $0x1BFF;
	s21 =	sshll.u32 s6, $0x1;
	s3 =	sadd.s32 s4, s19  }
0x9c: {  	s7 =	simm.s32 $0x0;
	s20 =	sshll.u32 s5, $0x1;
	s5 =	sadd.s32 s21, s3  }
0x9d: {  	[timem:s7], [sflag:s22] =	dma.local [hbm:s5], s20  }
0x9e: {  	_ =	swait.ge [sflag:s22], s20  }
0x9f: {  	s4 =	ssub.s32 $0x0, s20;
	[sflag:s22] =	ssyncset.done $0x0  }
0xa0: {  	[sflag:s22] =	ssyncadd.s32 s4;
	_ =	sdelay $0x1  }
0xa1: {  	s23 =	simm.s32 $0x1B8B  }
0xa2: {  	_ =	swait.ge [sflag:s23], $0x1  }
0xa3: {  	[sflag:s23] =	ssyncset.done $0x0  }
0xa4: {  	s25 =	simm.s32 $0x1B8E;
	s24 =	sld [smem:$0x3FFE];
	[sflag:s23] =	ssyncadd.s32 $0xFFFFFFFF  }
0xa5: {  	s26 =	simm.s32 $execute0_lowered;
	[smem:$0x3FD2] =	sst s25  }
0xa6: {  	s5 =	sshll.u32 s26, $0x1;
	_ =	strace $0x80000046;
	[dreg:$0x1] =	wrdreg $0xFFFFFFFF  }
0xa7: {  	s28 =	simm.s32 $_size_execute0_lowered;
	s3 =	sadd.s32 s3, s5;
	[dreg:$0x0] =	wrdreg $0x0  }
0xa8: {  	s5 =	sshll.u32 s28, $0x1;
	[dreg:$0x2] =	wrdreg s3  }
0xa9: {  	[dreg:$0x3] =	wrdreg s5  }
0xaa: {  	[dreg:$0x4] =	wrdreg $0xC0  }
0xab: {  	_ =	task [dreg:s7], $0x5FFFF  }
0xac: {  	[dreg:$0x1] =	wrdreg $0xFFFFFFFF  }
0xad: {  	[dreg:$0x0] =	wrdreg $0x60  }
0xae: {  	[dreg:$0x2] =	wrdreg s2  }
0xaf: {  	[dreg:$0x3] =	wrdreg s24  }
0xb0: {  	[dreg:$0x4] =	wrdreg $0x9  }
0xb1: {  	_ =	task.clear_ibuf [dreg:s7], $0x5FFFF;
	_ =	strace $0x90000046  }
0xb2: {  	s29 =	simm.s32 $0x9;
	_ =	strace $0x80000048  }
0xb3: {  	_ =	swait.ge [sflag:s29], $0x1  }
0xb4: {  	[sflag:s29] =	ssyncadd.s32 $0xFFFFFFFF  }
0xb5: {  	_ =	strace $0x90000048  }
0xb6: {  	_ =	sfence  }
0xb7: {  	s30 =	sld [smem:$0x0];
	_ =	sdelay $0x2  }
0xb8: {  	s31 =	sshll.u32 s1, $0xD;
	s1 =	sshrl.u32 s1, $0x2  }
0xb9: {  	s3 =	sand.u32 $0x4000, s31;
	s1 =	sadd.s32 s1, s30  }
0xba: {  	s0 =	sor.u32 s3, s0;
	s1 =	sshll.u32 s1, $0x11  }
0xbb: {  	s0 =	sor.u32 s1, s0  }
0xbc: {  	s0 =	sadd.s32 $0x8F2B, s0  }
0xbd: {  	[sflag:s0] =	ssyncadd.remote.s32 $0x1  }
0xbe: {  	_ =	sfence.sel $0xFFFF  }
0xbf: {  	[dreg:$0x0] =	wrdreg $0xFFFFFFFF;
	(pc) =	sbr.abs _section_cstart, $3  }
0xc0: {  	[dreg:$0x1] =	wrdreg $0xFFFFFFFF  }
0xc1: {  	_ =	task.clear_ibuf [dreg:s7], $0x2FFFF;
	_ =	strace $0x9FFFFFFF  }
0xc2: {  	(tm) =	ssettm $0x7FFFFFFF  }
0xc3: {  	_ =	shalt  }
tec
execute0_lowered:
.L_overlay_start_1:
0x0: {  	(tag) =	ssettag $0x1  }
0x1: {  	s2 =	rddreg [dreg:$0x0]  }
0x2: {  	s0 =	rddreg [dreg:$0x1];
	s1 =	srdreg.scid  }
0x3: {  	s4 =	stileid.u32;
	s3 =	simm.s32 $0x0;
	s11 =	simm.s32 $0x3  }
0x4: {  	s14 =	simm.s32 $0x2000;
	s20 =	simm.s32 $0x1;
	s21 =	simm.s32 $0x400  }
0x5: {  	s22 =	simm.s32 $0x1D000;
	s23 =	simm.s32 $0x1E800;
	s24 =	simm.s32 $0x1E900  }
0x6: {  	s28 =	simm.s32 $0x1EC00;
	s29 =	simm.s32 $0x1ED00;
	s30 =	simm.s32 $0x1EE00  }
0x7: {  	s31 =	simm.s32 $0x1EF00;
	s1 =	sand.u32 $0x1, s1;
	s4 =	sshll.u32 s4, $0x1  }
0x8: {  	v0 =	vimm.s32 $0xFEDCBA98;
	[smem:$0x7FF] =	sst s3;
	s8 =	sadd.s32 $0x200, s2;
	s9 =	sadd.s32 $0x300, s2  }
0x9: {  	v1 =	vimm.s32 $0x76543210;
	v3 =	vunpack.c.l.s4.s8 v0;
	s5 =	sor.u32 s1, s4;
	s1 =	ssub.s32 $0x2, s1;
	_ =	strace $0x80000047  }
0xa: {  	v2 =	vlaneseq.u32;
	vm0 =	vmmov $0xffff;
	v5 =	vunpack.c.l.s4.s8 v1;
	s4 =	sshll.u32 s5, $0x9;
	s6 =	sshrl.u32 s1, $0x1;
	s5 =	sshll.u32 s5, $0x5  }
0xb: {  	vm1 =	vcmask $0x2720;
	v4 =	vshrl.u32 v2, $0x3;
	v3 =	vunpack.c.0.s8.s32 v3;
	s7 =	sadd.s32 s4, s0;
	s4 =	sadd.s32 $0x4400, s0;
	s25 =	ssub.s32 s1, s6  }
0xc: {  	vm2 =	vcmask $0x700;
	v1 =	vmul.u32 $0x8, v4;
	v4 =	vunpack.c.0.s8.s32 v5;
	s1 =	simm.s32 $0x0;
	s26 =	sadd.s32 $0x400, s7;
	s7 =	sadd.s32 $0x100, s2  }
0xd: {  	v0 =	vand.u32 $0x7, v2;
	v2 =	vor.u32 $0x8, v2;
	s0 =	smax.u32 s25, $0x1;
	s25 =	simm.s32 $0x1EA00;
	v3 =	vand.u32 $0xF, v3;
	[dreg:$0x3] =	wrdreg s26  }
0xe: {  	vm1 =	vmor vm2, vm1;
	vm2 =	vmmov $0xff;
	[dreg:$0x4] =	wrdreg s0;
	s26 =	simm.s32 $0x1EB00;
	v3 =	vcombine.low v3, v4;
	s0 =	simm.s32 $0x2  }
.LBB2_1:
0xf: {  	s6 =	rddreg [dreg:$0x3]  }
0x10: {  	[tilespmem:s3], [sflag:$0x3] =	stream.linear.gather [hbm4b:s6+s3], $0x1000, $0x38;
	[tilespmem:$0x1F000] =	vst v63  }
0x11: {  	_ =	swait.ge [sflag:s11], $0x1000  }
0x12: {  	[sflag:s11] =	ssyncset.done $0x0  }
0x13: {  	[sflag:s11] =	ssyncadd.s32 $0xFFFFF000  }
0x14: {  	v4 =	vld [tilespmem:$0x0];
	_ =	sdelay $0x4  }
0x15: {  	v5 =	vshll.u32 v4, $0x3  }
0x16: {  	v4 =	vand.u32 $0x7, v4;
	v5 =	vand.u32 $0xFFFFFFC0, v5  }
0x17: {  	v4 =	vor.u32 v4, v5  }
0x18: {  	v5 =	vperm.xlane v4, v0;
	_ =	sdelay $0x1  }
0x19: {  	v5 =	vadd.s32 v1, v5;
	_ =	sdelay $0x3  }
0x1a: {  	s17 =	simm.s32 $0x1000  }
0x1b: {  	[tilespmem:s17], [sflag:$0x1] =	stream.indirect_vreg.gather [hbm4b:s2+s3], $0x80, v5, vm0, $0xb8;
	[tilespmem:$0x1F000] =	vst v63  }
0x1c: {  	s18 =	simm.s32 $0x1800;
	v4 =	vperm.xlane v4, v2  }
0x1d: {  	[tilespmem:s18], [sflag:$0x1] =	stream.indirect_vreg.gather [hbm4b:s7+s3], $0x80, v5, vm0, $0xb8;
	[tilespmem:$0x1F000] =	vst v63  }
0x1e: {  	v4 =	vadd.s32 v1, v4  }
0x1f: {  	[tilespmem:s14], [sflag:$0x1] =	stream.indirect_vreg.gather [hbm4b:s8+s3], $0x80, v5, vm0, $0xb8;
	[tilespmem:$0x1F000] =	vst v63  }
0x20: {  	s19 =	simm.s32 $0x2800  }
0x21: {  	[tilespmem:s19], [sflag:$0x1] =	stream.indirect_vreg.gather [hbm4b:s9+s3], $0x80, v5, vm0, $0xb8;
	[tilespmem:$0x1F000] =	vst v63  }
0x22: {  	s10 =	simm.s32 $0x3000  }
0x23: {  	[tilespmem:s10], [sflag:$0x1] =	stream.indirect_vreg.gather [hbm4b:s2+s3], $0x80, v4, vm0, $0xb8;
	[tilespmem:$0x1F000] =	vst v63  }
0x24: {  	s12 =	simm.s32 $0x3800  }
0x25: {  	[tilespmem:s12], [sflag:$0x1] =	stream.indirect_vreg.gather [hbm4b:s7+s3], $0x80, v4, vm0, $0xb8;
	[tilespmem:$0x1F000] =	vst v63  }
0x26: {  	s13 =	simm.s32 $0x4000  }
0x27: {  	[tilespmem:s13], [sflag:$0x1] =	stream.indirect_vreg.gather [hbm4b:s8+s3], $0x80, v4, vm0, $0xb8;
	[tilespmem:$0x1F000] =	vst v63  }
0x28: {  	s15 =	simm.s32 $0x4800  }
0x29: {  	[tilespmem:s15], [sflag:$0x1] =	stream.indirect_vreg.gather [hbm4b:s9+s3], $0x80, v4, vm0, $0xb8;
	[tilespmem:$0x1F000] =	vst v63  }
0x2a: {  	v4 =	vld [tilespmem:$0x10];
	_ =	sdelay $0x4  }
0x2b: {  	v5 =	vshll.u32 v4, $0x3  }
0x2c: {  	v4 =	vand.u32 $0x7, v4;
	v5 =	vand.u32 $0xFFFFFFC0, v5  }
0x2d: {  	v4 =	vor.u32 v4, v5  }
0x2e: {  	v5 =	vperm.xlane v4, v0;
	_ =	sdelay $0x1  }
0x2f: {  	v5 =	vadd.s32 v1, v5;
	_ =	sdelay $0x3  }
0x30: {  	s16 =	simm.s32 $0x5000  }
0x31: {  	[tilespmem:s16], [sflag:$0x1] =	stream.indirect_vreg.gather [hbm4b:s2+s3], $0x80, v5, vm0, $0xb8;
	[tilespmem:$0x1F000] =	vst v63  }
0x32: {  	s17 =	simm.s32 $0x5800;
	v4 =	vperm.xlane v4, v2  }
0x33: {  	[tilespmem:s17], [sflag:$0x1] =	stream.indirect_vreg.gather [hbm4b:s7+s3], $0x80, v5, vm0, $0xb8;
	[tilespmem:$0x1F000] =	vst v63  }
0x34: {  	s18 =	simm.s32 $0x6000;
	v4 =	vadd.s32 v1, v4  }
0x35: {  	[tilespmem:s18], [sflag:$0x1] =	stream.indirect_vreg.gather [hbm4b:s8+s3], $0x80, v5, vm0, $0xb8;
	[tilespmem:$0x1F000] =	vst v63  }
0x36: {  	s19 =	simm.s32 $0x6800  }
0x37: {  	[tilespmem:s19], [sflag:$0x1] =	stream.indirect_vreg.gather [hbm4b:s9+s3], $0x80, v5, vm0, $0xb8;
	[tilespmem:$0x1F000] =	vst v63  }
0x38: {  	s10 =	simm.s32 $0x7000  }
0x39: {  	[tilespmem:s10], [sflag:$0x1] =	stream.indirect_vreg.gather [hbm4b:s2+s3], $0x80, v4, vm0, $0xb8;
	[tilespmem:$0x1F000] =	vst v63  }
0x3a: {  	s12 =	simm.s32 $0x7800  }
0x3b: {  	[tilespmem:s12], [sflag:$0x1] =	stream.indirect_vreg.gather [hbm4b:s7+s3], $0x80, v4, vm0, $0xb8;
	[tilespmem:$0x1F000] =	vst v63  }
0x3c: {  	s13 =	simm.s32 $0x8000  }
0x3d: {  	[tilespmem:s13], [sflag:$0x1] =	stream.indirect_vreg.gather [hbm4b:s8+s3], $0x80, v4, vm0, $0xb8;
	[tilespmem:$0x1F000] =	vst v63  }
0x3e: {  	s15 =	simm.s32 $0x8800  }
0x3f: {  	[tilespmem:s15], [sflag:$0x1] =	stream.indirect_vreg.gather [hbm4b:s9+s3], $0x80, v4, vm0, $0xb8;
	[tilespmem:$0x1F000] =	vst v63  }
0x40: {  	v4 =	vld [tilespmem:$0x20];
	_ =	sdelay $0x4  }
0x41: {  	v5 =	vshll.u32 v4, $0x3  }
0x42: {  	v4 =	vand.u32 $0x7, v4;
	v5 =	vand.u32 $0xFFFFFFC0, v5  }
0x43: {  	v4 =	vor.u32 v4, v5  }
0x44: {  	v5 =	vperm.xlane v4, v0;
	_ =	sdelay $0x1  }
0x45: {  	v5 =	vadd.s32 v1, v5;
	_ =	sdelay $0x3  }
0x46: {  	s16 =	simm.s32 $0x9000  }
0x47: {  	[tilespmem:s16], [sflag:$0x1] =	stream.indirect_vreg.gather [hbm4b:s2+s3], $0x80, v5, vm0, $0xb8;
	[tilespmem:$0x1F000] =	vst v63  }
0x48: {  	s17 =	simm.s32 $0x9800;
	v4 =	vperm.xlane v4, v2  }
0x49: {  	[tilespmem:s17], [sflag:$0x1] =	stream.indirect_vreg.gather [hbm4b:s7+s3], $0x80, v5, vm0, $0xb8;
	[tilespmem:$0x1F000] =	vst v63  }
0x4a: {  	s18 =	simm.s32 $0xA000;
	v4 =	vadd.s32 v1, v4  }
0x4b: {  	[tilespmem:s18], [sflag:$0x1] =	stream.indirect_vreg.gather [hbm4b:s8+s3], $0x80, v5, vm0, $0xb8;
	[tilespmem:$0x1F000] =	vst v63  }
0x4c: {  	s19 =	simm.s32 $0xA800  }
0x4d: {  	[tilespmem:s19], [sflag:$0x1] =	stream.indirect_vreg.gather [hbm4b:s9+s3], $0x80, v5, vm0, $0xb8;
	[tilespmem:$0x1F000] =	vst v63  }
0x4e: {  	s10 =	simm.s32 $0xB000  }
0x4f: {  	[tilespmem:s10], [sflag:$0x1] =	stream.indirect_vreg.gather [hbm4b:s2+s3], $0x80, v4, vm0, $0xb8;
	[tilespmem:$0x1F000] =	vst v63  }
0x50: {  	s12 =	simm.s32 $0xB800  }
0x51: {  	[tilespmem:s12], [sflag:$0x1] =	stream.indirect_vreg.gather [hbm4b:s7+s3], $0x80, v4, vm0, $0xb8;
	[tilespmem:$0x1F000] =	vst v63  }
0x52: {  	s13 =	simm.s32 $0xC000  }
0x53: {  	[tilespmem:s13], [sflag:$0x1] =	stream.indirect_vreg.gather [hbm4b:s8+s3], $0x80, v4, vm0, $0xb8;
	[tilespmem:$0x1F000] =	vst v63  }
0x54: {  	s15 =	simm.s32 $0xC800  }
0x55: {  	[tilespmem:s15], [sflag:$0x1] =	stream.indirect_vreg.gather [hbm4b:s9+s3], $0x80, v4, vm0, $0xb8;
	[tilespmem:$0x1F000] =	vst v63  }
0x56: {  	v4 =	vld.msk [tilespmem:$0x30], $0x3;
	_ =	sdelay $0x4  }
0x57: {  	v5 =	vshll.u32 v4, $0x3  }
0x58: {  	v4 =	vand.u32 $0x7, v4;
	v5 =	vand.u32 $0xFFFFFFC0, v5  }
0x59: {  	v4 =	vor.u32 v4, v5  }
0x5a: {  	v4 =	vperm.xlane v4, v0;
	_ =	sdelay $0x1  }
0x5b: {  	v4 =	vadd.s32 v1, v4;
	_ =	sdelay $0x3  }
0x5c: {  	s16 =	simm.s32 $0xD000  }
0x5d: {  	[tilespmem:s16], [sflag:$0x1] =	stream.indirect_vreg.gather [hbm4b:s2+s3], $0x80, v4, vm1, $0xb8;
	[tilespmem:$0x1F000] =	vst v63  }
0x5e: {  	s17 =	simm.s32 $0xD800  }
0x5f: {  	[tilespmem:s17], [sflag:$0x1] =	stream.indirect_vreg.gather [hbm4b:s7+s3], $0x80, v4, vm1, $0xb8;
	[tilespmem:$0x1F000] =	vst v63  }
0x60: {  	s18 =	simm.s32 $0xE000  }
0x61: {  	[tilespmem:s18], [sflag:$0x1] =	stream.indirect_vreg.gather [hbm4b:s8+s3], $0x80, v4, vm1, $0xb8;
	[tilespmem:$0x1F000] =	vst v63  }
0x62: {  	s19 =	simm.s32 $0xE800;
	s15 =	simm.s32 $0x0  }
0x63: {  	[tilespmem:s19], [sflag:$0x1] =	stream.indirect_vreg.gather [hbm4b:s9+s3], $0x80, v4, vm1, $0xb8;
	[tilespmem:$0x1F000] =	vst v63  }
.LBB2_2:
0x64: {  	p0 =	seq.s32 s15, $0x0  }
0x65: {  	s6 =	simm.s32 @!p0 $0x2  }
0x66: {  	_ =	swait.ge @!p0 [sflag:s6], $0xA800  }
0x67: {  	[sflag:s6] =	ssyncset.done @!p0 $0x0  }
0x68: {  	[sflag:s6] =	ssyncadd.s32 @!p0 $0xFFFF5800  }
0x69: {  	_ =	swait.ge @!p0 [sflag:s6], $0x1800  }
0x6a: {  	[sflag:s6] =	ssyncset.done @!p0 $0x0  }
0x6b: {  	[sflag:s6] =	ssyncadd.s32 @!p0 $0xFFFFE800  }
0x6c: {  	_ =	swait.ge @!p0 [sflag:s6], $0x100  }
0x6d: {  	[sflag:s6] =	ssyncset.done @!p0 $0x0  }
0x6e: {  	[sflag:s6] =	ssyncadd.s32 @!p0 $0xFFFFFF00  }
0x6f: {  	_ =	swait.ge @!p0 [sflag:s6], $0x100  }
0x70: {  	[sflag:s6] =	ssyncset.done @!p0 $0x0  }
0x71: {  	[sflag:s6] =	ssyncadd.s32 @!p0 $0xFFFFFF00  }
0x72: {  	_ =	swait.ge @!p0 [sflag:s6], $0x100  }
0x73: {  	[sflag:s6] =	ssyncset.done @!p0 $0x0  }
0x74: {  	[sflag:s6] =	ssyncadd.s32 @!p0 $0xFFFFFF00  }
0x75: {  	_ =	swait.ge @!p0 [sflag:s6], $0x100  }
0x76: {  	[sflag:s6] =	ssyncset.done @!p0 $0x0  }
0x77: {  	[sflag:s6] =	ssyncadd.s32 @!p0 $0xFFFFFF00  }
0x78: {  	_ =	swait.ge @!p0 [sflag:s6], $0x100  }
0x79: {  	[sflag:s6] =	ssyncset.done @!p0 $0x0  }
0x7a: {  	[sflag:s6] =	ssyncadd.s32 @!p0 $0xFFFFFF00  }
0x7b: {  	_ =	swait.ge @!p0 [sflag:s6], $0x100  }
0x7c: {  	[sflag:s6] =	ssyncset.done @!p0 $0x0  }
0x7d: {  	p1 =	seq.s32 @!p0 s15, $0x1F;
	[sflag:s6] =	ssyncadd.s32 @!p0 $0xFFFFFF00  }
0x7e: {  	p1 =	por p0, !p1;
	_ =	swait.ge @!p0 [sflag:s6], $0x100  }
.Ltmp0:
0x7f: {  	[sflag:s6] =	ssyncset.done @!p0 $0x0;
	(pc) =	sbr.rel @!p1 .LBB2_4-.Ltmp0, $4  }
0x80: {  	[sflag:s6] =	ssyncadd.s32 @!p0 $0xFFFFFF00  }
0x81: {  	_ =	swait.ge @!p0 [sflag:s6], $0x100  }
0x82: {  	[sflag:s6] =	ssyncset.done @!p0 $0x0  }
0x83: {  	s12 =	sadd.s32 $0x1, s15;
	[sflag:s6] =	ssyncadd.s32 @!p0 $0xFFFFFF00  }
0x84: {  	s6 =	sshll.u32 s12, $0x7  }
0x85: {  	s16 =	sand.u32 $0x3FFFFF80, s6  }
0x86: {  	v4 =	vld [tilespmem:s16+$0x0];
	_ =	sdelay $0x4  }
0x87: {  	v5 =	vshll.u32 v4, $0x3  }
0x88: {  	v4 =	vand.u32 $0x7, v4;
	v5 =	vand.u32 $0xFFFFFFC0, v5  }
0x89: {  	v4 =	vor.u32 v4, v5  }
0x8a: {  	v5 =	vperm.xlane v4, v0;
	_ =	sdelay $0x1  }
0x8b: {  	v5 =	vadd.s32 v1, v5  }
0x8c: {  	s19 =	sand.u32 $0x1, s12  }
0x8d: {  	s13 =	simm.s32 $0xE000;
	p0 =	seq.s32 s19, $0x1  }
0x8e: {  	s13 =	simm.s32 @!p0 $0x0  }
0x8f: {  	s10 =	sor.u32 $0x1000, s13  }
0x90: {  	[tilespmem:s10], [sflag:$0x1] =	stream.indirect_vreg.gather [hbm4b:s2+s3], $0x80, v5, vm0, $0xb8;
	[tilespmem:$0x1F000] =	vst v63  }
0x91: {  	s17 =	sor.u32 $0x1800, s13;
	v4 =	vperm.xlane v4, v2  }
0x92: {  	[tilespmem:s17], [sflag:$0x1] =	stream.indirect_vreg.gather [hbm4b:s7+s3], $0x80, v5, vm0, $0xb8;
	[tilespmem:$0x1F000] =	vst v63  }
0x93: {  	s18 =	sadd.s32 $0x2000, s13;
	v4 =	vadd.s32 v1, v4  }
0x94: {  	[tilespmem:s18], [sflag:$0x1] =	stream.indirect_vreg.gather [hbm4b:s8+s3], $0x80, v5, vm0, $0xb8;
	[tilespmem:$0x1F000] =	vst v63  }
0x95: {  	s19 =	sadd.s32 $0x2800, s13  }
0x96: {  	[tilespmem:s19], [sflag:$0x1] =	stream.indirect_vreg.gather [hbm4b:s9+s3], $0x80, v5, vm0, $0xb8;
	[tilespmem:$0x1F000] =	vst v63  }
0x97: {  	s10 =	sadd.s32 $0x3000, s13  }
0x98: {  	[tilespmem:s10], [sflag:$0x1] =	stream.indirect_vreg.gather [hbm4b:s2+s3], $0x80, v4, vm0, $0xb8;
	[tilespmem:$0x1F000] =	vst v63  }
0x99: {  	s17 =	sadd.s32 $0x3800, s13  }
0x9a: {  	[tilespmem:s17], [sflag:$0x1] =	stream.indirect_vreg.gather [hbm4b:s7+s3], $0x80, v4, vm0, $0xb8;
	[tilespmem:$0x1F000] =	vst v63  }
0x9b: {  	s18 =	sadd.s32 $0x4000, s13  }
0x9c: {  	[tilespmem:s18], [sflag:$0x1] =	stream.indirect_vreg.gather [hbm4b:s8+s3], $0x80, v4, vm0, $0xb8;
	[tilespmem:$0x1F000] =	vst v63  }
0x9d: {  	s19 =	sadd.s32 $0x4800, s13  }
0x9e: {  	[tilespmem:s19], [sflag:$0x1] =	stream.indirect_vreg.gather [hbm4b:s9+s3], $0x80, v4, vm0, $0xb8;
	[tilespmem:$0x1F000] =	vst v63  }
0x9f: {  	v4 =	vld [tilespmem:s16+$0x10];
	_ =	sdelay $0x4  }
0xa0: {  	v5 =	vshll.u32 v4, $0x3  }
0xa1: {  	v4 =	vand.u32 $0x7, v4;
	v5 =	vand.u32 $0xFFFFFFC0, v5  }
0xa2: {  	v4 =	vor.u32 v4, v5  }
0xa3: {  	v5 =	vperm.xlane v4, v0;
	_ =	sdelay $0x1  }
0xa4: {  	v5 =	vadd.s32 v1, v5;
	_ =	sdelay $0x3  }
0xa5: {  	s10 =	sadd.s32 $0x5000, s13  }
0xa6: {  	[tilespmem:s10], [sflag:$0x1] =	stream.indirect_vreg.gather [hbm4b:s2+s3], $0x80, v5, vm0, $0xb8;
	[tilespmem:$0x1F000] =	vst v63  }
0xa7: {  	s17 =	sadd.s32 $0x5800, s13;
	v4 =	vperm.xlane v4, v2  }
0xa8: {  	[tilespmem:s17], [sflag:$0x1] =	stream.indirect_vreg.gather [hbm4b:s7+s3], $0x80, v5, vm0, $0xb8;
	[tilespmem:$0x1F000] =	vst v63  }
0xa9: {  	s18 =	sadd.s32 $0x6000, s13;
	v4 =	vadd.s32 v1, v4  }
0xaa: {  	[tilespmem:s18], [sflag:$0x1] =	stream.indirect_vreg.gather [hbm4b:s8+s3], $0x80, v5, vm0, $0xb8;
	[tilespmem:$0x1F000] =	vst v63  }
0xab: {  	s19 =	sadd.s32 $0x6800, s13  }
0xac: {  	[tilespmem:s19], [sflag:$0x1] =	stream.indirect_vreg.gather [hbm4b:s9+s3], $0x80, v5, vm0, $0xb8;
	[tilespmem:$0x1F000] =	vst v63  }
0xad: {  	s10 =	sadd.s32 $0x7000, s13  }
0xae: {  	[tilespmem:s10], [sflag:$0x1] =	stream.indirect_vreg.gather [hbm4b:s2+s3], $0x80, v4, vm0, $0xb8;
	[tilespmem:$0x1F000] =	vst v63  }
0xaf: {  	s17 =	sadd.s32 $0x7800, s13  }
0xb0: {  	[tilespmem:s17], [sflag:$0x1] =	stream.indirect_vreg.gather [hbm4b:s7+s3], $0x80, v4, vm0, $0xb8;
	[tilespmem:$0x1F000] =	vst v63  }
0xb1: {  	s18 =	sadd.s32 $0x8000, s13  }
0xb2: {  	[tilespmem:s18], [sflag:$0x1] =	stream.indirect_vreg.gather [hbm4b:s8+s3], $0x80, v4, vm0, $0xb8;
	[tilespmem:$0x1F000] =	vst v63  }
0xb3: {  	s19 =	sadd.s32 $0x8800, s13  }
0xb4: {  	[tilespmem:s19], [sflag:$0x1] =	stream.indirect_vreg.gather [hbm4b:s9+s3], $0x80, v4, vm0, $0xb8;
	[tilespmem:$0x1F000] =	vst v63  }
0xb5: {  	v4 =	vld [tilespmem:s16+$0x20];
	_ =	sdelay $0x4  }
0xb6: {  	v5 =	vshll.u32 v4, $0x3  }
0xb7: {  	v4 =	vand.u32 $0x7, v4;
	v5 =	vand.u32 $0xFFFFFFC0, v5  }
0xb8: {  	v4 =	vor.u32 v4, v5  }
0xb9: {  	v5 =	vperm.xlane v4, v0;
	_ =	sdelay $0x1  }
0xba: {  	v5 =	vadd.s32 v1, v5;
	_ =	sdelay $0x3  }
0xbb: {  	s10 =	sadd.s32 $0x9000, s13  }
0xbc: {  	[tilespmem:s10], [sflag:$0x1] =	stream.indirect_vreg.gather [hbm4b:s2+s3], $0x80, v5, vm0, $0xb8;
	[tilespmem:$0x1F000] =	vst v63  }
0xbd: {  	s17 =	sadd.s32 $0x9800, s13;
	v4 =	vperm.xlane v4, v2  }
0xbe: {  	[tilespmem:s17], [sflag:$0x1] =	stream.indirect_vreg.gather [hbm4b:s7+s3], $0x80, v5, vm0, $0xb8;
	[tilespmem:$0x1F000] =	vst v63  }
0xbf: {  	s18 =	sadd.s32 $0xA000, s13;
	v4 =	vadd.s32 v1, v4  }
0xc0: {  	[tilespmem:s18], [sflag:$0x1] =	stream.indirect_vreg.gather [hbm4b:s8+s3], $0x80, v5, vm0, $0xb8;
	[tilespmem:$0x1F000] =	vst v63  }
0xc1: {  	s19 =	sadd.s32 $0xA800, s13  }
0xc2: {  	[tilespmem:s19], [sflag:$0x1] =	stream.indirect_vreg.gather [hbm4b:s9+s3], $0x80, v5, vm0, $0xb8;
	[tilespmem:$0x1F000] =	vst v63  }
0xc3: {  	s10 =	sadd.s32 $0xB000, s13  }
0xc4: {  	[tilespmem:s10], [sflag:$0x1] =	stream.indirect_vreg.gather [hbm4b:s2+s3], $0x80, v4, vm0, $0xb8;
	[tilespmem:$0x1F000] =	vst v63  }
0xc5: {  	s17 =	sadd.s32 $0xB800, s13  }
0xc6: {  	[tilespmem:s17], [sflag:$0x1] =	stream.indirect_vreg.gather [hbm4b:s7+s3], $0x80, v4, vm0, $0xb8;
	[tilespmem:$0x1F000] =	vst v63  }
0xc7: {  	s18 =	sadd.s32 $0xC000, s13  }
0xc8: {  	[tilespmem:s18], [sflag:$0x1] =	stream.indirect_vreg.gather [hbm4b:s8+s3], $0x80, v4, vm0, $0xb8;
	[tilespmem:$0x1F000] =	vst v63  }
0xc9: {  	s19 =	sadd.s32 $0xC800, s13;
	s10 =	sor.u32 $0x30, s16  }
0xca: {  	[tilespmem:s19], [sflag:$0x1] =	stream.indirect_vreg.gather [hbm4b:s9+s3], $0x80, v4, vm0, $0xb8;
	[tilespmem:$0x1F000] =	vst v63  }
0xcb: {  	v4 =	vld.msk [tilespmem:s10+$0x0], $0x3;
	_ =	sdelay $0x4  }
0xcc: {  	v5 =	vshll.u32 v4, $0x3  }
0xcd: {  	v4 =	vand.u32 $0x7, v4;
	v5 =	vand.u32 $0xFFFFFFC0, v5  }
0xce: {  	v4 =	vor.u32 v4, v5  }
0xcf: {  	v4 =	vperm.xlane v4, v0;
	_ =	sdelay $0x1  }
0xd0: {  	v4 =	vadd.s32 v1, v4;
	_ =	sdelay $0x3  }
0xd1: {  	s16 =	sadd.s32 $0xD000, s13  }
0xd2: {  	[tilespmem:s16], [sflag:$0x1] =	stream.indirect_vreg.gather [hbm4b:s2+s3], $0x80, v4, vm1, $0xb8;
	[tilespmem:$0x1F000] =	vst v63  }
0xd3: {  	s17 =	sadd.s32 $0xD800, s13  }
0xd4: {  	[tilespmem:s17], [sflag:$0x1] =	stream.indirect_vreg.gather [hbm4b:s7+s3], $0x80, v4, vm1, $0xb8;
	[tilespmem:$0x1F000] =	vst v63  }
0xd5: {  	s18 =	sadd.s32 $0xE000, s13  }
0xd6: {  	[tilespmem:s18], [sflag:$0x1] =	stream.indirect_vreg.gather [hbm4b:s8+s3], $0x80, v4, vm1, $0xb8;
	[tilespmem:$0x1F000] =	vst v63  }
0xd7: {  	s19 =	sadd.s32 $0xE800, s13  }
0xd8: {  	[tilespmem:s19], [sflag:$0x1] =	stream.indirect_vreg.gather [hbm4b:s9+s3], $0x80, v4, vm1, $0xb8;
	[tilespmem:$0x1F000] =	vst v63  }
.LBB2_4:
0xd9: {  	s6 =	sand.u32 $0x1, s15  }
0xda: {  	s13 =	simm.s32 $0xE000;
	p0 =	seq.s32 s6, $0x1  }
0xdb: {  	s18 =	simm.s32 $0x0;
	s13 =	simm.s32 @!p0 $0x0  }
0xdc: {  	_ =	swait.ge [sflag:s20], $0xC800;
	s17 =	sand.u32 $0xE000, s18;
	s16 =	sor.u32 $0x1000, s13  }
0xdd: {  	[sflag:s20] =	ssyncset.done $0x0;
	s6 =	sand.u32 $0x380, s18;
	s17 =	sadd.s32 s17, s16  }
0xde: {  	[sflag:s20] =	ssyncadd.s32 $0xFFFF3800;
	s6 =	sadd.s32 s6, s17  }
0xdf: {  	v4 =	vld [tilespmem:s6+$0x1C00];
	_ =	sdelay $0x3  }
0xe0: {  	s17 =	simm.s32 $0x1D030  }
0xe1: {  	[tilespmem:s17+$0xFFFFFFD0] =	vst v4  }
0xe2: {  	v4 =	vld [tilespmem:s6+$0x1C10];
	_ =	sdelay $0x4  }
0xe3: {  	[tilespmem:s17+$0xFFFFFFE0] =	vst v4  }
0xe4: {  	v4 =	vld [tilespmem:s6+$0x1C20];
	_ =	sdelay $0x4  }
0xe5: {  	[tilespmem:s17+$0xFFFFFFF0] =	vst v4  }
0xe6: {  	v4 =	vld [tilespmem:s6+$0x1C30];
	_ =	sdelay $0x4  }
0xe7: {  	[tilespmem:s17+$0x0] =	vst v4  }
0xe8: {  	v4 =	vld [tilespmem:s6+$0x1C40];
	_ =	sdelay $0x4  }
0xe9: {  	[tilespmem:s17+$0x10] =	vst v4  }
0xea: {  	v4 =	vld [tilespmem:s6+$0x1C50];
	_ =	sdelay $0x4  }
0xeb: {  	[tilespmem:s17+$0x20] =	vst v4  }
0xec: {  	v5 =	vld.msk [tilespmem:s6+$0x1C60], $0xff;
	_ =	sdelay $0x4  }
0xed: {  	s19 =	simm.s32 $0x400;
	v4 =	vperm.xlane v4, v3;
	v5 =	vperm.xlane v5, v3  }
0xee: {  	s18 =	simm.s32 $0x80;
	s6 =	sand.u32 $0xE000, s19;
	s19 =	simm.s32 $0x800  }
.LBB2_5:
0xef: {  	p0 =	sne.s32 s19, $0xBC00;
	s10 =	sand.u32 $0x380, s18;
	s6 =	sadd.s32 s6, s16;
	v4 =	vsel vm2, v4, v5  }
0xf0: {  	s6 =	sadd.s32 s10, s6;
	[tilespmem:s17+$0x28] =	vst v4  }
0xf1: {  	v4 =	vld [tilespmem:s6+$0x1C00];
	_ =	sdelay $0x3  }
0xf2: {  	s17 =	sadd.s32 $0x80, s17  }
0xf3: {  	[tilespmem:s17+$0xFFFFFFD0] =	vst v4  }
0xf4: {  	v4 =	vld [tilespmem:s6+$0x1C10];
	_ =	sdelay $0x4  }
0xf5: {  	[tilespmem:s17+$0xFFFFFFE0] =	vst v4  }
0xf6: {  	v4 =	vld [tilespmem:s6+$0x1C20];
	_ =	sdelay $0x4  }
0xf7: {  	[tilespmem:s17+$0xFFFFFFF0] =	vst v4  }
0xf8: {  	v4 =	vld [tilespmem:s6+$0x1C30];
	_ =	sdelay $0x4  }
0xf9: {  	[tilespmem:s17+$0x0] =	vst v4  }
0xfa: {  	v4 =	vld [tilespmem:s6+$0x1C40];
	_ =	sdelay $0x4  }
0xfb: {  	[tilespmem:s17+$0x10] =	vst v4  }
0xfc: {  	v4 =	vld [tilespmem:s6+$0x1C50];
	_ =	sdelay $0x4  }
0xfd: {  	[tilespmem:s17+$0x20] =	vst v4;
	v4 =	vperm.xlane v4, v3  }
0xfe: {  	v5 =	vld.msk [tilespmem:s6+$0x1C60], $0xff;
	_ =	sdelay $0x1  }
.Ltmp1:
0xff: {  	(pc) =	sbr.rel @p0 .LBB2_5-.Ltmp1, $3  }
0x100: {  	_ =	sdelay $0x1  }
0x101: {  	v5 =	vperm.xlane v5, v3  }
0x102: {  	s18 =	sadd.s32 $0x80, s18;
	s6 =	sand.u32 $0xE000, s19;
	s19 =	sadd.s32 $0x400, s19  }
0x103: {  	s10 =	sand.u32 $0x380, s18;
	s6 =	sadd.s32 s6, s16;
	v4 =	vsel vm2, v4, v5  }
0x104: {  	s6 =	sadd.s32 s10, s6;
	[tilespmem:s17+$0x28] =	vst v4  }
0x105: {  	v4 =	vld [tilespmem:s6+$0x1C00];
	_ =	sdelay $0x3  }
0x106: {  	s19 =	sadd.s32 $0x80, s17  }
0x107: {  	[tilespmem:s19+$0xFFFFFFD0] =	vst v4  }
0x108: {  	v4 =	vld [tilespmem:s6+$0x1C10];
	_ =	sdelay $0x4  }
0x109: {  	[tilespmem:s19+$0xFFFFFFE0] =	vst v4  }
0x10a: {  	v4 =	vld [tilespmem:s6+$0x1C20];
	_ =	sdelay $0x4  }
0x10b: {  	[tilespmem:s19+$0xFFFFFFF0] =	vst v4  }
0x10c: {  	v4 =	vld [tilespmem:s6+$0x1C30];
	_ =	sdelay $0x4  }
0x10d: {  	[tilespmem:s19+$0x0] =	vst v4  }
0x10e: {  	v4 =	vld [tilespmem:s6+$0x1C40];
	_ =	sdelay $0x4  }
0x10f: {  	[tilespmem:s19+$0x10] =	vst v4  }
0x110: {  	v4 =	vld [tilespmem:s6+$0x1C50];
	_ =	sdelay $0x4  }
0x111: {  	[tilespmem:s19+$0x20] =	vst v4  }
0x112: {  	v5 =	vld.msk [tilespmem:s6+$0x1C60], $0xff;
	_ =	sdelay $0x4  }
0x113: {  	s15 =	sadd.s32 s5, s15;
	v4 =	vperm.xlane v4, v3;
	v5 =	vperm.xlane v5, v3  }
0x114: {  	s6 =	smul.u32 $0x1C00, s15  }
0x115: {  	v4 =	vsel vm2, v4, v5  }
0x116: {  	s15 =	sadd.s32 s4, s6;
	[tilespmem:s19+$0x28] =	vst v4  }
0x117: {  	[hbm4b:s15+s3] =	stream.linear.scatter [tilespmem:s16], [sflag:$0x2], $0x1C00, $0x38;
	[tilespmem:$0x1F000] =	vst v63  }
0x118: {  	s17 =	sadd.s32 $0x400, s15;
	s16 =	sadd.s32 $0x3000, s13  }
0x119: {  	[hbm4b:s17+s3] =	stream.linear.scatter [tilespmem:s16], [sflag:$0x2], $0x1C00, $0x38;
	[tilespmem:$0x1F000] =	vst v63  }
0x11a: {  	s18 =	sadd.s32 $0x5000, s13;
	s19 =	sadd.s32 $0x800, s15  }
0x11b: {  	[hbm4b:s19+s3] =	stream.linear.scatter [tilespmem:s18], [sflag:$0x2], $0x1C00, $0x38;
	[tilespmem:$0x1F000] =	vst v63  }
0x11c: {  	s16 =	sadd.s32 $0x7000, s13;
	s17 =	sadd.s32 $0xC00, s15  }
0x11d: {  	[hbm4b:s17+s3] =	stream.linear.scatter [tilespmem:s16], [sflag:$0x2], $0x1C00, $0x38;
	[tilespmem:$0x1F000] =	vst v63  }
0x11e: {  	s18 =	sadd.s32 $0x9000, s13;
	s19 =	sadd.s32 $0x1000, s15  }
0x11f: {  	[hbm4b:s19+s3] =	stream.linear.scatter [tilespmem:s18], [sflag:$0x2], $0x1C00, $0x38;
	[tilespmem:$0x1F000] =	vst v63  }
0x120: {  	s10 =	sadd.s32 $0xB000, s13;
	s16 =	sadd.s32 $0x1400, s15  }
0x121: {  	[hbm4b:s16+s3] =	stream.linear.scatter [tilespmem:s10], [sflag:$0x2], $0x1C00, $0x38;
	[tilespmem:$0x1F000] =	vst v63  }
0x122: {  	s17 =	sadd.s32 $0x380, s15  }
0x123: {  	[hbm4b:s17+s21] =	stream.strided.scatter [tilespmem:s22], [sflag:$0x2], $0x1800, s14, s21, $0x38;
	[tilespmem:$0x1F000] =	vst v63  }
0x124: {  	v4 =	vld [tilespmem:s13+$0xD000];
	_ =	sdelay $0x4  }
0x125: {  	[tilespmem:$0x1E800] =	vst v4  }
0x126: {  	v4 =	vld [tilespmem:s13+$0xD010];
	_ =	sdelay $0x4  }
0x127: {  	[tilespmem:$0x1E810] =	vst v4  }
0x128: {  	v4 =	vld [tilespmem:s13+$0xD020];
	_ =	sdelay $0x4  }
0x129: {  	[tilespmem:$0x1E820] =	vst v4  }
0x12a: {  	v4 =	vld [tilespmem:s13+$0xD030];
	_ =	sdelay $0x4  }
0x12b: {  	[tilespmem:$0x1E830] =	vst v4  }
0x12c: {  	v4 =	vld [tilespmem:s13+$0xD040];
	_ =	sdelay $0x4  }
0x12d: {  	[tilespmem:$0x1E840] =	vst v4  }
0x12e: {  	v4 =	vld [tilespmem:s13+$0xD050];
	_ =	sdelay $0x4  }
0x12f: {  	[tilespmem:$0x1E850] =	vst v4  }
0x130: {  	v4 =	vld [tilespmem:s13+$0xD060];
	_ =	sdelay $0x4  }
0x131: {  	[tilespmem:$0x1E860] =	vst v4  }
0x132: {  	v4 =	vld [tilespmem:s13+$0xD070];
	_ =	sdelay $0x4  }
0x133: {  	[tilespmem:$0x1E870] =	vst v4  }
0x134: {  	v4 =	vld [tilespmem:s13+$0xD080];
	_ =	sdelay $0x4  }
0x135: {  	[tilespmem:$0x1E880] =	vst v4  }
0x136: {  	v4 =	vld [tilespmem:s13+$0xD090];
	_ =	sdelay $0x4  }
0x137: {  	[tilespmem:$0x1E890] =	vst v4  }
0x138: {  	v4 =	vld [tilespmem:s13+$0xD0A0];
	_ =	sdelay $0x4  }
0x139: {  	[tilespmem:$0x1E8A0] =	vst v4  }
0x13a: {  	v4 =	vld [tilespmem:s13+$0xD0B0];
	_ =	sdelay $0x4  }
0x13b: {  	[tilespmem:$0x1E8B0] =	vst v4  }
0x13c: {  	v4 =	vld [tilespmem:s13+$0xD0C0];
	_ =	sdelay $0x4  }
0x13d: {  	[tilespmem:$0x1E8C0] =	vst v4  }
0x13e: {  	v4 =	vld [tilespmem:s13+$0xD0D0];
	_ =	sdelay $0x4  }
0x13f: {  	[tilespmem:$0x1E8D0] =	vst v4  }
0x140: {  	v4 =	vld [tilespmem:s13+$0xD0E0];
	_ =	sdelay $0x4  }
0x141: {  	[tilespmem:$0x1E8E0] =	vst v4  }
0x142: {  	v4 =	vld [tilespmem:s13+$0xD0F0];
	_ =	sdelay $0x4  }
0x143: {  	[tilespmem:$0x1E8F0] =	vst v4  }
0x144: {  	v4 =	vld [tilespmem:s13+$0xD400];
	_ =	sdelay $0x4  }
0x145: {  	[tilespmem:$0x1E900] =	vst v4  }
0x146: {  	v4 =	vld [tilespmem:s13+$0xD410];
	_ =	sdelay $0x4  }
0x147: {  	[tilespmem:$0x1E910] =	vst v4  }
0x148: {  	v4 =	vld [tilespmem:s13+$0xD420];
	_ =	sdelay $0x4  }
0x149: {  	[tilespmem:$0x1E920] =	vst v4  }
0x14a: {  	v4 =	vld [tilespmem:s13+$0xD430];
	_ =	sdelay $0x4  }
0x14b: {  	[tilespmem:$0x1E930] =	vst v4  }
0x14c: {  	v4 =	vld [tilespmem:s13+$0xD440];
	_ =	sdelay $0x4  }
0x14d: {  	[tilespmem:$0x1E940] =	vst v4  }
0x14e: {  	v4 =	vld [tilespmem:s13+$0xD450];
	_ =	sdelay $0x4  }
0x14f: {  	[tilespmem:$0x1E950] =	vst v4  }
0x150: {  	v4 =	vld [tilespmem:s13+$0xD460];
	_ =	sdelay $0x4  }
0x151: {  	[tilespmem:$0x1E960] =	vst v4  }
0x152: {  	v4 =	vld [tilespmem:s13+$0xD470];
	_ =	sdelay $0x4  }
0x153: {  	[tilespmem:$0x1E970] =	vst v4  }
0x154: {  	v4 =	vld [tilespmem:s13+$0xD480];
	_ =	sdelay $0x4  }
0x155: {  	[tilespmem:$0x1E980] =	vst v4  }
0x156: {  	v4 =	vld [tilespmem:s13+$0xD490];
	_ =	sdelay $0x4  }
0x157: {  	[tilespmem:$0x1E990] =	vst v4  }
0x158: {  	v4 =	vld [tilespmem:s13+$0xD4A0];
	_ =	sdelay $0x4  }
0x159: {  	[tilespmem:$0x1E9A0] =	vst v4  }
0x15a: {  	v4 =	vld [tilespmem:s13+$0xD4B0];
	_ =	sdelay $0x4  }
0x15b: {  	[tilespmem:$0x1E9B0] =	vst v4  }
0x15c: {  	v4 =	vld [tilespmem:s13+$0xD4C0];
	_ =	sdelay $0x4  }
0x15d: {  	[tilespmem:$0x1E9C0] =	vst v4  }
0x15e: {  	v4 =	vld [tilespmem:s13+$0xD4D0];
	_ =	sdelay $0x4  }
0x15f: {  	[tilespmem:$0x1E9D0] =	vst v4  }
0x160: {  	v4 =	vld [tilespmem:s13+$0xD4E0];
	_ =	sdelay $0x4  }
0x161: {  	[tilespmem:$0x1E9E0] =	vst v4  }
0x162: {  	v4 =	vld [tilespmem:s13+$0xD4F0];
	_ =	sdelay $0x4  }
0x163: {  	[tilespmem:$0x1E9F0] =	vst v4  }
0x164: {  	v4 =	vld [tilespmem:s13+$0xD800];
	_ =	sdelay $0x4  }
0x165: {  	[tilespmem:$0x1EA00] =	vst v4  }
0x166: {  	v4 =	vld [tilespmem:s13+$0xD810];
	_ =	sdelay $0x4  }
0x167: {  	[tilespmem:$0x1EA10] =	vst v4  }
0x168: {  	v4 =	vld [tilespmem:s13+$0xD820];
	_ =	sdelay $0x4  }
0x169: {  	[tilespmem:$0x1EA20] =	vst v4  }
0x16a: {  	v4 =	vld [tilespmem:s13+$0xD830];
	_ =	sdelay $0x4  }
0x16b: {  	[tilespmem:$0x1EA30] =	vst v4  }
0x16c: {  	v4 =	vld [tilespmem:s13+$0xD840];
	_ =	sdelay $0x4  }
0x16d: {  	[tilespmem:$0x1EA40] =	vst v4  }
0x16e: {  	v4 =	vld [tilespmem:s13+$0xD850];
	_ =	sdelay $0x4  }
0x16f: {  	[tilespmem:$0x1EA50] =	vst v4  }
0x170: {  	v4 =	vld [tilespmem:s13+$0xD860];
	_ =	sdelay $0x4  }
0x171: {  	[tilespmem:$0x1EA60] =	vst v4  }
0x172: {  	v4 =	vld [tilespmem:s13+$0xD870];
	_ =	sdelay $0x4  }
0x173: {  	[tilespmem:$0x1EA70] =	vst v4  }
0x174: {  	v4 =	vld [tilespmem:s13+$0xD880];
	_ =	sdelay $0x4  }
0x175: {  	[tilespmem:$0x1EA80] =	vst v4  }
0x176: {  	v4 =	vld [tilespmem:s13+$0xD890];
	_ =	sdelay $0x4  }
0x177: {  	[tilespmem:$0x1EA90] =	vst v4  }
0x178: {  	v4 =	vld [tilespmem:s13+$0xD8A0];
	_ =	sdelay $0x4  }
0x179: {  	[tilespmem:$0x1EAA0] =	vst v4  }
0x17a: {  	v4 =	vld [tilespmem:s13+$0xD8B0];
	_ =	sdelay $0x4  }
0x17b: {  	[tilespmem:$0x1EAB0] =	vst v4  }
0x17c: {  	v4 =	vld [tilespmem:s13+$0xD8C0];
	_ =	sdelay $0x4  }
0x17d: {  	[tilespmem:$0x1EAC0] =	vst v4  }
0x17e: {  	v4 =	vld [tilespmem:s13+$0xD8D0];
	_ =	sdelay $0x4  }
0x17f: {  	[tilespmem:$0x1EAD0] =	vst v4  }
0x180: {  	v4 =	vld [tilespmem:s13+$0xD8E0];
	_ =	sdelay $0x4  }
0x181: {  	[tilespmem:$0x1EAE0] =	vst v4  }
0x182: {  	v4 =	vld [tilespmem:s13+$0xD8F0];
	_ =	sdelay $0x4  }
0x183: {  	[tilespmem:$0x1EAF0] =	vst v4  }
0x184: {  	v4 =	vld [tilespmem:s13+$0xDC00];
	_ =	sdelay $0x4  }
0x185: {  	[tilespmem:$0x1EB00] =	vst v4  }
0x186: {  	v4 =	vld [tilespmem:s13+$0xDC10];
	_ =	sdelay $0x4  }
0x187: {  	[tilespmem:$0x1EB10] =	vst v4  }
0x188: {  	v4 =	vld [tilespmem:s13+$0xDC20];
	_ =	sdelay $0x4  }
0x189: {  	[tilespmem:$0x1EB20] =	vst v4  }
0x18a: {  	v4 =	vld [tilespmem:s13+$0xDC30];
	_ =	sdelay $0x4  }
0x18b: {  	[tilespmem:$0x1EB30] =	vst v4  }
0x18c: {  	v4 =	vld [tilespmem:s13+$0xDC40];
	_ =	sdelay $0x4  }
0x18d: {  	[tilespmem:$0x1EB40] =	vst v4  }
0x18e: {  	v4 =	vld [tilespmem:s13+$0xDC50];
	_ =	sdelay $0x4  }
0x18f: {  	[tilespmem:$0x1EB50] =	vst v4  }
0x190: {  	v4 =	vld [tilespmem:s13+$0xDC60];
	_ =	sdelay $0x4  }
0x191: {  	[tilespmem:$0x1EB60] =	vst v4  }
0x192: {  	v4 =	vld [tilespmem:s13+$0xDC70];
	_ =	sdelay $0x4  }
0x193: {  	[tilespmem:$0x1EB70] =	vst v4  }
0x194: {  	v4 =	vld [tilespmem:s13+$0xDC80];
	_ =	sdelay $0x4  }
0x195: {  	[tilespmem:$0x1EB80] =	vst v4  }
0x196: {  	v4 =	vld [tilespmem:s13+$0xDC90];
	_ =	sdelay $0x4  }
0x197: {  	[tilespmem:$0x1EB90] =	vst v4  }
0x198: {  	v4 =	vld [tilespmem:s13+$0xDCA0];
	_ =	sdelay $0x4  }
0x199: {  	[tilespmem:$0x1EBA0] =	vst v4  }
0x19a: {  	v4 =	vld [tilespmem:s13+$0xDCB0];
	_ =	sdelay $0x4  }
0x19b: {  	[tilespmem:$0x1EBB0] =	vst v4  }
0x19c: {  	v4 =	vld [tilespmem:s13+$0xDCC0];
	_ =	sdelay $0x4  }
0x19d: {  	[tilespmem:$0x1EBC0] =	vst v4  }
0x19e: {  	v4 =	vld [tilespmem:s13+$0xDCD0];
	_ =	sdelay $0x4  }
0x19f: {  	[tilespmem:$0x1EBD0] =	vst v4  }
0x1a0: {  	v4 =	vld [tilespmem:s13+$0xDCE0];
	_ =	sdelay $0x4  }
0x1a1: {  	[tilespmem:$0x1EBE0] =	vst v4  }
0x1a2: {  	v4 =	vld [tilespmem:s13+$0xDCF0];
	_ =	sdelay $0x4  }
0x1a3: {  	[tilespmem:$0x1EBF0] =	vst v4  }
0x1a4: {  	v4 =	vld [tilespmem:s13+$0xE000];
	_ =	sdelay $0x4  }
0x1a5: {  	[tilespmem:$0x1EC00] =	vst v4  }
0x1a6: {  	v4 =	vld [tilespmem:s13+$0xE010];
	_ =	sdelay $0x4  }
0x1a7: {  	[tilespmem:$0x1EC10] =	vst v4  }
0x1a8: {  	v4 =	vld [tilespmem:s13+$0xE020];
	_ =	sdelay $0x4  }
0x1a9: {  	[tilespmem:$0x1EC20] =	vst v4  }
0x1aa: {  	v4 =	vld [tilespmem:s13+$0xE030];
	_ =	sdelay $0x4  }
0x1ab: {  	[tilespmem:$0x1EC30] =	vst v4  }
0x1ac: {  	v4 =	vld [tilespmem:s13+$0xE040];
	_ =	sdelay $0x4  }
0x1ad: {  	[tilespmem:$0x1EC40] =	vst v4  }
0x1ae: {  	v4 =	vld [tilespmem:s13+$0xE050];
	_ =	sdelay $0x4  }
0x1af: {  	[tilespmem:$0x1EC50] =	vst v4  }
0x1b0: {  	v4 =	vld [tilespmem:s13+$0xE060];
	_ =	sdelay $0x4  }
0x1b1: {  	[tilespmem:$0x1EC60] =	vst v4  }
0x1b2: {  	v4 =	vld [tilespmem:s13+$0xE070];
	_ =	sdelay $0x4  }
0x1b3: {  	[tilespmem:$0x1EC70] =	vst v4  }
0x1b4: {  	v4 =	vld [tilespmem:s13+$0xE080];
	_ =	sdelay $0x4  }
0x1b5: {  	[tilespmem:$0x1EC80] =	vst v4  }
0x1b6: {  	v4 =	vld [tilespmem:s13+$0xE090];
	_ =	sdelay $0x4  }
0x1b7: {  	[tilespmem:$0x1EC90] =	vst v4  }
0x1b8: {  	v4 =	vld [tilespmem:s13+$0xE0A0];
	_ =	sdelay $0x4  }
0x1b9: {  	[tilespmem:$0x1ECA0] =	vst v4  }
0x1ba: {  	v4 =	vld [tilespmem:s13+$0xE0B0];
	_ =	sdelay $0x4  }
0x1bb: {  	[tilespmem:$0x1ECB0] =	vst v4  }
0x1bc: {  	v4 =	vld [tilespmem:s13+$0xE0C0];
	_ =	sdelay $0x4  }
0x1bd: {  	[tilespmem:$0x1ECC0] =	vst v4  }
0x1be: {  	v4 =	vld [tilespmem:s13+$0xE0D0];
	_ =	sdelay $0x4  }
0x1bf: {  	[tilespmem:$0x1ECD0] =	vst v4  }
0x1c0: {  	v4 =	vld [tilespmem:s13+$0xE0E0];
	_ =	sdelay $0x4  }
0x1c1: {  	[tilespmem:$0x1ECE0] =	vst v4  }
0x1c2: {  	v4 =	vld [tilespmem:s13+$0xE0F0];
	_ =	sdelay $0x4  }
0x1c3: {  	[tilespmem:$0x1ECF0] =	vst v4  }
0x1c4: {  	v4 =	vld [tilespmem:s13+$0xE400];
	_ =	sdelay $0x4  }
0x1c5: {  	[tilespmem:$0x1ED00] =	vst v4  }
0x1c6: {  	v4 =	vld [tilespmem:s13+$0xE410];
	_ =	sdelay $0x4  }
0x1c7: {  	[tilespmem:$0x1ED10] =	vst v4  }
0x1c8: {  	v4 =	vld [tilespmem:s13+$0xE420];
	_ =	sdelay $0x4  }
0x1c9: {  	[tilespmem:$0x1ED20] =	vst v4  }
0x1ca: {  	v4 =	vld [tilespmem:s13+$0xE430];
	_ =	sdelay $0x4  }
0x1cb: {  	[tilespmem:$0x1ED30] =	vst v4  }
0x1cc: {  	v4 =	vld [tilespmem:s13+$0xE440];
	_ =	sdelay $0x4  }
0x1cd: {  	[tilespmem:$0x1ED40] =	vst v4  }
0x1ce: {  	v4 =	vld [tilespmem:s13+$0xE450];
	_ =	sdelay $0x4  }
0x1cf: {  	[tilespmem:$0x1ED50] =	vst v4  }
0x1d0: {  	v4 =	vld [tilespmem:s13+$0xE460];
	_ =	sdelay $0x4  }
0x1d1: {  	[tilespmem:$0x1ED60] =	vst v4  }
0x1d2: {  	v4 =	vld [tilespmem:s13+$0xE470];
	_ =	sdelay $0x4  }
0x1d3: {  	[tilespmem:$0x1ED70] =	vst v4  }
0x1d4: {  	v4 =	vld [tilespmem:s13+$0xE480];
	_ =	sdelay $0x4  }
0x1d5: {  	[tilespmem:$0x1ED80] =	vst v4  }
0x1d6: {  	v4 =	vld [tilespmem:s13+$0xE490];
	_ =	sdelay $0x4  }
0x1d7: {  	[tilespmem:$0x1ED90] =	vst v4  }
0x1d8: {  	v4 =	vld [tilespmem:s13+$0xE4A0];
	_ =	sdelay $0x4  }
0x1d9: {  	[tilespmem:$0x1EDA0] =	vst v4  }
0x1da: {  	v4 =	vld [tilespmem:s13+$0xE4B0];
	_ =	sdelay $0x4  }
0x1db: {  	[tilespmem:$0x1EDB0] =	vst v4  }
0x1dc: {  	v4 =	vld [tilespmem:s13+$0xE4C0];
	_ =	sdelay $0x4  }
0x1dd: {  	[tilespmem:$0x1EDC0] =	vst v4  }
0x1de: {  	v4 =	vld [tilespmem:s13+$0xE4D0];
	_ =	sdelay $0x4  }
0x1df: {  	[tilespmem:$0x1EDD0] =	vst v4  }
0x1e0: {  	v4 =	vld [tilespmem:s13+$0xE4E0];
	_ =	sdelay $0x4  }
0x1e1: {  	[tilespmem:$0x1EDE0] =	vst v4  }
0x1e2: {  	v4 =	vld [tilespmem:s13+$0xE4F0];
	_ =	sdelay $0x4  }
0x1e3: {  	[tilespmem:$0x1EDF0] =	vst v4  }
0x1e4: {  	v4 =	vld [tilespmem:s13+$0xE800];
	_ =	sdelay $0x4  }
0x1e5: {  	[tilespmem:$0x1EE00] =	vst v4  }
0x1e6: {  	v4 =	vld [tilespmem:s13+$0xE810];
	_ =	sdelay $0x4  }
0x1e7: {  	[tilespmem:$0x1EE10] =	vst v4  }
0x1e8: {  	v4 =	vld [tilespmem:s13+$0xE820];
	_ =	sdelay $0x4  }
0x1e9: {  	[tilespmem:$0x1EE20] =	vst v4  }
0x1ea: {  	v4 =	vld [tilespmem:s13+$0xE830];
	_ =	sdelay $0x4  }
0x1eb: {  	[tilespmem:$0x1EE30] =	vst v4  }
0x1ec: {  	v4 =	vld [tilespmem:s13+$0xE840];
	_ =	sdelay $0x4  }
0x1ed: {  	[tilespmem:$0x1EE40] =	vst v4  }
0x1ee: {  	v4 =	vld [tilespmem:s13+$0xE850];
	_ =	sdelay $0x4  }
0x1ef: {  	[tilespmem:$0x1EE50] =	vst v4  }
0x1f0: {  	v4 =	vld [tilespmem:s13+$0xE860];
	_ =	sdelay $0x4  }
0x1f1: {  	[tilespmem:$0x1EE60] =	vst v4  }
0x1f2: {  	v4 =	vld [tilespmem:s13+$0xE870];
	_ =	sdelay $0x4  }
0x1f3: {  	[tilespmem:$0x1EE70] =	vst v4  }
0x1f4: {  	v4 =	vld [tilespmem:s13+$0xE880];
	_ =	sdelay $0x4  }
0x1f5: {  	[tilespmem:$0x1EE80] =	vst v4  }
0x1f6: {  	v4 =	vld [tilespmem:s13+$0xE890];
	_ =	sdelay $0x4  }
0x1f7: {  	[tilespmem:$0x1EE90] =	vst v4  }
0x1f8: {  	v4 =	vld [tilespmem:s13+$0xE8A0];
	_ =	sdelay $0x4  }
0x1f9: {  	[tilespmem:$0x1EEA0] =	vst v4  }
0x1fa: {  	v4 =	vld [tilespmem:s13+$0xE8B0];
	_ =	sdelay $0x4  }
0x1fb: {  	[tilespmem:$0x1EEB0] =	vst v4  }
0x1fc: {  	v4 =	vld [tilespmem:s13+$0xE8C0];
	_ =	sdelay $0x4  }
0x1fd: {  	[tilespmem:$0x1EEC0] =	vst v4  }
0x1fe: {  	v4 =	vld [tilespmem:s13+$0xE8D0];
	_ =	sdelay $0x4  }
0x1ff: {  	[tilespmem:$0x1EED0] =	vst v4  }
0x200: {  	v4 =	vld [tilespmem:s13+$0xE8E0];
	_ =	sdelay $0x4  }
0x201: {  	[tilespmem:$0x1EEE0] =	vst v4  }
0x202: {  	v4 =	vld [tilespmem:s13+$0xE8F0];
	_ =	sdelay $0x4  }
0x203: {  	[tilespmem:$0x1EEF0] =	vst v4  }
0x204: {  	v4 =	vld [tilespmem:s13+$0xEC00];
	_ =	sdelay $0x4  }
0x205: {  	[tilespmem:$0x1EF00] =	vst v4  }
0x206: {  	v4 =	vld [tilespmem:s13+$0xEC10];
	_ =	sdelay $0x4  }
0x207: {  	[tilespmem:$0x1EF10] =	vst v4  }
0x208: {  	v4 =	vld [tilespmem:s13+$0xEC20];
	_ =	sdelay $0x4  }
0x209: {  	[tilespmem:$0x1EF20] =	vst v4  }
0x20a: {  	v4 =	vld [tilespmem:s13+$0xEC30];
	_ =	sdelay $0x4  }
0x20b: {  	[tilespmem:$0x1EF30] =	vst v4  }
0x20c: {  	v4 =	vld [tilespmem:s13+$0xEC40];
	_ =	sdelay $0x4  }
0x20d: {  	[tilespmem:$0x1EF40] =	vst v4  }
0x20e: {  	v4 =	vld [tilespmem:s13+$0xEC50];
	_ =	sdelay $0x4  }
0x20f: {  	[tilespmem:$0x1EF50] =	vst v4  }
0x210: {  	v5 =	vld.msk [tilespmem:s13+$0xEC60], $0xff;
	_ =	sdelay $0x4  }
0x211: {  	v4 =	vperm.xlane v4, v3;
	v5 =	vperm.xlane v5, v3;
	_ =	sdelay $0x1  }
0x212: {  	v4 =	vsel vm2, v4, v5  }
0x213: {  	[tilespmem:$0x1EF58] =	vst v4  }
0x214: {  	v4 =	vld [tilespmem:s13+$0xEC80];
	_ =	sdelay $0x4  }
0x215: {  	[tilespmem:$0x1EF80] =	vst v4  }
0x216: {  	v4 =	vld [tilespmem:s13+$0xEC90];
	_ =	sdelay $0x4  }
0x217: {  	[tilespmem:$0x1EF90] =	vst v4  }
0x218: {  	v4 =	vld [tilespmem:s13+$0xECA0];
	_ =	sdelay $0x4  }
0x219: {  	[tilespmem:$0x1EFA0] =	vst v4  }
0x21a: {  	v4 =	vld [tilespmem:s13+$0xECB0];
	_ =	sdelay $0x4  }
0x21b: {  	[tilespmem:$0x1EFB0] =	vst v4  }
0x21c: {  	v4 =	vld [tilespmem:s13+$0xECC0];
	_ =	sdelay $0x4  }
0x21d: {  	[tilespmem:$0x1EFC0] =	vst v4  }
0x21e: {  	v4 =	vld [tilespmem:s13+$0xECD0];
	_ =	sdelay $0x4  }
0x21f: {  	[tilespmem:$0x1EFD0] =	vst v4  }
0x220: {  	v5 =	vld.msk [tilespmem:s13+$0xECE0], $0xff;
	_ =	sdelay $0x4  }
0x221: {  	v4 =	vperm.xlane v4, v3;
	v5 =	vperm.xlane v5, v3;
	_ =	sdelay $0x1  }
0x222: {  	v4 =	vsel vm2, v4, v5  }
0x223: {  	s18 =	sadd.s32 $0x1800, s15;
	[tilespmem:$0x1EFD8] =	vst v4  }
0x224: {  	[hbm4b:s18+s21] =	stream.strided.scatter [tilespmem:s23], [sflag:$0x2], $0x0, s14, s21, $0x38;
	[tilespmem:$0x1F000] =	vst v63  }
0x225: {  	_ = 	snop  }
0x226: {  	[hbm4b:s18+s3] =	stream.linear.scatter [tilespmem:s23], [sflag:$0x2], $0x100, $0x38;
	[tilespmem:$0x1F000] =	vst v63  }
0x227: {  	s19 =	sadd.s32 $0x1880, s15  }
0x228: {  	[hbm4b:s19+s21] =	stream.strided.scatter [tilespmem:s24], [sflag:$0x2], $0x0, s14, s21, $0x38;
	[tilespmem:$0x1F000] =	vst v63  }
0x229: {  	_ = 	snop  }
0x22a: {  	[hbm4b:s19+s3] =	stream.linear.scatter [tilespmem:s24], [sflag:$0x2], $0x100, $0x38;
	[tilespmem:$0x1F000] =	vst v63  }
0x22b: {  	s10 =	sadd.s32 $0x1900, s15  }
0x22c: {  	[hbm4b:s10+s21] =	stream.strided.scatter [tilespmem:s25], [sflag:$0x2], $0x0, s14, s21, $0x38;
	[tilespmem:$0x1F000] =	vst v63  }
0x22d: {  	_ = 	snop  }
0x22e: {  	[hbm4b:s10+s3] =	stream.linear.scatter [tilespmem:s25], [sflag:$0x2], $0x100, $0x38;
	[tilespmem:$0x1F000] =	vst v63  }
0x22f: {  	s13 =	sadd.s32 $0x1980, s15  }
0x230: {  	[hbm4b:s13+s21] =	stream.strided.scatter [tilespmem:s26], [sflag:$0x2], $0x0, s14, s21, $0x38;
	[tilespmem:$0x1F000] =	vst v63  }
0x231: {  	_ = 	snop  }
0x232: {  	[hbm4b:s13+s3] =	stream.linear.scatter [tilespmem:s26], [sflag:$0x2], $0x100, $0x38;
	[tilespmem:$0x1F000] =	vst v63  }
0x233: {  	s16 =	sadd.s32 $0x1A00, s15  }
0x234: {  	[hbm4b:s16+s21] =	stream.strided.scatter [tilespmem:s28], [sflag:$0x2], $0x0, s14, s21, $0x38;
	[tilespmem:$0x1F000] =	vst v63  }
0x235: {  	_ = 	snop  }
0x236: {  	[hbm4b:s16+s3] =	stream.linear.scatter [tilespmem:s28], [sflag:$0x2], $0x100, $0x38;
	[tilespmem:$0x1F000] =	vst v63  }
0x237: {  	s17 =	sadd.s32 $0x1A80, s15  }
0x238: {  	[hbm4b:s17+s21] =	stream.strided.scatter [tilespmem:s29], [sflag:$0x2], $0x0, s14, s21, $0x38;
	[tilespmem:$0x1F000] =	vst v63  }
0x239: {  	_ = 	snop  }
0x23a: {  	[hbm4b:s17+s3] =	stream.linear.scatter [tilespmem:s29], [sflag:$0x2], $0x100, $0x38;
	[tilespmem:$0x1F000] =	vst v63  }
0x23b: {  	s18 =	sadd.s32 $0x1B00, s15  }
0x23c: {  	[hbm4b:s18+s21] =	stream.strided.scatter [tilespmem:s30], [sflag:$0x2], $0x0, s14, s21, $0x38;
	[tilespmem:$0x1F000] =	vst v63  }
0x23d: {  	p0 =	sne.s32 s12, $0x20  }
0x23e: {  	[hbm4b:s18+s3] =	stream.linear.scatter [tilespmem:s30], [sflag:$0x2], $0x100, $0x38;
	[tilespmem:$0x1F000] =	vst v63  }
.Ltmp2:
0x23f: {  	_ = 	snop;
	(pc) =	sbr.rel @p0 .LBB2_2-.Ltmp2, $4  }
0x240: {  	s19 =	sadd.s32 $0x1B80, s15  }
0x241: {  	[hbm4b:s19+s21] =	stream.strided.scatter [tilespmem:s31], [sflag:$0x2], $0x0, s14, s21, $0x38;
	[tilespmem:$0x1F000] =	vst v63  }
0x242: {  	s15 =	smov.u32 s12  }
0x243: {  	[hbm4b:s19+s3] =	stream.linear.scatter [tilespmem:s31], [sflag:$0x2], $0x100, $0x38;
	[tilespmem:$0x1F000] =	vst v63  }
0x244: {  	_ =	swait.ge [sflag:s0], $0xA800  }
0x245: {  	[sflag:s0] =	ssyncset.done $0x0  }
0x246: {  	[sflag:s0] =	ssyncadd.s32 $0xFFFF5800  }
0x247: {  	_ =	swait.ge [sflag:s0], $0x1800  }
0x248: {  	[sflag:s0] =	ssyncset.done $0x0  }
0x249: {  	[sflag:s0] =	ssyncadd.s32 $0xFFFFE800  }
0x24a: {  	_ =	swait.ge [sflag:s0], $0x100  }
0x24b: {  	[sflag:s0] =	ssyncset.done $0x0  }
0x24c: {  	[sflag:s0] =	ssyncadd.s32 $0xFFFFFF00  }
0x24d: {  	_ =	swait.ge [sflag:s0], $0x100  }
0x24e: {  	[sflag:s0] =	ssyncset.done $0x0  }
0x24f: {  	[sflag:s0] =	ssyncadd.s32 $0xFFFFFF00  }
0x250: {  	_ =	swait.ge [sflag:s0], $0x100  }
0x251: {  	[sflag:s0] =	ssyncset.done $0x0  }
0x252: {  	[sflag:s0] =	ssyncadd.s32 $0xFFFFFF00  }
0x253: {  	_ =	swait.ge [sflag:s0], $0x100  }
0x254: {  	[sflag:s0] =	ssyncset.done $0x0  }
0x255: {  	[sflag:s0] =	ssyncadd.s32 $0xFFFFFF00  }
0x256: {  	_ =	swait.ge [sflag:s0], $0x100  }
0x257: {  	[sflag:s0] =	ssyncset.done $0x0  }
0x258: {  	[sflag:s0] =	ssyncadd.s32 $0xFFFFFF00  }
0x259: {  	_ =	swait.ge [sflag:s0], $0x100  }
0x25a: {  	[sflag:s0] =	ssyncset.done $0x0  }
0x25b: {  	[sflag:s0] =	ssyncadd.s32 $0xFFFFFF00  }
0x25c: {  	_ =	swait.ge [sflag:s0], $0x100  }
0x25d: {  	[sflag:s0] =	ssyncset.done $0x0  }
0x25e: {  	[sflag:s0] =	ssyncadd.s32 $0xFFFFFF00  }
0x25f: {  	_ =	swait.ge [sflag:s0], $0x100  }
0x260: {  	s1 =	sadd.s32 $0x1, s1;
	s6 =	rddreg [dreg:$0x4]  }
0x261: {  	p0 =	sne.s32 s1, s6  }
.Ltmp3:
0x262: {  	_ = 	snop;
	(pc) =	sbr.rel @p0 .LBB2_1-.Ltmp3, $3  }
0x263: {  	_ =	sdelay $0x1  }
0x264: {  	[sflag:s0] =	ssyncset.done $0x0  }
0x265: {  	[sflag:s0] =	ssyncadd.s32 $0xFFFFFF00  }
0x266: {  	_ =	sfence.sel $0x180000  }
0x267: {  	[bflag:$0x0] =	sbarrier.arrive $0xFFFF  }
0x268: {  	_ =	strace $0x90000047  }
0x269: {  	s0 =	stileid.u32;
	[bflag:$0x2] =	sbarrier.arrive $0xFFFF  }
0x26a: {  	p0 =	sne.s32 s0, $0x0;
	s0 =	rddreg [dreg:$0x2]  }
0x26b: {  	s0 =	sadd.s32 @!p0 $0x100000, s0  }
0x26c: {  	[sflag:s0] =	ssyncadd.tile.s32 @!p0 $0x1;
	_ =	shalt  }
.Lfunc_end2:
_tile_overlayer_lowered:
.L_overlay_start_2:
0x26d: {  	(tag) =	ssettag $0x2  }
0x26e: {  	s0 =	rddreg [dreg:$0x0];
	s2 =	stileid.u32  }
0x26f: {  	s1 =	rddreg [dreg:$0x1];
	p0 =	sne.s32 s2, $0x0  }
0x270: {  	s3 =	rddreg [dreg:$0x2];
	[bflag:$0x3] =	sbarrier.arrive $0xFFFF;
	s2 =	simm.s32 @!p0 $0x1C03  }
0x271: {  	[timem:s3], [sflag:s2] =	dma.local @!p0 [hbm:s0], s1  }
0x272: {  	s0 =	simm.s32 @!p0 $0x3  }
0x273: {  	_ =	swait.ge @!p0 [sflag:s0], s1  }
0x274: {  	s1 =	ssub.s32 @!p0 $0x0, s1;
	[sflag:s0] =	ssyncset.done @!p0 $0x0  }
0x275: {  	[sflag:s0] =	ssyncadd.s32 @!p0 s1  }
0x276: {  	[bflag:$0x3] =	sbarrier.arrive $0xFFFF  }
0x277: {  	_ =	shalt  }

</sc_bundles>
